<compile_context>
chip_gen: v7x
topology: tpu7x:2x2x1
jax: 0.10.2.dev20260603
libtpu: 0.0.44.dev20260713+nightly
codegen_flags: <defaults>
</compile_context>

<pallas_src>
import functools

import jax
import jax.numpy as jnp
from jax import lax
from jax.experimental import pallas as pl
from jax.experimental.pallas import tpu as pltpu
from jax.experimental.pallas import tpu_sc as plsc

D_SIZES = (128, 256, 128, 512)
D_OFFS = (0, 128, 384, 512)
D_SUM = 1024
N_OUT = 1024
B_TOK = 16 * 2048

PACKED = (False, True, False, True)
G_WIDTH = (128, 128, 128, 256)
G_DTYPE = (jnp.float32, jnp.int32, jnp.float32, jnp.int32)

NUM_CORES = 2
NUM_SUBCORES = 16
NUM_WORKERS = NUM_CORES * NUM_SUBCORES

N_SLICES = 2
H_TOK = B_TOK // N_SLICES
TOK_PER_W = H_TOK // NUM_WORKERS
CHUNK = min(128, TOK_PER_W)

BLK = 1024

def _sc_gather(xr, tp0, tp1, tp2, tp3, sbase):
    mesh = plsc.VectorSubcoreMesh(core_axis_name="c", subcore_axis_name="s")
    out_type = tuple(
        jax.ShapeDtypeStruct((H_TOK, w), dt)
        for w, dt in zip(G_WIDTH, G_DTYPE)
    )
    scratch = (
        [pltpu.VMEM((4, TOK_PER_W), jnp.int32)]
        + [pltpu.VMEM((CHUNK, G_WIDTH[i]), G_DTYPE[i]) for i in range(3)]
        + [pltpu.VMEM((CHUNK, G_WIDTH[3]), G_DTYPE[3]) for _ in range(2)]
        + [pltpu.SemaphoreType.DMA, pltpu.SemaphoreType.DMA]
    )

    @functools.partial(
        pl.kernel, mesh=mesh, out_type=out_type, scratch_types=scratch
    )
    def k(x_hbm, t0_hbm, t1_hbm, t2_hbm, t3_hbm, g0, g1, g2, g3,
          idx2, r0, r1, r2, r3a, r3b, sem_g, sem_w):
        wid = lax.axis_index("s") * NUM_CORES + lax.axis_index("c")
        base = wid * TOK_PER_W
        tabs = (t0_hbm, t1_hbm, t2_hbm, t3_hbm)
        gouts = (g0, g1, g2, g3)
        pltpu.sync_copy(
            x_hbm.at[:, pl.ds(sbase + base, TOK_PER_W)], idx2
        )

        def bufof(i, c):
            if i == 3:
                return (r3a, r3b)[c % 2]
            return (r0, r1, r2)[i]

        jobs = []
        nch = TOK_PER_W // CHUNK
        for c in range(nch):
            for i in range(4):
                jobs.append((i, c))

        fifo = []
        prev = None
        for i, c in jobs:
            buf = bufof(i, c)
            if any(b is buf for _, b in fifo):
                while True:
                    h, b = fifo.pop(0)
                    h.wait()
                    if b is buf:
                        break
            gh = pltpu.async_copy(
                tabs[i].at[idx2.at[i, pl.ds(c * CHUNK, CHUNK)]],
                buf, sem_g,
            )
            if prev is not None:
                pgh, pi, pc, pbuf = prev
                pgh.wait()
                wh = pltpu.async_copy(
                    pbuf,
                    gouts[pi].at[pl.ds(base + pc * CHUNK, CHUNK)],
                    sem_w,
                )
                fifo.append((wh, pbuf))
            prev = (gh, i, c, buf)
        pgh, pi, pc, pbuf = prev
        pgh.wait()
        wh = pltpu.async_copy(
            pbuf, gouts[pi].at[pl.ds(base + pc * CHUNK, CHUNK)],
            sem_w,
        )
        fifo.append((wh, pbuf))
        for h, _ in fifo:
            h.wait()

    return k(xr, tp0, tp1, tp2, tp3)


def _matmul_body(g0, g1, g2, g3, w, bb, o):
    blocks = (g0, g1, g2, g3)
    acc = bb[...].astype(jnp.float32)
    roff = 0
    for i in range(4):
        x = blocks[i][...]
        if PACKED[i]:
            lo = lax.bitcast_convert_type(
                jnp.left_shift(x, 16), jnp.float32
            ).astype(jnp.bfloat16)
            hi = lax.bitcast_convert_type(
                jnp.bitwise_and(x, jnp.int32(-65536)), jnp.float32
            ).astype(jnp.bfloat16)
            half = G_WIDTH[i]
            acc = acc + jnp.dot(
                lo, w[roff:roff + half, :],
                preferred_element_type=jnp.float32,
            )
            acc = acc + jnp.dot(
                hi, w[roff + half:roff + 2 * half, :],
                preferred_element_type=jnp.float32,
            )
            roff += 2 * half
        else:
            acc = acc + jnp.dot(
                x.astype(jnp.bfloat16), w[roff:roff + G_WIDTH[i], :],
                preferred_element_type=jnp.float32,
            )
            roff += G_WIDTH[i]
    o[...] = acc


def _tc_matmul_slice(acc, gs, W, b2, s):
    blk0 = s * H_TOK // BLK
    grid = (H_TOK // BLK,)
    in_specs = [
        pl.BlockSpec(memory_space=pl.ANY),
    ] + [
        pl.BlockSpec((BLK, w), lambda i: (i, 0)) for w in G_WIDTH
    ] + [
        pl.BlockSpec((D_SUM, N_OUT), lambda i: (0, 0)),
        pl.BlockSpec((1, N_OUT), lambda i: (0, 0)),
    ]
    out_specs = pl.BlockSpec((BLK, N_OUT), lambda i: (i + blk0, 0))

    def body(a, g0, g1, g2, g3, w, bb, o):
        del a
        _matmul_body(g0, g1, g2, g3, w, bb, o)

    return pl.pallas_call(
        body,
        grid=grid,
        in_specs=in_specs,
        out_specs=out_specs,
        out_shape=jax.ShapeDtypeStruct((B_TOK, N_OUT), jnp.float32),
        input_output_aliases={0: 0},
    )(acc, *gs, W, b2)


def _tc_matmul_first(gs, W, b2):
    grid = (H_TOK // BLK,)
    in_specs = [
        pl.BlockSpec((BLK, w), lambda i: (i, 0)) for w in G_WIDTH
    ] + [
        pl.BlockSpec((D_SUM, N_OUT), lambda i: (0, 0)),
        pl.BlockSpec((1, N_OUT), lambda i: (0, 0)),
    ]
    out_specs = pl.BlockSpec((BLK, N_OUT), lambda i: (i, 0))

    return pl.pallas_call(
        _matmul_body,
        grid=grid,
        in_specs=in_specs,
        out_specs=out_specs,
        out_shape=jax.ShapeDtypeStruct((B_TOK, N_OUT), jnp.float32),
    )(*gs, W, b2)


def _pack(t):
    rows, d = t.shape
    half = d // 2
    brow = 1000

    def body(tref, oref):
        a16 = lax.bitcast_convert_type(
            tref[:, :half].astype(jnp.bfloat16), jnp.uint16
        ).astype(jnp.uint32)
        b16 = lax.bitcast_convert_type(
            tref[:, half:].astype(jnp.bfloat16), jnp.uint16
        ).astype(jnp.uint32)
        oref[...] = lax.bitcast_convert_type(
            a16 | jnp.left_shift(b16, 16), jnp.int32
        )

    return pl.pallas_call(
        body,
        grid=(rows // brow,),
        in_specs=[pl.BlockSpec((brow, d), lambda i: (i, 0))],
        out_specs=pl.BlockSpec((brow, half), lambda i: (i, 0)),
        out_shape=jax.ShapeDtypeStruct((rows, half), jnp.int32),
    )(t)


def kernel(x, t0, t1, t2, t3, W, b):
    bsz, seq, _ = x.shape
    xr = jnp.transpose(x.reshape(-1, 4).astype(jnp.int32))
    Wr = W.astype(jnp.bfloat16)
    b2 = b.reshape(1, N_OUT)
    tps = (t0, _pack(t1), t2, _pack(t3))
    gs_slices = [
        _sc_gather(xr, *tps, s * H_TOK) for s in range(N_SLICES)
    ]
    out = _tc_matmul_first(gs_slices[0], Wr, b2)
    for s in range(1, N_SLICES):
        out = _tc_matmul_slice(out, gs_slices[s], Wr, b2, s)
    return out.reshape(bsz, seq, N_OUT)

# --- scband reference (transcript-rebuilt; emitter-appended) ---
"""Pipeline reference for scband-pooled-embedding-17489106829735 (READ-ONLY COPY).

The authoritative reference and input builder live on the scoring server;
editing this copy changes nothing except your own understanding.
"""

import jax, jax.numpy as jnp
import numpy as np

N_TOKENS = [10000, 10000, 10000, 10000]
EMB_SIZES = [128, 256, 128, 512]
D_MODEL = 1024

def setup_inputs(seed: int = 0) -> dict:
    key = jax.random.key(seed)
    ks = jax.random.split(key, 8)
    x = jax.random.randint(ks[0], (16, 2048, 4), 0, 10000, dtype=jnp.int64 if jax.config.jax_enable_x64 else jnp.int32)
    t0 = jax.random.normal(ks[1], (N_TOKENS[0], EMB_SIZES[0]), dtype=jnp.float32)
    t1 = jax.random.normal(ks[2], (N_TOKENS[1], EMB_SIZES[1]), dtype=jnp.float32)
    t2 = jax.random.normal(ks[3], (N_TOKENS[2], EMB_SIZES[2]), dtype=jnp.float32)
    t3 = jax.random.normal(ks[4], (N_TOKENS[3], EMB_SIZES[3]), dtype=jnp.float32)
    fan_in = int(np.sum(EMB_SIZES))
    bound = 1.0 / np.sqrt(fan_in)
    W = jax.random.uniform(ks[5], (fan_in, D_MODEL), minval=-bound, maxval=bound, dtype=jnp.float32)
    b = jax.random.uniform(ks[6], (D_MODEL,), minval=-bound, maxval=bound, dtype=jnp.float32)
    return {"x": x, "t0": t0, "t1": t1, "t2": t2, "t3": t3, "W": W, "b": b}

def reference(x, t0, t1, t2, t3, W, b):
    emb_bar = jnp.take(t0, x[..., 0], axis=0)
    emb_start_pos = jnp.take(t1, x[..., 1], axis=0)
    emb_note_dur = jnp.take(t2, x[..., 2], axis=0)
    emb_pitch_instrument = jnp.take(t3, x[..., 3], axis=0)
    embs = jnp.concatenate([emb_bar, emb_start_pos, emb_note_dur, emb_pitch_instrument], axis=-1)
    return embs @ W + b

if __name__ == "__main__":
    import jax
    _d = setup_inputs()
    print(jax.jit(kernel)(*tuple(_d.values())))

</pallas_src>

<mosaic_0001>
#map = affine_map<(d0, d1) -> (0, 0)>
module attributes {stable_mosaic.version = 14 : i64} {
  func.func @k(%arg0: i32, %arg1: i32, %arg2: memref<4x32768xi32, #tpu.memory_space<hbm>>, %arg3: memref<10000x128xf32, #tpu.memory_space<hbm>>, %arg4: memref<10000x128xi32, #tpu.memory_space<hbm>>, %arg5: memref<10000x128xf32, #tpu.memory_space<hbm>>, %arg6: memref<10000x256xi32, #tpu.memory_space<hbm>>, %arg7: memref<16384x128xf32, #tpu.memory_space<hbm>>, %arg8: memref<16384x128xi32, #tpu.memory_space<hbm>>, %arg9: memref<16384x128xf32, #tpu.memory_space<hbm>>, %arg10: memref<16384x256xi32, #tpu.memory_space<hbm>>, %arg11: memref<4x512xi32, #tpu.memory_space<vmem>>, %arg12: memref<128x128xf32, #tpu.memory_space<vmem>>, %arg13: memref<128x128xi32, #tpu.memory_space<vmem>>, %arg14: memref<128x128xf32, #tpu.memory_space<vmem>>, %arg15: memref<128x256xi32, #tpu.memory_space<vmem>>, %arg16: memref<128x256xi32, #tpu.memory_space<vmem>>, %arg17: memref<!tpu.dma_semaphore, #tpu.memory_space<semaphore_mem>>, %arg18: memref<!tpu.dma_semaphore, #tpu.memory_space<semaphore_mem>>) attributes {dimension_semantics = [#tpu.dimension_semantics<core_parallel>, #tpu.dimension_semantics<subcore_parallel>], iteration_bounds = array<i64: 2, 16>, scalar_prefetch = 0 : i64, scratch_operands = 8 : i64, tpu.core_type = #tpu.core_type<sc_vector_subcore>, window_params = [{transform_indices = #map}, {transform_indices = #map}, {transform_indices = #map}, {transform_indices = #map}, {transform_indices = #map}, {transform_indices = #map}, {transform_indices = #map}, {transform_indices = #map}, {transform_indices = #map}]} {
    %mul3A = arith.constant 2 : i32
    %mul3A_0 = arith.muli %arg1, %mul3A : i32
    %add3A = arith.addi %mul3A_0, %arg0 : i32
    %mul3A_1 = arith.constant 512 : i32
    %mul3A_2 = arith.muli %add3A, %mul3A_1 : i32
    %add3A_3 = arith.constant 16384 : i32
    %add3A_4 = arith.addi %add3A_3, %mul3A_2 : i32
    "tpu.region"() ({
      %run_scoped3A = tpu.sem_alloc : memref<!tpu.dma_semaphore, #tpu.memory_space<semaphore_mem>>
      %dma_start3A_387 = arith.constant 0 : i32
      %dma_start3A_388 = tpu.memref_slice %arg2[%dma_start3A_387, %add3A_4] : memref<4x32768xi32, #tpu.memory_space<hbm>> -> memref<4x512xi32, #tpu.memory_space<hbm>>
      %dma_start3A_389 = arith.constant 0 : i32
      %dma_start3A_390 = tpu.memref_slice %arg2[%dma_start3A_389, %add3A_4] : memref<4x32768xi32, #tpu.memory_space<hbm>> -> memref<4x512xi32, #tpu.memory_space<hbm>>
      tpu.enqueue_dma source(%dma_start3A_390 : memref<4x512xi32, #tpu.memory_space<hbm>>) target(%arg11 : memref<4x512xi32, #tpu.memory_space<vmem>>) target_semaphore(%run_scoped3A : memref<!tpu.dma_semaphore, #tpu.memory_space<semaphore_mem>>)
      %dma_wait3A_391 = arith.constant 0 : i32
      %dma_wait3A_392 = tpu.memref_slice %arg2[%dma_wait3A_391, %add3A_4] : memref<4x32768xi32, #tpu.memory_space<hbm>> -> memref<4x512xi32, #tpu.memory_space<hbm>>
      %dma_wait3A_393 = arith.constant 0 : i32
      %dma_wait3A_394 = tpu.memref_slice %arg2[%dma_wait3A_393, %add3A_4] : memref<4x32768xi32, #tpu.memory_space<hbm>> -> memref<4x512xi32, #tpu.memory_space<hbm>>
      tpu.wait_dma2 semaphore(%run_scoped3A : memref<!tpu.dma_semaphore, #tpu.memory_space<semaphore_mem>>) src(%dma_wait3A_394 : memref<4x512xi32, #tpu.memory_space<hbm>>) dst(%arg11 : memref<4x512xi32, #tpu.memory_space<vmem>>)
      tpu.yield
    }) : () -> ()
    %dma_start3A = arith.constant 0 : i32
    %dma_start3A_5 = arith.constant 0 : i32
    %dma_start3A_6 = tpu.memref_slice %arg11[%dma_start3A, %dma_start3A_5] : memref<4x512xi32, #tpu.memory_space<vmem>> -> memref<1x128xi32, #tpu.memory_space<vmem>>
    %dma_start3A_7 = tpu.memref_squeeze %dma_start3A_6 : memref<1x128xi32, #tpu.memory_space<vmem>> -> memref<128xi32, #tpu.memory_space<vmem>>
    %dma_start3A_8 = arith.constant 0 : i32
    %dma_start3A_9 = arith.constant 0 : i32
    %dma_start3A_10 = tpu.memref_slice %arg3[%dma_start3A_8, %dma_start3A_9] : memref<10000x128xf32, #tpu.memory_space<hbm>> -> memref<10000x128xf32, #tpu.memory_space<hbm>>
    tpu.enqueue_indirect_dma source(%dma_start3A_10 : memref<10000x128xf32, #tpu.memory_space<hbm>>) target(%arg12 : memref<128x128xf32, #tpu.memory_space<vmem>>) offsets(%dma_start3A_7 : memref<128xi32, #tpu.memory_space<vmem>>) semaphore(%arg17 : memref<!tpu.dma_semaphore, #tpu.memory_space<semaphore_mem>>)
    %dma_start3A_11 = arith.constant 1 : i32
    %dma_start3A_12 = arith.constant 0 : i32
    %dma_start3A_13 = tpu.memref_slice %arg11[%dma_start3A_11, %dma_start3A_12] : memref<4x512xi32, #tpu.memory_space<vmem>> -> memref<1x128xi32, #tpu.memory_space<vmem>>
    %dma_start3A_14 = tpu.memref_squeeze %dma_start3A_13 : memref<1x128xi32, #tpu.memory_space<vmem>> -> memref<128xi32, #tpu.memory_space<vmem>>
    %dma_start3A_15 = arith.constant 0 : i32
    %dma_start3A_16 = arith.constant 0 : i32
    %dma_start3A_17 = tpu.memref_slice %arg4[%dma_start3A_15, %dma_start3A_16] : memref<10000x128xi32, #tpu.memory_space<hbm>> -> memref<10000x128xi32, #tpu.memory_space<hbm>>
    tpu.enqueue_indirect_dma source(%dma_start3A_17 : memref<10000x128xi32, #tpu.memory_space<hbm>>) target(%arg13 : memref<128x128xi32, #tpu.memory_space<vmem>>) offsets(%dma_start3A_14 : memref<128xi32, #tpu.memory_space<vmem>>) semaphore(%arg17 : memref<!tpu.dma_semaphore, #tpu.memory_space<semaphore_mem>>)
    %dma_wait3A = arith.constant 0 : i32
    %dma_wait3A_18 = arith.constant 0 : i32
    %dma_wait3A_19 = tpu.memref_slice %arg11[%dma_wait3A, %dma_wait3A_18] : memref<4x512xi32, #tpu.memory_space<vmem>> -> memref<1x128xi32, #tpu.memory_space<vmem>>
    %dma_wait3A_20 = tpu.memref_squeeze %dma_wait3A_19 : memref<1x128xi32, #tpu.memory_space<vmem>> -> memref<128xi32, #tpu.memory_space<vmem>>
    %dma_wait3A_21 = arith.constant 0 : i32
    %dma_wait3A_22 = arith.constant 0 : i32
    %dma_wait3A_23 = tpu.memref_slice %arg3[%dma_wait3A_21, %dma_wait3A_22] : memref<10000x128xf32, #tpu.memory_space<hbm>> -> memref<10000x128xf32, #tpu.memory_space<hbm>>
    tpu.wait_indirect_dma semaphore(%arg17 : memref<!tpu.dma_semaphore, #tpu.memory_space<semaphore_mem>>) src(%dma_wait3A_23 : memref<10000x128xf32, #tpu.memory_space<hbm>>) dst(%arg12 : memref<128x128xf32, #tpu.memory_space<vmem>>)
    %add3A_24 = arith.constant 0 : i32
    %add3A_25 = arith.addi %mul3A_2, %add3A_24 : i32
    %dma_start3A_26 = arith.constant 0 : i32
    %dma_start3A_27 = tpu.memref_slice %arg7[%add3A_25, %dma_start3A_26] : memref<16384x128xf32, #tpu.memory_space<hbm>> -> memref<128x128xf32, #tpu.memory_space<hbm>>
    %dma_start3A_28 = arith.constant 0 : i32
    %dma_start3A_29 = tpu.memref_slice %arg7[%add3A_25, %dma_start3A_28] : memref<16384x128xf32, #tpu.memory_space<hbm>> -> memref<128x128xf32, #tpu.memory_space<hbm>>
    tpu.enqueue_dma source(%arg12 : memref<128x128xf32, #tpu.memory_space<vmem>>) target(%dma_start3A_29 : memref<128x128xf32, #tpu.memory_space<hbm>>) target_semaphore(%arg18 : memref<!tpu.dma_semaphore, #tpu.memory_space<semaphore_mem>>)
    %dma_start3A_30 = arith.constant 2 : i32
    %dma_start3A_31 = arith.constant 0 : i32
    %dma_start3A_32 = tpu.memref_slice %arg11[%dma_start3A_30, %dma_start3A_31] : memref<4x512xi32, #tpu.memory_space<vmem>> -> memref<1x128xi32, #tpu.memory_space<vmem>>
    %dma_start3A_33 = tpu.memref_squeeze %dma_start3A_32 : memref<1x128xi32, #tpu.memory_space<vmem>> -> memref<128xi32, #tpu.memory_space<vmem>>
    %dma_start3A_34 = arith.constant 0 : i32
    %dma_start3A_35 = arith.constant 0 : i32
    %dma_start3A_36 = tpu.memref_slice %arg5[%dma_start3A_34, %dma_start3A_35] : memref<10000x128xf32, #tpu.memory_space<hbm>> -> memref<10000x128xf32, #tpu.memory_space<hbm>>
    tpu.enqueue_indirect_dma source(%dma_start3A_36 : memref<10000x128xf32, #tpu.memory_space<hbm>>) target(%arg14 : memref<128x128xf32, #tpu.memory_space<vmem>>) offsets(%dma_start3A_33 : memref<128xi32, #tpu.memory_space<vmem>>) semaphore(%arg17 : memref<!tpu.dma_semaphore, #tpu.memory_space<semaphore_mem>>)
    %dma_wait3A_37 = arith.constant 1 : i32
    %dma_wait3A_38 = arith.constant 0 : i32
    %dma_wait3A_39 = tpu.memref_slice %arg11[%dma_wait3A_37, %dma_wait3A_38] : memref<4x512xi32, #tpu.memory_space<vmem>> -> memref<1x128xi32, #tpu.memory_space<vmem>>
    %dma_wait3A_40 = tpu.memref_squeeze %dma_wait3A_39 : memref<1x128xi32, #tpu.memory_space<vmem>> -> memref<128xi32, #tpu.memory_space<vmem>>
    %dma_wait3A_41 = arith.constant 0 : i32
    %dma_wait3A_42 = arith.constant 0 : i32
    %dma_wait3A_43 = tpu.memref_slice %arg4[%dma_wait3A_41, %dma_wait3A_42] : memref<10000x128xi32, #tpu.memory_space<hbm>> -> memref<10000x128xi32, #tpu.memory_space<hbm>>
    tpu.wait_indirect_dma semaphore(%arg17 : memref<!tpu.dma_semaphore, #tpu.memory_space<semaphore_mem>>) src(%dma_wait3A_43 : memref<10000x128xi32, #tpu.memory_space<hbm>>) dst(%arg13 : memref<128x128xi32, #tpu.memory_space<vmem>>)
    %add3A_44 = arith.constant 0 : i32
    %add3A_45 = arith.addi %mul3A_2, %add3A_44 : i32
    %dma_start3A_46 = arith.constant 0 : i32
    %dma_start3A_47 = tpu.memref_slice %arg8[%add3A_45, %dma_start3A_46] : memref<16384x128xi32, #tpu.memory_space<hbm>> -> memref<128x128xi32, #tpu.memory_space<hbm>>
    %dma_start3A_48 = arith.constant 0 : i32
    %dma_start3A_49 = tpu.memref_slice %arg8[%add3A_45, %dma_start3A_48] : memref<16384x128xi32, #tpu.memory_space<hbm>> -> memref<128x128xi32, #tpu.memory_space<hbm>>
    tpu.enqueue_dma source(%arg13 : memref<128x128xi32, #tpu.memory_space<vmem>>) target(%dma_start3A_49 : memref<128x128xi32, #tpu.memory_space<hbm>>) target_semaphore(%arg18 : memref<!tpu.dma_semaphore, #tpu.memory_space<semaphore_mem>>)
    %dma_start3A_50 = arith.constant 3 : i32
    %dma_start3A_51 = arith.constant 0 : i32
    %dma_start3A_52 = tpu.memref_slice %arg11[%dma_start3A_50, %dma_start3A_51] : memref<4x512xi32, #tpu.memory_space<vmem>> -> memref<1x128xi32, #tpu.memory_space<vmem>>
    %dma_start3A_53 = tpu.memref_squeeze %dma_start3A_52 : memref<1x128xi32, #tpu.memory_space<vmem>> -> memref<128xi32, #tpu.memory_space<vmem>>
    %dma_start3A_54 = arith.constant 0 : i32
    %dma_start3A_55 = arith.constant 0 : i32
    %dma_start3A_56 = tpu.memref_slice %arg6[%dma_start3A_54, %dma_start3A_55] : memref<10000x256xi32, #tpu.memory_space<hbm>> -> memref<10000x256xi32, #tpu.memory_space<hbm>>
    tpu.enqueue_indirect_dma source(%dma_start3A_56 : memref<10000x256xi32, #tpu.memory_space<hbm>>) target(%arg15 : memref<128x256xi32, #tpu.memory_space<vmem>>) offsets(%dma_start3A_53 : memref<128xi32, #tpu.memory_space<vmem>>) semaphore(%arg17 : memref<!tpu.dma_semaphore, #tpu.memory_space<semaphore_mem>>)
    %dma_wait3A_57 = arith.constant 2 : i32
    %dma_wait3A_58 = arith.constant 0 : i32
    %dma_wait3A_59 = tpu.memref_slice %arg11[%dma_wait3A_57, %dma_wait3A_58] : memref<4x512xi32, #tpu.memory_space<vmem>> -> memref<1x128xi32, #tpu.memory_space<vmem>>
    %dma_wait3A_60 = tpu.memref_squeeze %dma_wait3A_59 : memref<1x128xi32, #tpu.memory_space<vmem>> -> memref<128xi32, #tpu.memory_space<vmem>>
    %dma_wait3A_61 = arith.constant 0 : i32
    %dma_wait3A_62 = arith.constant 0 : i32
    %dma_wait3A_63 = tpu.memref_slice %arg5[%dma_wait3A_61, %dma_wait3A_62] : memref<10000x128xf32, #tpu.memory_space<hbm>> -> memref<10000x128xf32, #tpu.memory_space<hbm>>
    tpu.wait_indirect_dma semaphore(%arg17 : memref<!tpu.dma_semaphore, #tpu.memory_space<semaphore_mem>>) src(%dma_wait3A_63 : memref<10000x128xf32, #tpu.memory_space<hbm>>) dst(%arg14 : memref<128x128xf32, #tpu.memory_space<vmem>>)
    %add3A_64 = arith.constant 0 : i32
    %add3A_65 = arith.addi %mul3A_2, %add3A_64 : i32
    %dma_start3A_66 = arith.constant 0 : i32
    %dma_start3A_67 = tpu.memref_slice %arg9[%add3A_65, %dma_start3A_66] : memref<16384x128xf32, #tpu.memory_space<hbm>> -> memref<128x128xf32, #tpu.memory_space<hbm>>
    %dma_start3A_68 = arith.constant 0 : i32
    %dma_start3A_69 = tpu.memref_slice %arg9[%add3A_65, %dma_start3A_68] : memref<16384x128xf32, #tpu.memory_space<hbm>> -> memref<128x128xf32, #tpu.memory_space<hbm>>
    tpu.enqueue_dma source(%arg14 : memref<128x128xf32, #tpu.memory_space<vmem>>) target(%dma_start3A_69 : memref<128x128xf32, #tpu.memory_space<hbm>>) target_semaphore(%arg18 : memref<!tpu.dma_semaphore, #tpu.memory_space<semaphore_mem>>)
    %dma_wait3A_70 = arith.constant 0 : i32
    %dma_wait3A_71 = tpu.memref_slice %arg7[%add3A_25, %dma_wait3A_70] : memref<16384x128xf32, #tpu.memory_space<hbm>> -> memref<128x128xf32, #tpu.memory_space<hbm>>
    %dma_wait3A_72 = arith.constant 0 : i32
    %dma_wait3A_73 = tpu.memref_slice %arg7[%add3A_25, %dma_wait3A_72] : memref<16384x128xf32, #tpu.memory_space<hbm>> -> memref<128x128xf32, #tpu.memory_space<hbm>>
    tpu.wait_dma2 semaphore(%arg18 : memref<!tpu.dma_semaphore, #tpu.memory_space<semaphore_mem>>) src(%arg12 : memref<128x128xf32, #tpu.memory_space<vmem>>) dst(%dma_wait3A_73 : memref<128x128xf32, #tpu.memory_space<hbm>>)
    %dma_start3A_74 = arith.constant 0 : i32
    %dma_start3A_75 = arith.constant 128 : i32
    %dma_start3A_76 = tpu.memref_slice %arg11[%dma_start3A_74, %dma_start3A_75] : memref<4x512xi32, #tpu.memory_space<vmem>> -> memref<1x128xi32, #tpu.memory_space<vmem>>
    %dma_start3A_77 = tpu.memref_squeeze %dma_start3A_76 : memref<1x128xi32, #tpu.memory_space<vmem>> -> memref<128xi32, #tpu.memory_space<vmem>>
    %dma_start3A_78 = arith.constant 0 : i32
    %dma_start3A_79 = arith.constant 0 : i32
    %dma_start3A_80 = tpu.memref_slice %arg3[%dma_start3A_78, %dma_start3A_79] : memref<10000x128xf32, #tpu.memory_space<hbm>> -> memref<10000x128xf32, #tpu.memory_space<hbm>>
    tpu.enqueue_indirect_dma source(%dma_start3A_80 : memref<10000x128xf32, #tpu.memory_space<hbm>>) target(%arg12 : memref<128x128xf32, #tpu.memory_space<vmem>>) offsets(%dma_start3A_77 : memref<128xi32, #tpu.memory_space<vmem>>) semaphore(%arg17 : memref<!tpu.dma_semaphore, #tpu.memory_space<semaphore_mem>>)
    %dma_wait3A_81 = arith.constant 3 : i32
    %dma_wait3A_82 = arith.constant 0 : i32
    %dma_wait3A_83 = tpu.memref_slice %arg11[%dma_wait3A_81, %dma_wait3A_82] : memref<4x512xi32, #tpu.memory_space<vmem>> -> memref<1x128xi32, #tpu.memory_space<vmem>>
    %dma_wait3A_84 = tpu.memref_squeeze %dma_wait3A_83 : memref<1x128xi32, #tpu.memory_space<vmem>> -> memref<128xi32, #tpu.memory_space<vmem>>
    %dma_wait3A_85 = arith.constant 0 : i32
    %dma_wait3A_86 = arith.constant 0 : i32
    %dma_wait3A_87 = tpu.memref_slice %arg6[%dma_wait3A_85, %dma_wait3A_86] : memref<10000x256xi32, #tpu.memory_space<hbm>> -> memref<10000x256xi32, #tpu.memory_space<hbm>>
    tpu.wait_indirect_dma semaphore(%arg17 : memref<!tpu.dma_semaphore, #tpu.memory_space<semaphore_mem>>) src(%dma_wait3A_87 : memref<10000x256xi32, #tpu.memory_space<hbm>>) dst(%arg15 : memref<128x256xi32, #tpu.memory_space<vmem>>)
    %add3A_88 = arith.constant 0 : i32
    %add3A_89 = arith.addi %mul3A_2, %add3A_88 : i32
    %dma_start3A_90 = arith.constant 0 : i32
    %dma_start3A_91 = tpu.memref_slice %arg10[%add3A_89, %dma_start3A_90] : memref<16384x256xi32, #tpu.memory_space<hbm>> -> memref<128x256xi32, #tpu.memory_space<hbm>>
    %dma_start3A_92 = arith.constant 0 : i32
    %dma_start3A_93 = tpu.memref_slice %arg10[%add3A_89, %dma_start3A_92] : memref<16384x256xi32, #tpu.memory_space<hbm>> -> memref<128x256xi32, #tpu.memory_space<hbm>>
    tpu.enqueue_dma source(%arg15 : memref<128x256xi32, #tpu.memory_space<vmem>>) target(%dma_start3A_93 : memref<128x256xi32, #tpu.memory_space<hbm>>) target_semaphore(%arg18 : memref<!tpu.dma_semaphore, #tpu.memory_space<semaphore_mem>>)
    %dma_wait3A_94 = arith.constant 0 : i32
    %dma_wait3A_95 = tpu.memref_slice %arg8[%add3A_45, %dma_wait3A_94] : memref<16384x128xi32, #tpu.memory_space<hbm>> -> memref<128x128xi32, #tpu.memory_space<hbm>>
    %dma_wait3A_96 = arith.constant 0 : i32
    %dma_wait3A_97 = tpu.memref_slice %arg8[%add3A_45, %dma_wait3A_96] : memref<16384x128xi32, #tpu.memory_space<hbm>> -> memref<128x128xi32, #tpu.memory_space<hbm>>
    tpu.wait_dma2 semaphore(%arg18 : memref<!tpu.dma_semaphore, #tpu.memory_space<semaphore_mem>>) src(%arg13 : memref<128x128xi32, #tpu.memory_space<vmem>>) dst(%dma_wait3A_97 : memref<128x128xi32, #tpu.memory_space<hbm>>)
    %dma_start3A_98 = arith.constant 1 : i32
    %dma_start3A_99 = arith.constant 128 : i32
    %dma_start3A_100 = tpu.memref_slice %arg11[%dma_start3A_98, %dma_start3A_99] : memref<4x512xi32, #tpu.memory_space<vmem>> -> memref<1x128xi32, #tpu.memory_space<vmem>>
    %dma_start3A_101 = tpu.memref_squeeze %dma_start3A_100 : memref<1x128xi32, #tpu.memory_space<vmem>> -> memref<128xi32, #tpu.memory_space<vmem>>
    %dma_start3A_102 = arith.constant 0 : i32
    %dma_start3A_103 = arith.constant 0 : i32
    %dma_start3A_104 = tpu.memref_slice %arg4[%dma_start3A_102, %dma_start3A_103] : memref<10000x128xi32, #tpu.memory_space<hbm>> -> memref<10000x128xi32, #tpu.memory_space<hbm>>
    tpu.enqueue_indirect_dma source(%dma_start3A_104 : memref<10000x128xi32, #tpu.memory_space<hbm>>) target(%arg13 : memref<128x128xi32, #tpu.memory_space<vmem>>) offsets(%dma_start3A_101 : memref<128xi32, #tpu.memory_space<vmem>>) semaphore(%arg17 : memref<!tpu.dma_semaphore, #tpu.memory_space<semaphore_mem>>)
    %dma_wait3A_105 = arith.constant 0 : i32
    %dma_wait3A_106 = arith.constant 128 : i32
    %dma_wait3A_107 = tpu.memref_slice %arg11[%dma_wait3A_105, %dma_wait3A_106] : memref<4x512xi32, #tpu.memory_space<vmem>> -> memref<1x128xi32, #tpu.memory_space<vmem>>
    %dma_wait3A_108 = tpu.memref_squeeze %dma_wait3A_107 : memref<1x128xi32, #tpu.memory_space<vmem>> -> memref<128xi32, #tpu.memory_space<vmem>>
    %dma_wait3A_109 = arith.constant 0 : i32
    %dma_wait3A_110 = arith.constant 0 : i32
    %dma_wait3A_111 = tpu.memref_slice %arg3[%dma_wait3A_109, %dma_wait3A_110] : memref<10000x128xf32, #tpu.memory_space<hbm>> -> memref<10000x128xf32, #tpu.memory_space<hbm>>
    tpu.wait_indirect_dma semaphore(%arg17 : memref<!tpu.dma_semaphore, #tpu.memory_space<semaphore_mem>>) src(%dma_wait3A_111 : memref<10000x128xf32, #tpu.memory_space<hbm>>) dst(%arg12 : memref<128x128xf32, #tpu.memory_space<vmem>>)
    %add3A_112 = arith.constant 128 : i32
    %add3A_113 = arith.addi %mul3A_2, %add3A_112 : i32
    %dma_start3A_114 = arith.constant 0 : i32
    %dma_start3A_115 = tpu.memref_slice %arg7[%add3A_113, %dma_start3A_114] : memref<16384x128xf32, #tpu.memory_space<hbm>> -> memref<128x128xf32, #tpu.memory_space<hbm>>
    %dma_start3A_116 = arith.constant 0 : i32
    %dma_start3A_117 = tpu.memref_slice %arg7[%add3A_113, %dma_start3A_116] : memref<16384x128xf32, #tpu.memory_space<hbm>> -> memref<128x128xf32, #tpu.memory_space<hbm>>
    tpu.enqueue_dma source(%arg12 : memref<128x128xf32, #tpu.memory_space<vmem>>) target(%dma_start3A_117 : memref<128x128xf32, #tpu.memory_space<hbm>>) target_semaphore(%arg18 : memref<!tpu.dma_semaphore, #tpu.memory_space<semaphore_mem>>)
    %dma_wait3A_118 = arith.constant 0 : i32
    %dma_wait3A_119 = tpu.memref_slice %arg9[%add3A_65, %dma_wait3A_118] : memref<16384x128xf32, #tpu.memory_space<hbm>> -> memref<128x128xf32, #tpu.memory_space<hbm>>
    %dma_wait3A_120 = arith.constant 0 : i32
    %dma_wait3A_121 = tpu.memref_slice %arg9[%add3A_65, %dma_wait3A_120] : memref<16384x128xf32, #tpu.memory_space<hbm>> -> memref<128x128xf32, #tpu.memory_space<hbm>>
    tpu.wait_dma2 semaphore(%arg18 : memref<!tpu.dma_semaphore, #tpu.memory_space<semaphore_mem>>) src(%arg14 : memref<128x128xf32, #tpu.memory_space<vmem>>) dst(%dma_wait3A_121 : memref<128x128xf32, #tpu.memory_space<hbm>>)
    %dma_start3A_122 = arith.constant 2 : i32
    %dma_start3A_123 = arith.constant 128 : i32
    %dma_start3A_124 = tpu.memref_slice %arg11[%dma_start3A_122, %dma_start3A_123] : memref<4x512xi32, #tpu.memory_space<vmem>> -> memref<1x128xi32, #tpu.memory_space<vmem>>
    %dma_start3A_125 = tpu.memref_squeeze %dma_start3A_124 : memref<1x128xi32, #tpu.memory_space<vmem>> -> memref<128xi32, #tpu.memory_space<vmem>>
    %dma_start3A_126 = arith.constant 0 : i32
    %dma_start3A_127 = arith.constant 0 : i32
    %dma_start3A_128 = tpu.memref_slice %arg5[%dma_start3A_126, %dma_start3A_127] : memref<10000x128xf32, #tpu.memory_space<hbm>> -> memref<10000x128xf32, #tpu.memory_space<hbm>>
    tpu.enqueue_indirect_dma source(%dma_start3A_128 : memref<10000x128xf32, #tpu.memory_space<hbm>>) target(%arg14 : memref<128x128xf32, #tpu.memory_space<vmem>>) offsets(%dma_start3A_125 : memref<128xi32, #tpu.memory_space<vmem>>) semaphore(%arg17 : memref<!tpu.dma_semaphore, #tpu.memory_space<semaphore_mem>>)
    %dma_wait3A_129 = arith.constant 1 : i32
    %dma_wait3A_130 = arith.constant 128 : i32
    %dma_wait3A_131 = tpu.memref_slice %arg11[%dma_wait3A_129, %dma_wait3A_130] : memref<4x512xi32, #tpu.memory_space<vmem>> -> memref<1x128xi32, #tpu.memory_space<vmem>>
    %dma_wait3A_132 = tpu.memref_squeeze %dma_wait3A_131 : memref<1x128xi32, #tpu.memory_space<vmem>> -> memref<128xi32, #tpu.memory_space<vmem>>
    %dma_wait3A_133 = arith.constant 0 : i32
    %dma_wait3A_134 = arith.constant 0 : i32
    %dma_wait3A_135 = tpu.memref_slice %arg4[%dma_wait3A_133, %dma_wait3A_134] : memref<10000x128xi32, #tpu.memory_space<hbm>> -> memref<10000x128xi32, #tpu.memory_space<hbm>>
    tpu.wait_indirect_dma semaphore(%arg17 : memref<!tpu.dma_semaphore, #tpu.memory_space<semaphore_mem>>) src(%dma_wait3A_135 : memref<10000x128xi32, #tpu.memory_space<hbm>>) dst(%arg13 : memref<128x128xi32, #tpu.memory_space<vmem>>)
    %add3A_136 = arith.constant 128 : i32
    %add3A_137 = arith.addi %mul3A_2, %add3A_136 : i32
    %dma_start3A_138 = arith.constant 0 : i32
    %dma_start3A_139 = tpu.memref_slice %arg8[%add3A_137, %dma_start3A_138] : memref<16384x128xi32, #tpu.memory_space<hbm>> -> memref<128x128xi32, #tpu.memory_space<hbm>>
    %dma_start3A_140 = arith.constant 0 : i32
    %dma_start3A_141 = tpu.memref_slice %arg8[%add3A_137, %dma_start3A_140] : memref<16384x128xi32, #tpu.memory_space<hbm>> -> memref<128x128xi32, #tpu.memory_space<hbm>>
    tpu.enqueue_dma source(%arg13 : memref<128x128xi32, #tpu.memory_space<vmem>>) target(%dma_start3A_141 : memref<128x128xi32, #tpu.memory_space<hbm>>) target_semaphore(%arg18 : memref<!tpu.dma_semaphore, #tpu.memory_space<semaphore_mem>>)
    %dma_start3A_142 = arith.constant 3 : i32
    %dma_start3A_143 = arith.constant 128 : i32
    %dma_start3A_144 = tpu.memref_slice %arg11[%dma_start3A_142, %dma_start3A_143] : memref<4x512xi32, #tpu.memory_space<vmem>> -> memref<1x128xi32, #tpu.memory_space<vmem>>
    %dma_start3A_145 = tpu.memref_squeeze %dma_start3A_144 : memref<1x128xi32, #tpu.memory_space<vmem>> -> memref<128xi32, #tpu.memory_space<vmem>>
    %dma_start3A_146 = arith.constant 0 : i32
    %dma_start3A_147 = arith.constant 0 : i32
    %dma_start3A_148 = tpu.memref_slice %arg6[%dma_start3A_146, %dma_start3A_147] : memref<10000x256xi32, #tpu.memory_space<hbm>> -> memref<10000x256xi32, #tpu.memory_space<hbm>>
    tpu.enqueue_indirect_dma source(%dma_start3A_148 : memref<10000x256xi32, #tpu.memory_space<hbm>>) target(%arg16 : memref<128x256xi32, #tpu.memory_space<vmem>>) offsets(%dma_start3A_145 : memref<128xi32, #tpu.memory_space<vmem>>) semaphore(%arg17 : memref<!tpu.dma_semaphore, #tpu.memory_space<semaphore_mem>>)
    %dma_wait3A_149 = arith.constant 2 : i32
    %dma_wait3A_150 = arith.constant 128 : i32
    %dma_wait3A_151 = tpu.memref_slice %arg11[%dma_wait3A_149, %dma_wait3A_150] : memref<4x512xi32, #tpu.memory_space<vmem>> -> memref<1x128xi32, #tpu.memory_space<vmem>>
    %dma_wait3A_152 = tpu.memref_squeeze %dma_wait3A_151 : memref<1x128xi32, #tpu.memory_space<vmem>> -> memref<128xi32, #tpu.memory_space<vmem>>
    %dma_wait3A_153 = arith.constant 0 : i32
    %dma_wait3A_154 = arith.constant 0 : i32
    %dma_wait3A_155 = tpu.memref_slice %arg5[%dma_wait3A_153, %dma_wait3A_154] : memref<10000x128xf32, #tpu.memory_space<hbm>> -> memref<10000x128xf32, #tpu.memory_space<hbm>>
    tpu.wait_indirect_dma semaphore(%arg17 : memref<!tpu.dma_semaphore, #tpu.memory_space<semaphore_mem>>) src(%dma_wait3A_155 : memref<10000x128xf32, #tpu.memory_space<hbm>>) dst(%arg14 : memref<128x128xf32, #tpu.memory_space<vmem>>)
    %add3A_156 = arith.constant 128 : i32
    %add3A_157 = arith.addi %mul3A_2, %add3A_156 : i32
    %dma_start3A_158 = arith.constant 0 : i32
    %dma_start3A_159 = tpu.memref_slice %arg9[%add3A_157, %dma_start3A_158] : memref<16384x128xf32, #tpu.memory_space<hbm>> -> memref<128x128xf32, #tpu.memory_space<hbm>>
    %dma_start3A_160 = arith.constant 0 : i32
    %dma_start3A_161 = tpu.memref_slice %arg9[%add3A_157, %dma_start3A_160] : memref<16384x128xf32, #tpu.memory_space<hbm>> -> memref<128x128xf32, #tpu.memory_space<hbm>>
    tpu.enqueue_dma source(%arg14 : memref<128x128xf32, #tpu.memory_space<vmem>>) target(%dma_start3A_161 : memref<128x128xf32, #tpu.memory_space<hbm>>) target_semaphore(%arg18 : memref<!tpu.dma_semaphore, #tpu.memory_space<semaphore_mem>>)
    %dma_wait3A_162 = arith.constant 0 : i32
    %dma_wait3A_163 = tpu.memref_slice %arg10[%add3A_89, %dma_wait3A_162] : memref<16384x256xi32, #tpu.memory_space<hbm>> -> memref<128x256xi32, #tpu.memory_space<hbm>>
    %dma_wait3A_164 = arith.constant 0 : i32
    %dma_wait3A_165 = tpu.memref_slice %arg10[%add3A_89, %dma_wait3A_164] : memref<16384x256xi32, #tpu.memory_space<hbm>> -> memref<128x256xi32, #tpu.memory_space<hbm>>
    tpu.wait_dma2 semaphore(%arg18 : memref<!tpu.dma_semaphore, #tpu.memory_space<semaphore_mem>>) src(%arg15 : memref<128x256xi32, #tpu.memory_space<vmem>>) dst(%dma_wait3A_165 : memref<128x256xi32, #tpu.memory_space<hbm>>)
    %dma_wait3A_166 = arith.constant 0 : i32
    %dma_wait3A_167 = tpu.memref_slice %arg7[%add3A_113, %dma_wait3A_166] : memref<16384x128xf32, #tpu.memory_space<hbm>> -> memref<128x128xf32, #tpu.memory_space<hbm>>
    %dma_wait3A_168 = arith.constant 0 : i32
    %dma_wait3A_169 = tpu.memref_slice %arg7[%add3A_113, %dma_wait3A_168] : memref<16384x128xf32, #tpu.memory_space<hbm>> -> memref<128x128xf32, #tpu.memory_space<hbm>>
    tpu.wait_dma2 semaphore(%arg18 : memref<!tpu.dma_semaphore, #tpu.memory_space<semaphore_mem>>) src(%arg12 : memref<128x128xf32, #tpu.memory_space<vmem>>) dst(%dma_wait3A_169 : memref<128x128xf32, #tpu.memory_space<hbm>>)
    %dma_start3A_170 = arith.constant 0 : i32
    %dma_start3A_171 = arith.constant 256 : i32
    %dma_start3A_172 = tpu.memref_slice %arg11[%dma_start3A_170, %dma_start3A_171] : memref<4x512xi32, #tpu.memory_space<vmem>> -> memref<1x128xi32, #tpu.memory_space<vmem>>
    %dma_start3A_173 = tpu.memref_squeeze %dma_start3A_172 : memref<1x128xi32, #tpu.memory_space<vmem>> -> memref<128xi32, #tpu.memory_space<vmem>>
    %dma_start3A_174 = arith.constant 0 : i32
    %dma_start3A_175 = arith.constant 0 : i32
    %dma_start3A_176 = tpu.memref_slice %arg3[%dma_start3A_174, %dma_start3A_175] : memref<10000x128xf32, #tpu.memory_space<hbm>> -> memref<10000x128xf32, #tpu.memory_space<hbm>>
    tpu.enqueue_indirect_dma source(%dma_start3A_176 : memref<10000x128xf32, #tpu.memory_space<hbm>>) target(%arg12 : memref<128x128xf32, #tpu.memory_space<vmem>>) offsets(%dma_start3A_173 : memref<128xi32, #tpu.memory_space<vmem>>) semaphore(%arg17 : memref<!tpu.dma_semaphore, #tpu.memory_space<semaphore_mem>>)
    %dma_wait3A_177 = arith.constant 3 : i32
    %dma_wait3A_178 = arith.constant 128 : i32
    %dma_wait3A_179 = tpu.memref_slice %arg11[%dma_wait3A_177, %dma_wait3A_178] : memref<4x512xi32, #tpu.memory_space<vmem>> -> memref<1x128xi32, #tpu.memory_space<vmem>>
    %dma_wait3A_180 = tpu.memref_squeeze %dma_wait3A_179 : memref<1x128xi32, #tpu.memory_space<vmem>> -> memref<128xi32, #tpu.memory_space<vmem>>
    %dma_wait3A_181 = arith.constant 0 : i32
    %dma_wait3A_182 = arith.constant 0 : i32
    %dma_wait3A_183 = tpu.memref_slice %arg6[%dma_wait3A_181, %dma_wait3A_182] : memref<10000x256xi32, #tpu.memory_space<hbm>> -> memref<10000x256xi32, #tpu.memory_space<hbm>>
    tpu.wait_indirect_dma semaphore(%arg17 : memref<!tpu.dma_semaphore, #tpu.memory_space<semaphore_mem>>) src(%dma_wait3A_183 : memref<10000x256xi32, #tpu.memory_space<hbm>>) dst(%arg16 : memref<128x256xi32, #tpu.memory_space<vmem>>)
    %add3A_184 = arith.constant 128 : i32
    %add3A_185 = arith.addi %mul3A_2, %add3A_184 : i32
    %dma_start3A_186 = arith.constant 0 : i32
    %dma_start3A_187 = tpu.memref_slice %arg10[%add3A_185, %dma_start3A_186] : memref<16384x256xi32, #tpu.memory_space<hbm>> -> memref<128x256xi32, #tpu.memory_space<hbm>>
    %dma_start3A_188 = arith.constant 0 : i32
    %dma_start3A_189 = tpu.memref_slice %arg10[%add3A_185, %dma_start3A_188] : memref<16384x256xi32, #tpu.memory_space<hbm>> -> memref<128x256xi32, #tpu.memory_space<hbm>>
    tpu.enqueue_dma source(%arg16 : memref<128x256xi32, #tpu.memory_space<vmem>>) target(%dma_start3A_189 : memref<128x256xi32, #tpu.memory_space<hbm>>) target_semaphore(%arg18 : memref<!tpu.dma_semaphore, #tpu.memory_space<semaphore_mem>>)
    %dma_wait3A_190 = arith.constant 0 : i32
    %dma_wait3A_191 = tpu.memref_slice %arg8[%add3A_137, %dma_wait3A_190] : memref<16384x128xi32, #tpu.memory_space<hbm>> -> memref<128x128xi32, #tpu.memory_space<hbm>>
    %dma_wait3A_192 = arith.constant 0 : i32
    %dma_wait3A_193 = tpu.memref_slice %arg8[%add3A_137, %dma_wait3A_192] : memref<16384x128xi32, #tpu.memory_space<hbm>> -> memref<128x128xi32, #tpu.memory_space<hbm>>
    tpu.wait_dma2 semaphore(%arg18 : memref<!tpu.dma_semaphore, #tpu.memory_space<semaphore_mem>>) src(%arg13 : memref<128x128xi32, #tpu.memory_space<vmem>>) dst(%dma_wait3A_193 : memref<128x128xi32, #tpu.memory_space<hbm>>)
    %dma_start3A_194 = arith.constant 1 : i32
    %dma_start3A_195 = arith.constant 256 : i32
    %dma_start3A_196 = tpu.memref_slice %arg11[%dma_start3A_194, %dma_start3A_195] : memref<4x512xi32, #tpu.memory_space<vmem>> -> memref<1x128xi32, #tpu.memory_space<vmem>>
    %dma_start3A_197 = tpu.memref_squeeze %dma_start3A_196 : memref<1x128xi32, #tpu.memory_space<vmem>> -> memref<128xi32, #tpu.memory_space<vmem>>
    %dma_start3A_198 = arith.constant 0 : i32
    %dma_start3A_199 = arith.constant 0 : i32
    %dma_start3A_200 = tpu.memref_slice %arg4[%dma_start3A_198, %dma_start3A_199] : memref<10000x128xi32, #tpu.memory_space<hbm>> -> memref<10000x128xi32, #tpu.memory_space<hbm>>
    tpu.enqueue_indirect_dma source(%dma_start3A_200 : memref<10000x128xi32, #tpu.memory_space<hbm>>) target(%arg13 : memref<128x128xi32, #tpu.memory_space<vmem>>) offsets(%dma_start3A_197 : memref<128xi32, #tpu.memory_space<vmem>>) semaphore(%arg17 : memref<!tpu.dma_semaphore, #tpu.memory_space<semaphore_mem>>)
    %dma_wait3A_201 = arith.constant 0 : i32
    %dma_wait3A_202 = arith.constant 256 : i32
    %dma_wait3A_203 = tpu.memref_slice %arg11[%dma_wait3A_201, %dma_wait3A_202] : memref<4x512xi32, #tpu.memory_space<vmem>> -> memref<1x128xi32, #tpu.memory_space<vmem>>
    %dma_wait3A_204 = tpu.memref_squeeze %dma_wait3A_203 : memref<1x128xi32, #tpu.memory_space<vmem>> -> memref<128xi32, #tpu.memory_space<vmem>>
    %dma_wait3A_205 = arith.constant 0 : i32
    %dma_wait3A_206 = arith.constant 0 : i32
    %dma_wait3A_207 = tpu.memref_slice %arg3[%dma_wait3A_205, %dma_wait3A_206] : memref<10000x128xf32, #tpu.memory_space<hbm>> -> memref<10000x128xf32, #tpu.memory_space<hbm>>
    tpu.wait_indirect_dma semaphore(%arg17 : memref<!tpu.dma_semaphore, #tpu.memory_space<semaphore_mem>>) src(%dma_wait3A_207 : memref<10000x128xf32, #tpu.memory_space<hbm>>) dst(%arg12 : memref<128x128xf32, #tpu.memory_space<vmem>>)
    %add3A_208 = arith.constant 256 : i32
    %add3A_209 = arith.addi %mul3A_2, %add3A_208 : i32
    %dma_start3A_210 = arith.constant 0 : i32
    %dma_start3A_211 = tpu.memref_slice %arg7[%add3A_209, %dma_start3A_210] : memref<16384x128xf32, #tpu.memory_space<hbm>> -> memref<128x128xf32, #tpu.memory_space<hbm>>
    %dma_start3A_212 = arith.constant 0 : i32
    %dma_start3A_213 = tpu.memref_slice %arg7[%add3A_209, %dma_start3A_212] : memref<16384x128xf32, #tpu.memory_space<hbm>> -> memref<128x128xf32, #tpu.memory_space<hbm>>
    tpu.enqueue_dma source(%arg12 : memref<128x128xf32, #tpu.memory_space<vmem>>) target(%dma_start3A_213 : memref<128x128xf32, #tpu.memory_space<hbm>>) target_semaphore(%arg18 : memref<!tpu.dma_semaphore, #tpu.memory_space<semaphore_mem>>)
    %dma_wait3A_214 = arith.constant 0 : i32
    %dma_wait3A_215 = tpu.memref_slice %arg9[%add3A_157, %dma_wait3A_214] : memref<16384x128xf32, #tpu.memory_space<hbm>> -> memref<128x128xf32, #tpu.memory_space<hbm>>
    %dma_wait3A_216 = arith.constant 0 : i32
    %dma_wait3A_217 = tpu.memref_slice %arg9[%add3A_157, %dma_wait3A_216] : memref<16384x128xf32, #tpu.memory_space<hbm>> -> memref<128x128xf32, #tpu.memory_space<hbm>>
    tpu.wait_dma2 semaphore(%arg18 : memref<!tpu.dma_semaphore, #tpu.memory_space<semaphore_mem>>) src(%arg14 : memref<128x128xf32, #tpu.memory_space<vmem>>) dst(%dma_wait3A_217 : memref<128x128xf32, #tpu.memory_space<hbm>>)
    %dma_start3A_218 = arith.constant 2 : i32
    %dma_start3A_219 = arith.constant 256 : i32
    %dma_start3A_220 = tpu.memref_slice %arg11[%dma_start3A_218, %dma_start3A_219] : memref<4x512xi32, #tpu.memory_space<vmem>> -> memref<1x128xi32, #tpu.memory_space<vmem>>
    %dma_start3A_221 = tpu.memref_squeeze %dma_start3A_220 : memref<1x128xi32, #tpu.memory_space<vmem>> -> memref<128xi32, #tpu.memory_space<vmem>>
    %dma_start3A_222 = arith.constant 0 : i32
    %dma_start3A_223 = arith.constant 0 : i32
    %dma_start3A_224 = tpu.memref_slice %arg5[%dma_start3A_222, %dma_start3A_223] : memref<10000x128xf32, #tpu.memory_space<hbm>> -> memref<10000x128xf32, #tpu.memory_space<hbm>>
    tpu.enqueue_indirect_dma source(%dma_start3A_224 : memref<10000x128xf32, #tpu.memory_space<hbm>>) target(%arg14 : memref<128x128xf32, #tpu.memory_space<vmem>>) offsets(%dma_start3A_221 : memref<128xi32, #tpu.memory_space<vmem>>) semaphore(%arg17 : memref<!tpu.dma_semaphore, #tpu.memory_space<semaphore_mem>>)
    %dma_wait3A_225 = arith.constant 1 : i32
    %dma_wait3A_226 = arith.constant 256 : i32
    %dma_wait3A_227 = tpu.memref_slice %arg11[%dma_wait3A_225, %dma_wait3A_226] : memref<4x512xi32, #tpu.memory_space<vmem>> -> memref<1x128xi32, #tpu.memory_space<vmem>>
    %dma_wait3A_228 = tpu.memref_squeeze %dma_wait3A_227 : memref<1x128xi32, #tpu.memory_space<vmem>> -> memref<128xi32, #tpu.memory_space<vmem>>
    %dma_wait3A_229 = arith.constant 0 : i32
    %dma_wait3A_230 = arith.constant 0 : i32
    %dma_wait3A_231 = tpu.memref_slice %arg4[%dma_wait3A_229, %dma_wait3A_230] : memref<10000x128xi32, #tpu.memory_space<hbm>> -> memref<10000x128xi32, #tpu.memory_space<hbm>>
    tpu.wait_indirect_dma semaphore(%arg17 : memref<!tpu.dma_semaphore, #tpu.memory_space<semaphore_mem>>) src(%dma_wait3A_231 : memref<10000x128xi32, #tpu.memory_space<hbm>>) dst(%arg13 : memref<128x128xi32, #tpu.memory_space<vmem>>)
    %add3A_232 = arith.constant 256 : i32
    %add3A_233 = arith.addi %mul3A_2, %add3A_232 : i32
    %dma_start3A_234 = arith.constant 0 : i32
    %dma_start3A_235 = tpu.memref_slice %arg8[%add3A_233, %dma_start3A_234] : memref<16384x128xi32, #tpu.memory_space<hbm>> -> memref<128x128xi32, #tpu.memory_space<hbm>>
    %dma_start3A_236 = arith.constant 0 : i32
    %dma_start3A_237 = tpu.memref_slice %arg8[%add3A_233, %dma_start3A_236] : memref<16384x128xi32, #tpu.memory_space<hbm>> -> memref<128x128xi32, #tpu.memory_space<hbm>>
    tpu.enqueue_dma source(%arg13 : memref<128x128xi32, #tpu.memory_space<vmem>>) target(%dma_start3A_237 : memref<128x128xi32, #tpu.memory_space<hbm>>) target_semaphore(%arg18 : memref<!tpu.dma_semaphore, #tpu.memory_space<semaphore_mem>>)
    %dma_start3A_238 = arith.constant 3 : i32
    %dma_start3A_239 = arith.constant 256 : i32
    %dma_start3A_240 = tpu.memref_slice %arg11[%dma_start3A_238, %dma_start3A_239] : memref<4x512xi32, #tpu.memory_space<vmem>> -> memref<1x128xi32, #tpu.memory_space<vmem>>
    %dma_start3A_241 = tpu.memref_squeeze %dma_start3A_240 : memref<1x128xi32, #tpu.memory_space<vmem>> -> memref<128xi32, #tpu.memory_space<vmem>>
    %dma_start3A_242 = arith.constant 0 : i32
    %dma_start3A_243 = arith.constant 0 : i32
    %dma_start3A_244 = tpu.memref_slice %arg6[%dma_start3A_242, %dma_start3A_243] : memref<10000x256xi32, #tpu.memory_space<hbm>> -> memref<10000x256xi32, #tpu.memory_space<hbm>>
    tpu.enqueue_indirect_dma source(%dma_start3A_244 : memref<10000x256xi32, #tpu.memory_space<hbm>>) target(%arg15 : memref<128x256xi32, #tpu.memory_space<vmem>>) offsets(%dma_start3A_241 : memref<128xi32, #tpu.memory_space<vmem>>) semaphore(%arg17 : memref<!tpu.dma_semaphore, #tpu.memory_space<semaphore_mem>>)
    %dma_wait3A_245 = arith.constant 2 : i32
    %dma_wait3A_246 = arith.constant 256 : i32
    %dma_wait3A_247 = tpu.memref_slice %arg11[%dma_wait3A_245, %dma_wait3A_246] : memref<4x512xi32, #tpu.memory_space<vmem>> -> memref<1x128xi32, #tpu.memory_space<vmem>>
    %dma_wait3A_248 = tpu.memref_squeeze %dma_wait3A_247 : memref<1x128xi32, #tpu.memory_space<vmem>> -> memref<128xi32, #tpu.memory_space<vmem>>
    %dma_wait3A_249 = arith.constant 0 : i32
    %dma_wait3A_250 = arith.constant 0 : i32
    %dma_wait3A_251 = tpu.memref_slice %arg5[%dma_wait3A_249, %dma_wait3A_250] : memref<10000x128xf32, #tpu.memory_space<hbm>> -> memref<10000x128xf32, #tpu.memory_space<hbm>>
    tpu.wait_indirect_dma semaphore(%arg17 : memref<!tpu.dma_semaphore, #tpu.memory_space<semaphore_mem>>) src(%dma_wait3A_251 : memref<10000x128xf32, #tpu.memory_space<hbm>>) dst(%arg14 : memref<128x128xf32, #tpu.memory_space<vmem>>)
    %add3A_252 = arith.constant 256 : i32
    %add3A_253 = arith.addi %mul3A_2, %add3A_252 : i32
    %dma_start3A_254 = arith.constant 0 : i32
    %dma_start3A_255 = tpu.memref_slice %arg9[%add3A_253, %dma_start3A_254] : memref<16384x128xf32, #tpu.memory_space<hbm>> -> memref<128x128xf32, #tpu.memory_space<hbm>>
    %dma_start3A_256 = arith.constant 0 : i32
    %dma_start3A_257 = tpu.memref_slice %arg9[%add3A_253, %dma_start3A_256] : memref<16384x128xf32, #tpu.memory_space<hbm>> -> memref<128x128xf32, #tpu.memory_space<hbm>>
    tpu.enqueue_dma source(%arg14 : memref<128x128xf32, #tpu.memory_space<vmem>>) target(%dma_start3A_257 : memref<128x128xf32, #tpu.memory_space<hbm>>) target_semaphore(%arg18 : memref<!tpu.dma_semaphore, #tpu.memory_space<semaphore_mem>>)
    %dma_wait3A_258 = arith.constant 0 : i32
    %dma_wait3A_259 = tpu.memref_slice %arg10[%add3A_185, %dma_wait3A_258] : memref<16384x256xi32, #tpu.memory_space<hbm>> -> memref<128x256xi32, #tpu.memory_space<hbm>>
    %dma_wait3A_260 = arith.constant 0 : i32
    %dma_wait3A_261 = tpu.memref_slice %arg10[%add3A_185, %dma_wait3A_260] : memref<16384x256xi32, #tpu.memory_space<hbm>> -> memref<128x256xi32, #tpu.memory_space<hbm>>
    tpu.wait_dma2 semaphore(%arg18 : memref<!tpu.dma_semaphore, #tpu.memory_space<semaphore_mem>>) src(%arg16 : memref<128x256xi32, #tpu.memory_space<vmem>>) dst(%dma_wait3A_261 : memref<128x256xi32, #tpu.memory_space<hbm>>)
    %dma_wait3A_262 = arith.constant 0 : i32
    %dma_wait3A_263 = tpu.memref_slice %arg7[%add3A_209, %dma_wait3A_262] : memref<16384x128xf32, #tpu.memory_space<hbm>> -> memref<128x128xf32, #tpu.memory_space<hbm>>
    %dma_wait3A_264 = arith.constant 0 : i32
    %dma_wait3A_265 = tpu.memref_slice %arg7[%add3A_209, %dma_wait3A_264] : memref<16384x128xf32, #tpu.memory_space<hbm>> -> memref<128x128xf32, #tpu.memory_space<hbm>>
    tpu.wait_dma2 semaphore(%arg18 : memref<!tpu.dma_semaphore, #tpu.memory_space<semaphore_mem>>) src(%arg12 : memref<128x128xf32, #tpu.memory_space<vmem>>) dst(%dma_wait3A_265 : memref<128x128xf32, #tpu.memory_space<hbm>>)
    %dma_start3A_266 = arith.constant 0 : i32
    %dma_start3A_267 = arith.constant 384 : i32
    %dma_start3A_268 = tpu.memref_slice %arg11[%dma_start3A_266, %dma_start3A_267] : memref<4x512xi32, #tpu.memory_space<vmem>> -> memref<1x128xi32, #tpu.memory_space<vmem>>
    %dma_start3A_269 = tpu.memref_squeeze %dma_start3A_268 : memref<1x128xi32, #tpu.memory_space<vmem>> -> memref<128xi32, #tpu.memory_space<vmem>>
    %dma_start3A_270 = arith.constant 0 : i32
    %dma_start3A_271 = arith.constant 0 : i32
    %dma_start3A_272 = tpu.memref_slice %arg3[%dma_start3A_270, %dma_start3A_271] : memref<10000x128xf32, #tpu.memory_space<hbm>> -> memref<10000x128xf32, #tpu.memory_space<hbm>>
    tpu.enqueue_indirect_dma source(%dma_start3A_272 : memref<10000x128xf32, #tpu.memory_space<hbm>>) target(%arg12 : memref<128x128xf32, #tpu.memory_space<vmem>>) offsets(%dma_start3A_269 : memref<128xi32, #tpu.memory_space<vmem>>) semaphore(%arg17 : memref<!tpu.dma_semaphore, #tpu.memory_space<semaphore_mem>>)
    %dma_wait3A_273 = arith.constant 3 : i32
    %dma_wait3A_274 = arith.constant 256 : i32
    %dma_wait3A_275 = tpu.memref_slice %arg11[%dma_wait3A_273, %dma_wait3A_274] : memref<4x512xi32, #tpu.memory_space<vmem>> -> memref<1x128xi32, #tpu.memory_space<vmem>>
    %dma_wait3A_276 = tpu.memref_squeeze %dma_wait3A_275 : memref<1x128xi32, #tpu.memory_space<vmem>> -> memref<128xi32, #tpu.memory_space<vmem>>
    %dma_wait3A_277 = arith.constant 0 : i32
    %dma_wait3A_278 = arith.constant 0 : i32
    %dma_wait3A_279 = tpu.memref_slice %arg6[%dma_wait3A_277, %dma_wait3A_278] : memref<10000x256xi32, #tpu.memory_space<hbm>> -> memref<10000x256xi32, #tpu.memory_space<hbm>>
    tpu.wait_indirect_dma semaphore(%arg17 : memref<!tpu.dma_semaphore, #tpu.memory_space<semaphore_mem>>) src(%dma_wait3A_279 : memref<10000x256xi32, #tpu.memory_space<hbm>>) dst(%arg15 : memref<128x256xi32, #tpu.memory_space<vmem>>)
    %add3A_280 = arith.constant 256 : i32
    %add3A_281 = arith.addi %mul3A_2, %add3A_280 : i32
    %dma_start3A_282 = arith.constant 0 : i32
    %dma_start3A_283 = tpu.memref_slice %arg10[%add3A_281, %dma_start3A_282] : memref<16384x256xi32, #tpu.memory_space<hbm>> -> memref<128x256xi32, #tpu.memory_space<hbm>>
    %dma_start3A_284 = arith.constant 0 : i32
    %dma_start3A_285 = tpu.memref_slice %arg10[%add3A_281, %dma_start3A_284] : memref<16384x256xi32, #tpu.memory_space<hbm>> -> memref<128x256xi32, #tpu.memory_space<hbm>>
    tpu.enqueue_dma source(%arg15 : memref<128x256xi32, #tpu.memory_space<vmem>>) target(%dma_start3A_285 : memref<128x256xi32, #tpu.memory_space<hbm>>) target_semaphore(%arg18 : memref<!tpu.dma_semaphore, #tpu.memory_space<semaphore_mem>>)
    %dma_wait3A_286 = arith.constant 0 : i32
    %dma_wait3A_287 = tpu.memref_slice %arg8[%add3A_233, %dma_wait3A_286] : memref<16384x128xi32, #tpu.memory_space<hbm>> -> memref<128x128xi32, #tpu.memory_space<hbm>>
    %dma_wait3A_288 = arith.constant 0 : i32
    %dma_wait3A_289 = tpu.memref_slice %arg8[%add3A_233, %dma_wait3A_288] : memref<16384x128xi32, #tpu.memory_space<hbm>> -> memref<128x128xi32, #tpu.memory_space<hbm>>
    tpu.wait_dma2 semaphore(%arg18 : memref<!tpu.dma_semaphore, #tpu.memory_space<semaphore_mem>>) src(%arg13 : memref<128x128xi32, #tpu.memory_space<vmem>>) dst(%dma_wait3A_289 : memref<128x128xi32, #tpu.memory_space<hbm>>)
    %dma_start3A_290 = arith.constant 1 : i32
    %dma_start3A_291 = arith.constant 384 : i32
    %dma_start3A_292 = tpu.memref_slice %arg11[%dma_start3A_290, %dma_start3A_291] : memref<4x512xi32, #tpu.memory_space<vmem>> -> memref<1x128xi32, #tpu.memory_space<vmem>>
    %dma_start3A_293 = tpu.memref_squeeze %dma_start3A_292 : memref<1x128xi32, #tpu.memory_space<vmem>> -> memref<128xi32, #tpu.memory_space<vmem>>
    %dma_start3A_294 = arith.constant 0 : i32
    %dma_start3A_295 = arith.constant 0 : i32
    %dma_start3A_296 = tpu.memref_slice %arg4[%dma_start3A_294, %dma_start3A_295] : memref<10000x128xi32, #tpu.memory_space<hbm>> -> memref<10000x128xi32, #tpu.memory_space<hbm>>
    tpu.enqueue_indirect_dma source(%dma_start3A_296 : memref<10000x128xi32, #tpu.memory_space<hbm>>) target(%arg13 : memref<128x128xi32, #tpu.memory_space<vmem>>) offsets(%dma_start3A_293 : memref<128xi32, #tpu.memory_space<vmem>>) semaphore(%arg17 : memref<!tpu.dma_semaphore, #tpu.memory_space<semaphore_mem>>)
    %dma_wait3A_297 = arith.constant 0 : i32
    %dma_wait3A_298 = arith.constant 384 : i32
    %dma_wait3A_299 = tpu.memref_slice %arg11[%dma_wait3A_297, %dma_wait3A_298] : memref<4x512xi32, #tpu.memory_space<vmem>> -> memref<1x128xi32, #tpu.memory_space<vmem>>
    %dma_wait3A_300 = tpu.memref_squeeze %dma_wait3A_299 : memref<1x128xi32, #tpu.memory_space<vmem>> -> memref<128xi32, #tpu.memory_space<vmem>>
    %dma_wait3A_301 = arith.constant 0 : i32
    %dma_wait3A_302 = arith.constant 0 : i32
    %dma_wait3A_303 = tpu.memref_slice %arg3[%dma_wait3A_301, %dma_wait3A_302] : memref<10000x128xf32, #tpu.memory_space<hbm>> -> memref<10000x128xf32, #tpu.memory_space<hbm>>
    tpu.wait_indirect_dma semaphore(%arg17 : memref<!tpu.dma_semaphore, #tpu.memory_space<semaphore_mem>>) src(%dma_wait3A_303 : memref<10000x128xf32, #tpu.memory_space<hbm>>) dst(%arg12 : memref<128x128xf32, #tpu.memory_space<vmem>>)
    %add3A_304 = arith.constant 384 : i32
    %add3A_305 = arith.addi %mul3A_2, %add3A_304 : i32
    %dma_start3A_306 = arith.constant 0 : i32
    %dma_start3A_307 = tpu.memref_slice %arg7[%add3A_305, %dma_start3A_306] : memref<16384x128xf32, #tpu.memory_space<hbm>> -> memref<128x128xf32, #tpu.memory_space<hbm>>
    %dma_start3A_308 = arith.constant 0 : i32
    %dma_start3A_309 = tpu.memref_slice %arg7[%add3A_305, %dma_start3A_308] : memref<16384x128xf32, #tpu.memory_space<hbm>> -> memref<128x128xf32, #tpu.memory_space<hbm>>
    tpu.enqueue_dma source(%arg12 : memref<128x128xf32, #tpu.memory_space<vmem>>) target(%dma_start3A_309 : memref<128x128xf32, #tpu.memory_space<hbm>>) target_semaphore(%arg18 : memref<!tpu.dma_semaphore, #tpu.memory_space<semaphore_mem>>)
    %dma_wait3A_310 = arith.constant 0 : i32
    %dma_wait3A_311 = tpu.memref_slice %arg9[%add3A_253, %dma_wait3A_310] : memref<16384x128xf32, #tpu.memory_space<hbm>> -> memref<128x128xf32, #tpu.memory_space<hbm>>
    %dma_wait3A_312 = arith.constant 0 : i32
    %dma_wait3A_313 = tpu.memref_slice %arg9[%add3A_253, %dma_wait3A_312] : memref<16384x128xf32, #tpu.memory_space<hbm>> -> memref<128x128xf32, #tpu.memory_space<hbm>>
    tpu.wait_dma2 semaphore(%arg18 : memref<!tpu.dma_semaphore, #tpu.memory_space<semaphore_mem>>) src(%arg14 : memref<128x128xf32, #tpu.memory_space<vmem>>) dst(%dma_wait3A_313 : memref<128x128xf32, #tpu.memory_space<hbm>>)
    %dma_start3A_314 = arith.constant 2 : i32
    %dma_start3A_315 = arith.constant 384 : i32
    %dma_start3A_316 = tpu.memref_slice %arg11[%dma_start3A_314, %dma_start3A_315] : memref<4x512xi32, #tpu.memory_space<vmem>> -> memref<1x128xi32, #tpu.memory_space<vmem>>
    %dma_start3A_317 = tpu.memref_squeeze %dma_start3A_316 : memref<1x128xi32, #tpu.memory_space<vmem>> -> memref<128xi32, #tpu.memory_space<vmem>>
    %dma_start3A_318 = arith.constant 0 : i32
    %dma_start3A_319 = arith.constant 0 : i32
    %dma_start3A_320 = tpu.memref_slice %arg5[%dma_start3A_318, %dma_start3A_319] : memref<10000x128xf32, #tpu.memory_space<hbm>> -> memref<10000x128xf32, #tpu.memory_space<hbm>>
    tpu.enqueue_indirect_dma source(%dma_start3A_320 : memref<10000x128xf32, #tpu.memory_space<hbm>>) target(%arg14 : memref<128x128xf32, #tpu.memory_space<vmem>>) offsets(%dma_start3A_317 : memref<128xi32, #tpu.memory_space<vmem>>) semaphore(%arg17 : memref<!tpu.dma_semaphore, #tpu.memory_space<semaphore_mem>>)
    %dma_wait3A_321 = arith.constant 1 : i32
    %dma_wait3A_322 = arith.constant 384 : i32
    %dma_wait3A_323 = tpu.memref_slice %arg11[%dma_wait3A_321, %dma_wait3A_322] : memref<4x512xi32, #tpu.memory_space<vmem>> -> memref<1x128xi32, #tpu.memory_space<vmem>>
    %dma_wait3A_324 = tpu.memref_squeeze %dma_wait3A_323 : memref<1x128xi32, #tpu.memory_space<vmem>> -> memref<128xi32, #tpu.memory_space<vmem>>
    %dma_wait3A_325 = arith.constant 0 : i32
    %dma_wait3A_326 = arith.constant 0 : i32
    %dma_wait3A_327 = tpu.memref_slice %arg4[%dma_wait3A_325, %dma_wait3A_326] : memref<10000x128xi32, #tpu.memory_space<hbm>> -> memref<10000x128xi32, #tpu.memory_space<hbm>>
    tpu.wait_indirect_dma semaphore(%arg17 : memref<!tpu.dma_semaphore, #tpu.memory_space<semaphore_mem>>) src(%dma_wait3A_327 : memref<10000x128xi32, #tpu.memory_space<hbm>>) dst(%arg13 : memref<128x128xi32, #tpu.memory_space<vmem>>)
    %add3A_328 = arith.constant 384 : i32
    %add3A_329 = arith.addi %mul3A_2, %add3A_328 : i32
    %dma_start3A_330 = arith.constant 0 : i32
    %dma_start3A_331 = tpu.memref_slice %arg8[%add3A_329, %dma_start3A_330] : memref<16384x128xi32, #tpu.memory_space<hbm>> -> memref<128x128xi32, #tpu.memory_space<hbm>>
    %dma_start3A_332 = arith.constant 0 : i32
    %dma_start3A_333 = tpu.memref_slice %arg8[%add3A_329, %dma_start3A_332] : memref<16384x128xi32, #tpu.memory_space<hbm>> -> memref<128x128xi32, #tpu.memory_space<hbm>>
    tpu.enqueue_dma source(%arg13 : memref<128x128xi32, #tpu.memory_space<vmem>>) target(%dma_start3A_333 : memref<128x128xi32, #tpu.memory_space<hbm>>) target_semaphore(%arg18 : memref<!tpu.dma_semaphore, #tpu.memory_space<semaphore_mem>>)
    %dma_start3A_334 = arith.constant 3 : i32
    %dma_start3A_335 = arith.constant 384 : i32
    %dma_start3A_336 = tpu.memref_slice %arg11[%dma_start3A_334, %dma_start3A_335] : memref<4x512xi32, #tpu.memory_space<vmem>> -> memref<1x128xi32, #tpu.memory_space<vmem>>
    %dma_start3A_337 = tpu.memref_squeeze %dma_start3A_336 : memref<1x128xi32, #tpu.memory_space<vmem>> -> memref<128xi32, #tpu.memory_space<vmem>>
    %dma_start3A_338 = arith.constant 0 : i32
    %dma_start3A_339 = arith.constant 0 : i32
    %dma_start3A_340 = tpu.memref_slice %arg6[%dma_start3A_338, %dma_start3A_339] : memref<10000x256xi32, #tpu.memory_space<hbm>> -> memref<10000x256xi32, #tpu.memory_space<hbm>>
    tpu.enqueue_indirect_dma source(%dma_start3A_340 : memref<10000x256xi32, #tpu.memory_space<hbm>>) target(%arg16 : memref<128x256xi32, #tpu.memory_space<vmem>>) offsets(%dma_start3A_337 : memref<128xi32, #tpu.memory_space<vmem>>) semaphore(%arg17 : memref<!tpu.dma_semaphore, #tpu.memory_space<semaphore_mem>>)
    %dma_wait3A_341 = arith.constant 2 : i32
    %dma_wait3A_342 = arith.constant 384 : i32
    %dma_wait3A_343 = tpu.memref_slice %arg11[%dma_wait3A_341, %dma_wait3A_342] : memref<4x512xi32, #tpu.memory_space<vmem>> -> memref<1x128xi32, #tpu.memory_space<vmem>>
    %dma_wait3A_344 = tpu.memref_squeeze %dma_wait3A_343 : memref<1x128xi32, #tpu.memory_space<vmem>> -> memref<128xi32, #tpu.memory_space<vmem>>
    %dma_wait3A_345 = arith.constant 0 : i32
    %dma_wait3A_346 = arith.constant 0 : i32
    %dma_wait3A_347 = tpu.memref_slice %arg5[%dma_wait3A_345, %dma_wait3A_346] : memref<10000x128xf32, #tpu.memory_space<hbm>> -> memref<10000x128xf32, #tpu.memory_space<hbm>>
    tpu.wait_indirect_dma semaphore(%arg17 : memref<!tpu.dma_semaphore, #tpu.memory_space<semaphore_mem>>) src(%dma_wait3A_347 : memref<10000x128xf32, #tpu.memory_space<hbm>>) dst(%arg14 : memref<128x128xf32, #tpu.memory_space<vmem>>)
    %add3A_348 = arith.constant 384 : i32
    %add3A_349 = arith.addi %mul3A_2, %add3A_348 : i32
    %dma_start3A_350 = arith.constant 0 : i32
    %dma_start3A_351 = tpu.memref_slice %arg9[%add3A_349, %dma_start3A_350] : memref<16384x128xf32, #tpu.memory_space<hbm>> -> memref<128x128xf32, #tpu.memory_space<hbm>>
    %dma_start3A_352 = arith.constant 0 : i32
    %dma_start3A_353 = tpu.memref_slice %arg9[%add3A_349, %dma_start3A_352] : memref<16384x128xf32, #tpu.memory_space<hbm>> -> memref<128x128xf32, #tpu.memory_space<hbm>>
    tpu.enqueue_dma source(%arg14 : memref<128x128xf32, #tpu.memory_space<vmem>>) target(%dma_start3A_353 : memref<128x128xf32, #tpu.memory_space<hbm>>) target_semaphore(%arg18 : memref<!tpu.dma_semaphore, #tpu.memory_space<semaphore_mem>>)
    %dma_wait3A_354 = arith.constant 3 : i32
    %dma_wait3A_355 = arith.constant 384 : i32
    %dma_wait3A_356 = tpu.memref_slice %arg11[%dma_wait3A_354, %dma_wait3A_355] : memref<4x512xi32, #tpu.memory_space<vmem>> -> memref<1x128xi32, #tpu.memory_space<vmem>>
    %dma_wait3A_357 = tpu.memref_squeeze %dma_wait3A_356 : memref<1x128xi32, #tpu.memory_space<vmem>> -> memref<128xi32, #tpu.memory_space<vmem>>
    %dma_wait3A_358 = arith.constant 0 : i32
    %dma_wait3A_359 = arith.constant 0 : i32
    %dma_wait3A_360 = tpu.memref_slice %arg6[%dma_wait3A_358, %dma_wait3A_359] : memref<10000x256xi32, #tpu.memory_space<hbm>> -> memref<10000x256xi32, #tpu.memory_space<hbm>>
    tpu.wait_indirect_dma semaphore(%arg17 : memref<!tpu.dma_semaphore, #tpu.memory_space<semaphore_mem>>) src(%dma_wait3A_360 : memref<10000x256xi32, #tpu.memory_space<hbm>>) dst(%arg16 : memref<128x256xi32, #tpu.memory_space<vmem>>)
    %add3A_361 = arith.constant 384 : i32
    %add3A_362 = arith.addi %mul3A_2, %add3A_361 : i32
    %dma_start3A_363 = arith.constant 0 : i32
    %dma_start3A_364 = tpu.memref_slice %arg10[%add3A_362, %dma_start3A_363] : memref<16384x256xi32, #tpu.memory_space<hbm>> -> memref<128x256xi32, #tpu.memory_space<hbm>>
    %dma_start3A_365 = arith.constant 0 : i32
    %dma_start3A_366 = tpu.memref_slice %arg10[%add3A_362, %dma_start3A_365] : memref<16384x256xi32, #tpu.memory_space<hbm>> -> memref<128x256xi32, #tpu.memory_space<hbm>>
    tpu.enqueue_dma source(%arg16 : memref<128x256xi32, #tpu.memory_space<vmem>>) target(%dma_start3A_366 : memref<128x256xi32, #tpu.memory_space<hbm>>) target_semaphore(%arg18 : memref<!tpu.dma_semaphore, #tpu.memory_space<semaphore_mem>>)
    %dma_wait3A_367 = arith.constant 0 : i32
    %dma_wait3A_368 = tpu.memref_slice %arg10[%add3A_281, %dma_wait3A_367] : memref<16384x256xi32, #tpu.memory_space<hbm>> -> memref<128x256xi32, #tpu.memory_space<hbm>>
    %dma_wait3A_369 = arith.constant 0 : i32
    %dma_wait3A_370 = tpu.memref_slice %arg10[%add3A_281, %dma_wait3A_369] : memref<16384x256xi32, #tpu.memory_space<hbm>> -> memref<128x256xi32, #tpu.memory_space<hbm>>
    tpu.wait_dma2 semaphore(%arg18 : memref<!tpu.dma_semaphore, #tpu.memory_space<semaphore_mem>>) src(%arg15 : memref<128x256xi32, #tpu.memory_space<vmem>>) dst(%dma_wait3A_370 : memref<128x256xi32, #tpu.memory_space<hbm>>)
    %dma_wait3A_371 = arith.constant 0 : i32
    %dma_wait3A_372 = tpu.memref_slice %arg7[%add3A_305, %dma_wait3A_371] : memref<16384x128xf32, #tpu.memory_space<hbm>> -> memref<128x128xf32, #tpu.memory_space<hbm>>
    %dma_wait3A_373 = arith.constant 0 : i32
    %dma_wait3A_374 = tpu.memref_slice %arg7[%add3A_305, %dma_wait3A_373] : memref<16384x128xf32, #tpu.memory_space<hbm>> -> memref<128x128xf32, #tpu.memory_space<hbm>>
    tpu.wait_dma2 semaphore(%arg18 : memref<!tpu.dma_semaphore, #tpu.memory_space<semaphore_mem>>) src(%arg12 : memref<128x128xf32, #tpu.memory_space<vmem>>) dst(%dma_wait3A_374 : memref<128x128xf32, #tpu.memory_space<hbm>>)
    %dma_wait3A_375 = arith.constant 0 : i32
    %dma_wait3A_376 = tpu.memref_slice %arg8[%add3A_329, %dma_wait3A_375] : memref<16384x128xi32, #tpu.memory_space<hbm>> -> memref<128x128xi32, #tpu.memory_space<hbm>>
    %dma_wait3A_377 = arith.constant 0 : i32
    %dma_wait3A_378 = tpu.memref_slice %arg8[%add3A_329, %dma_wait3A_377] : memref<16384x128xi32, #tpu.memory_space<hbm>> -> memref<128x128xi32, #tpu.memory_space<hbm>>
    tpu.wait_dma2 semaphore(%arg18 : memref<!tpu.dma_semaphore, #tpu.memory_space<semaphore_mem>>) src(%arg13 : memref<128x128xi32, #tpu.memory_space<vmem>>) dst(%dma_wait3A_378 : memref<128x128xi32, #tpu.memory_space<hbm>>)
    %dma_wait3A_379 = arith.constant 0 : i32
    %dma_wait3A_380 = tpu.memref_slice %arg9[%add3A_349, %dma_wait3A_379] : memref<16384x128xf32, #tpu.memory_space<hbm>> -> memref<128x128xf32, #tpu.memory_space<hbm>>
    %dma_wait3A_381 = arith.constant 0 : i32
    %dma_wait3A_382 = tpu.memref_slice %arg9[%add3A_349, %dma_wait3A_381] : memref<16384x128xf32, #tpu.memory_space<hbm>> -> memref<128x128xf32, #tpu.memory_space<hbm>>
    tpu.wait_dma2 semaphore(%arg18 : memref<!tpu.dma_semaphore, #tpu.memory_space<semaphore_mem>>) src(%arg14 : memref<128x128xf32, #tpu.memory_space<vmem>>) dst(%dma_wait3A_382 : memref<128x128xf32, #tpu.memory_space<hbm>>)
    %dma_wait3A_383 = arith.constant 0 : i32
    %dma_wait3A_384 = tpu.memref_slice %arg10[%add3A_362, %dma_wait3A_383] : memref<16384x256xi32, #tpu.memory_space<hbm>> -> memref<128x256xi32, #tpu.memory_space<hbm>>
    %dma_wait3A_385 = arith.constant 0 : i32
    %dma_wait3A_386 = tpu.memref_slice %arg10[%add3A_362, %dma_wait3A_385] : memref<16384x256xi32, #tpu.memory_space<hbm>> -> memref<128x256xi32, #tpu.memory_space<hbm>>
    tpu.wait_dma2 semaphore(%arg18 : memref<!tpu.dma_semaphore, #tpu.memory_space<semaphore_mem>>) src(%arg16 : memref<128x256xi32, #tpu.memory_space<vmem>>) dst(%dma_wait3A_386 : memref<128x256xi32, #tpu.memory_space<hbm>>)
    return
  }
}

#map = affine_map<(d0, d1) -> (0, 0)>
module attributes {stable_mosaic.version = 14 : i64} {
  func.func @k(%arg0: i32, %arg1: i32, %arg2: memref<4x32768xi32, #tpu.memory_space<hbm>>, %arg3: memref<10000x128xf32, #tpu.memory_space<hbm>>, %arg4: memref<10000x128xi32, #tpu.memory_space<hbm>>, %arg5: memref<10000x128xf32, #tpu.memory_space<hbm>>, %arg6: memref<10000x256xi32, #tpu.memory_space<hbm>>, %arg7: memref<16384x128xf32, #tpu.memory_space<hbm>>, %arg8: memref<16384x128xi32, #tpu.memory_space<hbm>>, %arg9: memref<16384x128xf32, #tpu.memory_space<hbm>>, %arg10: memref<16384x256xi32, #tpu.memory_space<hbm>>, %arg11: memref<4x512xi32, #tpu.memory_space<vmem>>, %arg12: memref<128x128xf32, #tpu.memory_space<vmem>>, %arg13: memref<128x128xi32, #tpu.memory_space<vmem>>, %arg14: memref<128x128xf32, #tpu.memory_space<vmem>>, %arg15: memref<128x256xi32, #tpu.memory_space<vmem>>, %arg16: memref<128x256xi32, #tpu.memory_space<vmem>>, %arg17: memref<!tpu.dma_semaphore, #tpu.memory_space<semaphore_mem>>, %arg18: memref<!tpu.dma_semaphore, #tpu.memory_space<semaphore_mem>>) attributes {dimension_semantics = [#tpu.dimension_semantics<core_parallel>, #tpu.dimension_semantics<subcore_parallel>], iteration_bounds = array<i64: 2, 16>, scalar_prefetch = 0 : i64, scratch_operands = 8 : i64, tpu.core_type = #tpu.core_type<sc_vector_subcore>, window_params = [{transform_indices = #map}, {transform_indices = #map}, {transform_indices = #map}, {transform_indices = #map}, {transform_indices = #map}, {transform_indices = #map}, {transform_indices = #map}, {transform_indices = #map}, {transform_indices = #map}]} {
    %mul3A = arith.constant 2 : i32
    %mul3A_0 = arith.muli %arg1, %mul3A : i32
    %add3A = arith.addi %mul3A_0, %arg0 : i32
    %mul3A_1 = arith.constant 512 : i32
    %mul3A_2 = arith.muli %add3A, %mul3A_1 : i32
    %add3A_3 = arith.constant 0 : i32
    %add3A_4 = arith.addi %add3A_3, %mul3A_2 : i32
    "tpu.region"() ({
      %run_scoped3A = tpu.sem_alloc : memref<!tpu.dma_semaphore, #tpu.memory_space<semaphore_mem>>
      %dma_start3A_387 = arith.constant 0 : i32
      %dma_start3A_388 = tpu.memref_slice %arg2[%dma_start3A_387, %add3A_4] : memref<4x32768xi32, #tpu.memory_space<hbm>> -> memref<4x512xi32, #tpu.memory_space<hbm>>
      %dma_start3A_389 = arith.constant 0 : i32
      %dma_start3A_390 = tpu.memref_slice %arg2[%dma_start3A_389, %add3A_4] : memref<4x32768xi32, #tpu.memory_space<hbm>> -> memref<4x512xi32, #tpu.memory_space<hbm>>
      tpu.enqueue_dma source(%dma_start3A_390 : memref<4x512xi32, #tpu.memory_space<hbm>>) target(%arg11 : memref<4x512xi32, #tpu.memory_space<vmem>>) target_semaphore(%run_scoped3A : memref<!tpu.dma_semaphore, #tpu.memory_space<semaphore_mem>>)
      %dma_wait3A_391 = arith.constant 0 : i32
      %dma_wait3A_392 = tpu.memref_slice %arg2[%dma_wait3A_391, %add3A_4] : memref<4x32768xi32, #tpu.memory_space<hbm>> -> memref<4x512xi32, #tpu.memory_space<hbm>>
      %dma_wait3A_393 = arith.constant 0 : i32
      %dma_wait3A_394 = tpu.memref_slice %arg2[%dma_wait3A_393, %add3A_4] : memref<4x32768xi32, #tpu.memory_space<hbm>> -> memref<4x512xi32, #tpu.memory_space<hbm>>
      tpu.wait_dma2 semaphore(%run_scoped3A : memref<!tpu.dma_semaphore, #tpu.memory_space<semaphore_mem>>) src(%dma_wait3A_394 : memref<4x512xi32, #tpu.memory_space<hbm>>) dst(%arg11 : memref<4x512xi32, #tpu.memory_space<vmem>>)
      tpu.yield
    }) : () -> ()
    %dma_start3A = arith.constant 0 : i32
    %dma_start3A_5 = arith.constant 0 : i32
    %dma_start3A_6 = tpu.memref_slice %arg11[%dma_start3A, %dma_start3A_5] : memref<4x512xi32, #tpu.memory_space<vmem>> -> memref<1x128xi32, #tpu.memory_space<vmem>>
    %dma_start3A_7 = tpu.memref_squeeze %dma_start3A_6 : memref<1x128xi32, #tpu.memory_space<vmem>> -> memref<128xi32, #tpu.memory_space<vmem>>
    %dma_start3A_8 = arith.constant 0 : i32
    %dma_start3A_9 = arith.constant 0 : i32
    %dma_start3A_10 = tpu.memref_slice %arg3[%dma_start3A_8, %dma_start3A_9] : memref<10000x128xf32, #tpu.memory_space<hbm>> -> memref<10000x128xf32, #tpu.memory_space<hbm>>
    tpu.enqueue_indirect_dma source(%dma_start3A_10 : memref<10000x128xf32, #tpu.memory_space<hbm>>) target(%arg12 : memref<128x128xf32, #tpu.memory_space<vmem>>) offsets(%dma_start3A_7 : memref<128xi32, #tpu.memory_space<vmem>>) semaphore(%arg17 : memref<!tpu.dma_semaphore, #tpu.memory_space<semaphore_mem>>)
    %dma_start3A_11 = arith.constant 1 : i32
    %dma_start3A_12 = arith.constant 0 : i32
    %dma_start3A_13 = tpu.memref_slice %arg11[%dma_start3A_11, %dma_start3A_12] : memref<4x512xi32, #tpu.memory_space<vmem>> -> memref<1x128xi32, #tpu.memory_space<vmem>>
    %dma_start3A_14 = tpu.memref_squeeze %dma_start3A_13 : memref<1x128xi32, #tpu.memory_space<vmem>> -> memref<128xi32, #tpu.memory_space<vmem>>
    %dma_start3A_15 = arith.constant 0 : i32
    %dma_start3A_16 = arith.constant 0 : i32
    %dma_start3A_17 = tpu.memref_slice %arg4[%dma_start3A_15, %dma_start3A_16] : memref<10000x128xi32, #tpu.memory_space<hbm>> -> memref<10000x128xi32, #tpu.memory_space<hbm>>
    tpu.enqueue_indirect_dma source(%dma_start3A_17 : memref<10000x128xi32, #tpu.memory_space<hbm>>) target(%arg13 : memref<128x128xi32, #tpu.memory_space<vmem>>) offsets(%dma_start3A_14 : memref<128xi32, #tpu.memory_space<vmem>>) semaphore(%arg17 : memref<!tpu.dma_semaphore, #tpu.memory_space<semaphore_mem>>)
    %dma_wait3A = arith.constant 0 : i32
    %dma_wait3A_18 = arith.constant 0 : i32
    %dma_wait3A_19 = tpu.memref_slice %arg11[%dma_wait3A, %dma_wait3A_18] : memref<4x512xi32, #tpu.memory_space<vmem>> -> memref<1x128xi32, #tpu.memory_space<vmem>>
    %dma_wait3A_20 = tpu.memref_squeeze %dma_wait3A_19 : memref<1x128xi32, #tpu.memory_space<vmem>> -> memref<128xi32, #tpu.memory_space<vmem>>
    %dma_wait3A_21 = arith.constant 0 : i32
    %dma_wait3A_22 = arith.constant 0 : i32
    %dma_wait3A_23 = tpu.memref_slice %arg3[%dma_wait3A_21, %dma_wait3A_22] : memref<10000x128xf32, #tpu.memory_space<hbm>> -> memref<10000x128xf32, #tpu.memory_space<hbm>>
    tpu.wait_indirect_dma semaphore(%arg17 : memref<!tpu.dma_semaphore, #tpu.memory_space<semaphore_mem>>) src(%dma_wait3A_23 : memref<10000x128xf32, #tpu.memory_space<hbm>>) dst(%arg12 : memref<128x128xf32, #tpu.memory_space<vmem>>)
    %add3A_24 = arith.constant 0 : i32
    %add3A_25 = arith.addi %mul3A_2, %add3A_24 : i32
    %dma_start3A_26 = arith.constant 0 : i32
    %dma_start3A_27 = tpu.memref_slice %arg7[%add3A_25, %dma_start3A_26] : memref<16384x128xf32, #tpu.memory_space<hbm>> -> memref<128x128xf32, #tpu.memory_space<hbm>>
    %dma_start3A_28 = arith.constant 0 : i32
    %dma_start3A_29 = tpu.memref_slice %arg7[%add3A_25, %dma_start3A_28] : memref<16384x128xf32, #tpu.memory_space<hbm>> -> memref<128x128xf32, #tpu.memory_space<hbm>>
    tpu.enqueue_dma source(%arg12 : memref<128x128xf32, #tpu.memory_space<vmem>>) target(%dma_start3A_29 : memref<128x128xf32, #tpu.memory_space<hbm>>) target_semaphore(%arg18 : memref<!tpu.dma_semaphore, #tpu.memory_space<semaphore_mem>>)
    %dma_start3A_30 = arith.constant 2 : i32
    %dma_start3A_31 = arith.constant 0 : i32
    %dma_start3A_32 = tpu.memref_slice %arg11[%dma_start3A_30, %dma_start3A_31] : memref<4x512xi32, #tpu.memory_space<vmem>> -> memref<1x128xi32, #tpu.memory_space<vmem>>
    %dma_start3A_33 = tpu.memref_squeeze %dma_start3A_32 : memref<1x128xi32, #tpu.memory_space<vmem>> -> memref<128xi32, #tpu.memory_space<vmem>>
    %dma_start3A_34 = arith.constant 0 : i32
    %dma_start3A_35 = arith.constant 0 : i32
    %dma_start3A_36 = tpu.memref_slice %arg5[%dma_start3A_34, %dma_start3A_35] : memref<10000x128xf32, #tpu.memory_space<hbm>> -> memref<10000x128xf32, #tpu.memory_space<hbm>>
    tpu.enqueue_indirect_dma source(%dma_start3A_36 : memref<10000x128xf32, #tpu.memory_space<hbm>>) target(%arg14 : memref<128x128xf32, #tpu.memory_space<vmem>>) offsets(%dma_start3A_33 : memref<128xi32, #tpu.memory_space<vmem>>) semaphore(%arg17 : memref<!tpu.dma_semaphore, #tpu.memory_space<semaphore_mem>>)
    %dma_wait3A_37 = arith.constant 1 : i32
    %dma_wait3A_38 = arith.constant 0 : i32
    %dma_wait3A_39 = tpu.memref_slice %arg11[%dma_wait3A_37, %dma_wait3A_38] : memref<4x512xi32, #tpu.memory_space<vmem>> -> memref<1x128xi32, #tpu.memory_space<vmem>>
    %dma_wait3A_40 = tpu.memref_squeeze %dma_wait3A_39 : memref<1x128xi32, #tpu.memory_space<vmem>> -> memref<128xi32, #tpu.memory_space<vmem>>
    %dma_wait3A_41 = arith.constant 0 : i32
    %dma_wait3A_42 = arith.constant 0 : i32
    %dma_wait3A_43 = tpu.memref_slice %arg4[%dma_wait3A_41, %dma_wait3A_42] : memref<10000x128xi32, #tpu.memory_space<hbm>> -> memref<10000x128xi32, #tpu.memory_space<hbm>>
    tpu.wait_indirect_dma semaphore(%arg17 : memref<!tpu.dma_semaphore, #tpu.memory_space<semaphore_mem>>) src(%dma_wait3A_43 : memref<10000x128xi32, #tpu.memory_space<hbm>>) dst(%arg13 : memref<128x128xi32, #tpu.memory_space<vmem>>)
    %add3A_44 = arith.constant 0 : i32
    %add3A_45 = arith.addi %mul3A_2, %add3A_44 : i32
    %dma_start3A_46 = arith.constant 0 : i32
    %dma_start3A_47 = tpu.memref_slice %arg8[%add3A_45, %dma_start3A_46] : memref<16384x128xi32, #tpu.memory_space<hbm>> -> memref<128x128xi32, #tpu.memory_space<hbm>>
    %dma_start3A_48 = arith.constant 0 : i32
    %dma_start3A_49 = tpu.memref_slice %arg8[%add3A_45, %dma_start3A_48] : memref<16384x128xi32, #tpu.memory_space<hbm>> -> memref<128x128xi32, #tpu.memory_space<hbm>>
    tpu.enqueue_dma source(%arg13 : memref<128x128xi32, #tpu.memory_space<vmem>>) target(%dma_start3A_49 : memref<128x128xi32, #tpu.memory_space<hbm>>) target_semaphore(%arg18 : memref<!tpu.dma_semaphore, #tpu.memory_space<semaphore_mem>>)
    %dma_start3A_50 = arith.constant 3 : i32
    %dma_start3A_51 = arith.constant 0 : i32
    %dma_start3A_52 = tpu.memref_slice %arg11[%dma_start3A_50, %dma_start3A_51] : memref<4x512xi32, #tpu.memory_space<vmem>> -> memref<1x128xi32, #tpu.memory_space<vmem>>
    %dma_start3A_53 = tpu.memref_squeeze %dma_start3A_52 : memref<1x128xi32, #tpu.memory_space<vmem>> -> memref<128xi32, #tpu.memory_space<vmem>>
    %dma_start3A_54 = arith.constant 0 : i32
    %dma_start3A_55 = arith.constant 0 : i32
    %dma_start3A_56 = tpu.memref_slice %arg6[%dma_start3A_54, %dma_start3A_55] : memref<10000x256xi32, #tpu.memory_space<hbm>> -> memref<10000x256xi32, #tpu.memory_space<hbm>>
    tpu.enqueue_indirect_dma source(%dma_start3A_56 : memref<10000x256xi32, #tpu.memory_space<hbm>>) target(%arg15 : memref<128x256xi32, #tpu.memory_space<vmem>>) offsets(%dma_start3A_53 : memref<128xi32, #tpu.memory_space<vmem>>) semaphore(%arg17 : memref<!tpu.dma_semaphore, #tpu.memory_space<semaphore_mem>>)
    %dma_wait3A_57 = arith.constant 2 : i32
    %dma_wait3A_58 = arith.constant 0 : i32
    %dma_wait3A_59 = tpu.memref_slice %arg11[%dma_wait3A_57, %dma_wait3A_58] : memref<4x512xi32, #tpu.memory_space<vmem>> -> memref<1x128xi32, #tpu.memory_space<vmem>>
    %dma_wait3A_60 = tpu.memref_squeeze %dma_wait3A_59 : memref<1x128xi32, #tpu.memory_space<vmem>> -> memref<128xi32, #tpu.memory_space<vmem>>
    %dma_wait3A_61 = arith.constant 0 : i32
    %dma_wait3A_62 = arith.constant 0 : i32
    %dma_wait3A_63 = tpu.memref_slice %arg5[%dma_wait3A_61, %dma_wait3A_62] : memref<10000x128xf32, #tpu.memory_space<hbm>> -> memref<10000x128xf32, #tpu.memory_space<hbm>>
    tpu.wait_indirect_dma semaphore(%arg17 : memref<!tpu.dma_semaphore, #tpu.memory_space<semaphore_mem>>) src(%dma_wait3A_63 : memref<10000x128xf32, #tpu.memory_space<hbm>>) dst(%arg14 : memref<128x128xf32, #tpu.memory_space<vmem>>)
    %add3A_64 = arith.constant 0 : i32
    %add3A_65 = arith.addi %mul3A_2, %add3A_64 : i32
    %dma_start3A_66 = arith.constant 0 : i32
    %dma_start3A_67 = tpu.memref_slice %arg9[%add3A_65, %dma_start3A_66] : memref<16384x128xf32, #tpu.memory_space<hbm>> -> memref<128x128xf32, #tpu.memory_space<hbm>>
    %dma_start3A_68 = arith.constant 0 : i32
    %dma_start3A_69 = tpu.memref_slice %arg9[%add3A_65, %dma_start3A_68] : memref<16384x128xf32, #tpu.memory_space<hbm>> -> memref<128x128xf32, #tpu.memory_space<hbm>>
    tpu.enqueue_dma source(%arg14 : memref<128x128xf32, #tpu.memory_space<vmem>>) target(%dma_start3A_69 : memref<128x128xf32, #tpu.memory_space<hbm>>) target_semaphore(%arg18 : memref<!tpu.dma_semaphore, #tpu.memory_space<semaphore_mem>>)
    %dma_wait3A_70 = arith.constant 0 : i32
    %dma_wait3A_71 = tpu.memref_slice %arg7[%add3A_25, %dma_wait3A_70] : memref<16384x128xf32, #tpu.memory_space<hbm>> -> memref<128x128xf32, #tpu.memory_space<hbm>>
    %dma_wait3A_72 = arith.constant 0 : i32
    %dma_wait3A_73 = tpu.memref_slice %arg7[%add3A_25, %dma_wait3A_72] : memref<16384x128xf32, #tpu.memory_space<hbm>> -> memref<128x128xf32, #tpu.memory_space<hbm>>
    tpu.wait_dma2 semaphore(%arg18 : memref<!tpu.dma_semaphore, #tpu.memory_space<semaphore_mem>>) src(%arg12 : memref<128x128xf32, #tpu.memory_space<vmem>>) dst(%dma_wait3A_73 : memref<128x128xf32, #tpu.memory_space<hbm>>)
    %dma_start3A_74 = arith.constant 0 : i32
    %dma_start3A_75 = arith.constant 128 : i32
    %dma_start3A_76 = tpu.memref_slice %arg11[%dma_start3A_74, %dma_start3A_75] : memref<4x512xi32, #tpu.memory_space<vmem>> -> memref<1x128xi32, #tpu.memory_space<vmem>>
    %dma_start3A_77 = tpu.memref_squeeze %dma_start3A_76 : memref<1x128xi32, #tpu.memory_space<vmem>> -> memref<128xi32, #tpu.memory_space<vmem>>
    %dma_start3A_78 = arith.constant 0 : i32
    %dma_start3A_79 = arith.constant 0 : i32
    %dma_start3A_80 = tpu.memref_slice %arg3[%dma_start3A_78, %dma_start3A_79] : memref<10000x128xf32, #tpu.memory_space<hbm>> -> memref<10000x128xf32, #tpu.memory_space<hbm>>
    tpu.enqueue_indirect_dma source(%dma_start3A_80 : memref<10000x128xf32, #tpu.memory_space<hbm>>) target(%arg12 : memref<128x128xf32, #tpu.memory_space<vmem>>) offsets(%dma_start3A_77 : memref<128xi32, #tpu.memory_space<vmem>>) semaphore(%arg17 : memref<!tpu.dma_semaphore, #tpu.memory_space<semaphore_mem>>)
    %dma_wait3A_81 = arith.constant 3 : i32
    %dma_wait3A_82 = arith.constant 0 : i32
    %dma_wait3A_83 = tpu.memref_slice %arg11[%dma_wait3A_81, %dma_wait3A_82] : memref<4x512xi32, #tpu.memory_space<vmem>> -> memref<1x128xi32, #tpu.memory_space<vmem>>
    %dma_wait3A_84 = tpu.memref_squeeze %dma_wait3A_83 : memref<1x128xi32, #tpu.memory_space<vmem>> -> memref<128xi32, #tpu.memory_space<vmem>>
    %dma_wait3A_85 = arith.constant 0 : i32
    %dma_wait3A_86 = arith.constant 0 : i32
    %dma_wait3A_87 = tpu.memref_slice %arg6[%dma_wait3A_85, %dma_wait3A_86] : memref<10000x256xi32, #tpu.memory_space<hbm>> -> memref<10000x256xi32, #tpu.memory_space<hbm>>
    tpu.wait_indirect_dma semaphore(%arg17 : memref<!tpu.dma_semaphore, #tpu.memory_space<semaphore_mem>>) src(%dma_wait3A_87 : memref<10000x256xi32, #tpu.memory_space<hbm>>) dst(%arg15 : memref<128x256xi32, #tpu.memory_space<vmem>>)
    %add3A_88 = arith.constant 0 : i32
    %add3A_89 = arith.addi %mul3A_2, %add3A_88 : i32
    %dma_start3A_90 = arith.constant 0 : i32
    %dma_start3A_91 = tpu.memref_slice %arg10[%add3A_89, %dma_start3A_90] : memref<16384x256xi32, #tpu.memory_space<hbm>> -> memref<128x256xi32, #tpu.memory_space<hbm>>
    %dma_start3A_92 = arith.constant 0 : i32
    %dma_start3A_93 = tpu.memref_slice %arg10[%add3A_89, %dma_start3A_92] : memref<16384x256xi32, #tpu.memory_space<hbm>> -> memref<128x256xi32, #tpu.memory_space<hbm>>
    tpu.enqueue_dma source(%arg15 : memref<128x256xi32, #tpu.memory_space<vmem>>) target(%dma_start3A_93 : memref<128x256xi32, #tpu.memory_space<hbm>>) target_semaphore(%arg18 : memref<!tpu.dma_semaphore, #tpu.memory_space<semaphore_mem>>)
    %dma_wait3A_94 = arith.constant 0 : i32
    %dma_wait3A_95 = tpu.memref_slice %arg8[%add3A_45, %dma_wait3A_94] : memref<16384x128xi32, #tpu.memory_space<hbm>> -> memref<128x128xi32, #tpu.memory_space<hbm>>
    %dma_wait3A_96 = arith.constant 0 : i32
    %dma_wait3A_97 = tpu.memref_slice %arg8[%add3A_45, %dma_wait3A_96] : memref<16384x128xi32, #tpu.memory_space<hbm>> -> memref<128x128xi32, #tpu.memory_space<hbm>>
    tpu.wait_dma2 semaphore(%arg18 : memref<!tpu.dma_semaphore, #tpu.memory_space<semaphore_mem>>) src(%arg13 : memref<128x128xi32, #tpu.memory_space<vmem>>) dst(%dma_wait3A_97 : memref<128x128xi32, #tpu.memory_space<hbm>>)
    %dma_start3A_98 = arith.constant 1 : i32
    %dma_start3A_99 = arith.constant 128 : i32
    %dma_start3A_100 = tpu.memref_slice %arg11[%dma_start3A_98, %dma_start3A_99] : memref<4x512xi32, #tpu.memory_space<vmem>> -> memref<1x128xi32, #tpu.memory_space<vmem>>
    %dma_start3A_101 = tpu.memref_squeeze %dma_start3A_100 : memref<1x128xi32, #tpu.memory_space<vmem>> -> memref<128xi32, #tpu.memory_space<vmem>>
    %dma_start3A_102 = arith.constant 0 : i32
    %dma_start3A_103 = arith.constant 0 : i32
    %dma_start3A_104 = tpu.memref_slice %arg4[%dma_start3A_102, %dma_start3A_103] : memref<10000x128xi32, #tpu.memory_space<hbm>> -> memref<10000x128xi32, #tpu.memory_space<hbm>>
    tpu.enqueue_indirect_dma source(%dma_start3A_104 : memref<10000x128xi32, #tpu.memory_space<hbm>>) target(%arg13 : memref<128x128xi32, #tpu.memory_space<vmem>>) offsets(%dma_start3A_101 : memref<128xi32, #tpu.memory_space<vmem>>) semaphore(%arg17 : memref<!tpu.dma_semaphore, #tpu.memory_space<semaphore_mem>>)
    %dma_wait3A_105 = arith.constant 0 : i32
    %dma_wait3A_106 = arith.constant 128 : i32
    %dma_wait3A_107 = tpu.memref_slice %arg11[%dma_wait3A_105, %dma_wait3A_106] : memref<4x512xi32, #tpu.memory_space<vmem>> -> memref<1x128xi32, #tpu.memory_space<vmem>>
    %dma_wait3A_108 = tpu.memref_squeeze %dma_wait3A_107 : memref<1x128xi32, #tpu.memory_space<vmem>> -> memref<128xi32, #tpu.memory_space<vmem>>
    %dma_wait3A_109 = arith.constant 0 : i32
    %dma_wait3A_110 = arith.constant 0 : i32
    %dma_wait3A_111 = tpu.memref_slice %arg3[%dma_wait3A_109, %dma_wait3A_110] : memref<10000x128xf32, #tpu.memory_space<hbm>> -> memref<10000x128xf32, #tpu.memory_space<hbm>>
    tpu.wait_indirect_dma semaphore(%arg17 : memref<!tpu.dma_semaphore, #tpu.memory_space<semaphore_mem>>) src(%dma_wait3A_111 : memref<10000x128xf32, #tpu.memory_space<hbm>>) dst(%arg12 : memref<128x128xf32, #tpu.memory_space<vmem>>)
    %add3A_112 = arith.constant 128 : i32
    %add3A_113 = arith.addi %mul3A_2, %add3A_112 : i32
    %dma_start3A_114 = arith.constant 0 : i32
    %dma_start3A_115 = tpu.memref_slice %arg7[%add3A_113, %dma_start3A_114] : memref<16384x128xf32, #tpu.memory_space<hbm>> -> memref<128x128xf32, #tpu.memory_space<hbm>>
    %dma_start3A_116 = arith.constant 0 : i32
    %dma_start3A_117 = tpu.memref_slice %arg7[%add3A_113, %dma_start3A_116] : memref<16384x128xf32, #tpu.memory_space<hbm>> -> memref<128x128xf32, #tpu.memory_space<hbm>>
    tpu.enqueue_dma source(%arg12 : memref<128x128xf32, #tpu.memory_space<vmem>>) target(%dma_start3A_117 : memref<128x128xf32, #tpu.memory_space<hbm>>) target_semaphore(%arg18 : memref<!tpu.dma_semaphore, #tpu.memory_space<semaphore_mem>>)
    %dma_wait3A_118 = arith.constant 0 : i32
    %dma_wait3A_119 = tpu.memref_slice %arg9[%add3A_65, %dma_wait3A_118] : memref<16384x128xf32, #tpu.memory_space<hbm>> -> memref<128x128xf32, #tpu.memory_space<hbm>>
    %dma_wait3A_120 = arith.constant 0 : i32
    %dma_wait3A_121 = tpu.memref_slice %arg9[%add3A_65, %dma_wait3A_120] : memref<16384x128xf32, #tpu.memory_space<hbm>> -> memref<128x128xf32, #tpu.memory_space<hbm>>
    tpu.wait_dma2 semaphore(%arg18 : memref<!tpu.dma_semaphore, #tpu.memory_space<semaphore_mem>>) src(%arg14 : memref<128x128xf32, #tpu.memory_space<vmem>>) dst(%dma_wait3A_121 : memref<128x128xf32, #tpu.memory_space<hbm>>)
    %dma_start3A_122 = arith.constant 2 : i32
    %dma_start3A_123 = arith.constant 128 : i32
    %dma_start3A_124 = tpu.memref_slice %arg11[%dma_start3A_122, %dma_start3A_123] : memref<4x512xi32, #tpu.memory_space<vmem>> -> memref<1x128xi32, #tpu.memory_space<vmem>>
    %dma_start3A_125 = tpu.memref_squeeze %dma_start3A_124 : memref<1x128xi32, #tpu.memory_space<vmem>> -> memref<128xi32, #tpu.memory_space<vmem>>
    %dma_start3A_126 = arith.constant 0 : i32
    %dma_start3A_127 = arith.constant 0 : i32
    %dma_start3A_128 = tpu.memref_slice %arg5[%dma_start3A_126, %dma_start3A_127] : memref<10000x128xf32, #tpu.memory_space<hbm>> -> memref<10000x128xf32, #tpu.memory_space<hbm>>
    tpu.enqueue_indirect_dma source(%dma_start3A_128 : memref<10000x128xf32, #tpu.memory_space<hbm>>) target(%arg14 : memref<128x128xf32, #tpu.memory_space<vmem>>) offsets(%dma_start3A_125 : memref<128xi32, #tpu.memory_space<vmem>>) semaphore(%arg17 : memref<!tpu.dma_semaphore, #tpu.memory_space<semaphore_mem>>)
    %dma_wait3A_129 = arith.constant 1 : i32
    %dma_wait3A_130 = arith.constant 128 : i32
    %dma_wait3A_131 = tpu.memref_slice %arg11[%dma_wait3A_129, %dma_wait3A_130] : memref<4x512xi32, #tpu.memory_space<vmem>> -> memref<1x128xi32, #tpu.memory_space<vmem>>
    %dma_wait3A_132 = tpu.memref_squeeze %dma_wait3A_131 : memref<1x128xi32, #tpu.memory_space<vmem>> -> memref<128xi32, #tpu.memory_space<vmem>>
    %dma_wait3A_133 = arith.constant 0 : i32
    %dma_wait3A_134 = arith.constant 0 : i32
    %dma_wait3A_135 = tpu.memref_slice %arg4[%dma_wait3A_133, %dma_wait3A_134] : memref<10000x128xi32, #tpu.memory_space<hbm>> -> memref<10000x128xi32, #tpu.memory_space<hbm>>
    tpu.wait_indirect_dma semaphore(%arg17 : memref<!tpu.dma_semaphore, #tpu.memory_space<semaphore_mem>>) src(%dma_wait3A_135 : memref<10000x128xi32, #tpu.memory_space<hbm>>) dst(%arg13 : memref<128x128xi32, #tpu.memory_space<vmem>>)
    %add3A_136 = arith.constant 128 : i32
    %add3A_137 = arith.addi %mul3A_2, %add3A_136 : i32
    %dma_start3A_138 = arith.constant 0 : i32
    %dma_start3A_139 = tpu.memref_slice %arg8[%add3A_137, %dma_start3A_138] : memref<16384x128xi32, #tpu.memory_space<hbm>> -> memref<128x128xi32, #tpu.memory_space<hbm>>
    %dma_start3A_140 = arith.constant 0 : i32
    %dma_start3A_141 = tpu.memref_slice %arg8[%add3A_137, %dma_start3A_140] : memref<16384x128xi32, #tpu.memory_space<hbm>> -> memref<128x128xi32, #tpu.memory_space<hbm>>
    tpu.enqueue_dma source(%arg13 : memref<128x128xi32, #tpu.memory_space<vmem>>) target(%dma_start3A_141 : memref<128x128xi32, #tpu.memory_space<hbm>>) target_semaphore(%arg18 : memref<!tpu.dma_semaphore, #tpu.memory_space<semaphore_mem>>)
    %dma_start3A_142 = arith.constant 3 : i32
    %dma_start3A_143 = arith.constant 128 : i32
    %dma_start3A_144 = tpu.memref_slice %arg11[%dma_start3A_142, %dma_start3A_143] : memref<4x512xi32, #tpu.memory_space<vmem>> -> memref<1x128xi32, #tpu.memory_space<vmem>>
    %dma_start3A_145 = tpu.memref_squeeze %dma_start3A_144 : memref<1x128xi32, #tpu.memory_space<vmem>> -> memref<128xi32, #tpu.memory_space<vmem>>
    %dma_start3A_146 = arith.constant 0 : i32
    %dma_start3A_147 = arith.constant 0 : i32
    %dma_start3A_148 = tpu.memref_slice %arg6[%dma_start3A_146, %dma_start3A_147] : memref<10000x256xi32, #tpu.memory_space<hbm>> -> memref<10000x256xi32, #tpu.memory_space<hbm>>
    tpu.enqueue_indirect_dma source(%dma_start3A_148 : memref<10000x256xi32, #tpu.memory_space<hbm>>) target(%arg16 : memref<128x256xi32, #tpu.memory_space<vmem>>) offsets(%dma_start3A_145 : memref<128xi32, #tpu.memory_space<vmem>>) semaphore(%arg17 : memref<!tpu.dma_semaphore, #tpu.memory_space<semaphore_mem>>)
    %dma_wait3A_149 = arith.constant 2 : i32
    %dma_wait3A_150 = arith.constant 128 : i32
    %dma_wait3A_151 = tpu.memref_slice %arg11[%dma_wait3A_149, %dma_wait3A_150] : memref<4x512xi32, #tpu.memory_space<vmem>> -> memref<1x128xi32, #tpu.memory_space<vmem>>
    %dma_wait3A_152 = tpu.memref_squeeze %dma_wait3A_151 : memref<1x128xi32, #tpu.memory_space<vmem>> -> memref<128xi32, #tpu.memory_space<vmem>>
    %dma_wait3A_153 = arith.constant 0 : i32
    %dma_wait3A_154 = arith.constant 0 : i32
    %dma_wait3A_155 = tpu.memref_slice %arg5[%dma_wait3A_153, %dma_wait3A_154] : memref<10000x128xf32, #tpu.memory_space<hbm>> -> memref<10000x128xf32, #tpu.memory_space<hbm>>
    tpu.wait_indirect_dma semaphore(%arg17 : memref<!tpu.dma_semaphore, #tpu.memory_space<semaphore_mem>>) src(%dma_wait3A_155 : memref<10000x128xf32, #tpu.memory_space<hbm>>) dst(%arg14 : memref<128x128xf32, #tpu.memory_space<vmem>>)
    %add3A_156 = arith.constant 128 : i32
    %add3A_157 = arith.addi %mul3A_2, %add3A_156 : i32
    %dma_start3A_158 = arith.constant 0 : i32
    %dma_start3A_159 = tpu.memref_slice %arg9[%add3A_157, %dma_start3A_158] : memref<16384x128xf32, #tpu.memory_space<hbm>> -> memref<128x128xf32, #tpu.memory_space<hbm>>
    %dma_start3A_160 = arith.constant 0 : i32
    %dma_start3A_161 = tpu.memref_slice %arg9[%add3A_157, %dma_start3A_160] : memref<16384x128xf32, #tpu.memory_space<hbm>> -> memref<128x128xf32, #tpu.memory_space<hbm>>
    tpu.enqueue_dma source(%arg14 : memref<128x128xf32, #tpu.memory_space<vmem>>) target(%dma_start3A_161 : memref<128x128xf32, #tpu.memory_space<hbm>>) target_semaphore(%arg18 : memref<!tpu.dma_semaphore, #tpu.memory_space<semaphore_mem>>)
    %dma_wait3A_162 = arith.constant 0 : i32
    %dma_wait3A_163 = tpu.memref_slice %arg10[%add3A_89, %dma_wait3A_162] : memref<16384x256xi32, #tpu.memory_space<hbm>> -> memref<128x256xi32, #tpu.memory_space<hbm>>
    %dma_wait3A_164 = arith.constant 0 : i32
    %dma_wait3A_165 = tpu.memref_slice %arg10[%add3A_89, %dma_wait3A_164] : memref<16384x256xi32, #tpu.memory_space<hbm>> -> memref<128x256xi32, #tpu.memory_space<hbm>>
    tpu.wait_dma2 semaphore(%arg18 : memref<!tpu.dma_semaphore, #tpu.memory_space<semaphore_mem>>) src(%arg15 : memref<128x256xi32, #tpu.memory_space<vmem>>) dst(%dma_wait3A_165 : memref<128x256xi32, #tpu.memory_space<hbm>>)
    %dma_wait3A_166 = arith.constant 0 : i32
    %dma_wait3A_167 = tpu.memref_slice %arg7[%add3A_113, %dma_wait3A_166] : memref<16384x128xf32, #tpu.memory_space<hbm>> -> memref<128x128xf32, #tpu.memory_space<hbm>>
    %dma_wait3A_168 = arith.constant 0 : i32
    %dma_wait3A_169 = tpu.memref_slice %arg7[%add3A_113, %dma_wait3A_168] : memref<16384x128xf32, #tpu.memory_space<hbm>> -> memref<128x128xf32, #tpu.memory_space<hbm>>
    tpu.wait_dma2 semaphore(%arg18 : memref<!tpu.dma_semaphore, #tpu.memory_space<semaphore_mem>>) src(%arg12 : memref<128x128xf32, #tpu.memory_space<vmem>>) dst(%dma_wait3A_169 : memref<128x128xf32, #tpu.memory_space<hbm>>)
    %dma_start3A_170 = arith.constant 0 : i32
    %dma_start3A_171 = arith.constant 256 : i32
    %dma_start3A_172 = tpu.memref_slice %arg11[%dma_start3A_170, %dma_start3A_171] : memref<4x512xi32, #tpu.memory_space<vmem>> -> memref<1x128xi32, #tpu.memory_space<vmem>>
    %dma_start3A_173 = tpu.memref_squeeze %dma_start3A_172 : memref<1x128xi32, #tpu.memory_space<vmem>> -> memref<128xi32, #tpu.memory_space<vmem>>
    %dma_start3A_174 = arith.constant 0 : i32
    %dma_start3A_175 = arith.constant 0 : i32
    %dma_start3A_176 = tpu.memref_slice %arg3[%dma_start3A_174, %dma_start3A_175] : memref<10000x128xf32, #tpu.memory_space<hbm>> -> memref<10000x128xf32, #tpu.memory_space<hbm>>
    tpu.enqueue_indirect_dma source(%dma_start3A_176 : memref<10000x128xf32, #tpu.memory_space<hbm>>) target(%arg12 : memref<128x128xf32, #tpu.memory_space<vmem>>) offsets(%dma_start3A_173 : memref<128xi32, #tpu.memory_space<vmem>>) semaphore(%arg17 : memref<!tpu.dma_semaphore, #tpu.memory_space<semaphore_mem>>)
    %dma_wait3A_177 = arith.constant 3 : i32
    %dma_wait3A_178 = arith.constant 128 : i32
    %dma_wait3A_179 = tpu.memref_slice %arg11[%dma_wait3A_177, %dma_wait3A_178] : memref<4x512xi32, #tpu.memory_space<vmem>> -> memref<1x128xi32, #tpu.memory_space<vmem>>
    %dma_wait3A_180 = tpu.memref_squeeze %dma_wait3A_179 : memref<1x128xi32, #tpu.memory_space<vmem>> -> memref<128xi32, #tpu.memory_space<vmem>>
    %dma_wait3A_181 = arith.constant 0 : i32
    %dma_wait3A_182 = arith.constant 0 : i32
    %dma_wait3A_183 = tpu.memref_slice %arg6[%dma_wait3A_181, %dma_wait3A_182] : memref<10000x256xi32, #tpu.memory_space<hbm>> -> memref<10000x256xi32, #tpu.memory_space<hbm>>
    tpu.wait_indirect_dma semaphore(%arg17 : memref<!tpu.dma_semaphore, #tpu.memory_space<semaphore_mem>>) src(%dma_wait3A_183 : memref<10000x256xi32, #tpu.memory_space<hbm>>) dst(%arg16 : memref<128x256xi32, #tpu.memory_space<vmem>>)
    %add3A_184 = arith.constant 128 : i32
    %add3A_185 = arith.addi %mul3A_2, %add3A_184 : i32
    %dma_start3A_186 = arith.constant 0 : i32
    %dma_start3A_187 = tpu.memref_slice %arg10[%add3A_185, %dma_start3A_186] : memref<16384x256xi32, #tpu.memory_space<hbm>> -> memref<128x256xi32, #tpu.memory_space<hbm>>
    %dma_start3A_188 = arith.constant 0 : i32
    %dma_start3A_189 = tpu.memref_slice %arg10[%add3A_185, %dma_start3A_188] : memref<16384x256xi32, #tpu.memory_space<hbm>> -> memref<128x256xi32, #tpu.memory_space<hbm>>
    tpu.enqueue_dma source(%arg16 : memref<128x256xi32, #tpu.memory_space<vmem>>) target(%dma_start3A_189 : memref<128x256xi32, #tpu.memory_space<hbm>>) target_semaphore(%arg18 : memref<!tpu.dma_semaphore, #tpu.memory_space<semaphore_mem>>)
    %dma_wait3A_190 = arith.constant 0 : i32
    %dma_wait3A_191 = tpu.memref_slice %arg8[%add3A_137, %dma_wait3A_190] : memref<16384x128xi32, #tpu.memory_space<hbm>> -> memref<128x128xi32, #tpu.memory_space<hbm>>
    %dma_wait3A_192 = arith.constant 0 : i32
    %dma_wait3A_193 = tpu.memref_slice %arg8[%add3A_137, %dma_wait3A_192] : memref<16384x128xi32, #tpu.memory_space<hbm>> -> memref<128x128xi32, #tpu.memory_space<hbm>>
    tpu.wait_dma2 semaphore(%arg18 : memref<!tpu.dma_semaphore, #tpu.memory_space<semaphore_mem>>) src(%arg13 : memref<128x128xi32, #tpu.memory_space<vmem>>) dst(%dma_wait3A_193 : memref<128x128xi32, #tpu.memory_space<hbm>>)
    %dma_start3A_194 = arith.constant 1 : i32
    %dma_start3A_195 = arith.constant 256 : i32
    %dma_start3A_196 = tpu.memref_slice %arg11[%dma_start3A_194, %dma_start3A_195] : memref<4x512xi32, #tpu.memory_space<vmem>> -> memref<1x128xi32, #tpu.memory_space<vmem>>
    %dma_start3A_197 = tpu.memref_squeeze %dma_start3A_196 : memref<1x128xi32, #tpu.memory_space<vmem>> -> memref<128xi32, #tpu.memory_space<vmem>>
    %dma_start3A_198 = arith.constant 0 : i32
    %dma_start3A_199 = arith.constant 0 : i32
    %dma_start3A_200 = tpu.memref_slice %arg4[%dma_start3A_198, %dma_start3A_199] : memref<10000x128xi32, #tpu.memory_space<hbm>> -> memref<10000x128xi32, #tpu.memory_space<hbm>>
    tpu.enqueue_indirect_dma source(%dma_start3A_200 : memref<10000x128xi32, #tpu.memory_space<hbm>>) target(%arg13 : memref<128x128xi32, #tpu.memory_space<vmem>>) offsets(%dma_start3A_197 : memref<128xi32, #tpu.memory_space<vmem>>) semaphore(%arg17 : memref<!tpu.dma_semaphore, #tpu.memory_space<semaphore_mem>>)
    %dma_wait3A_201 = arith.constant 0 : i32
    %dma_wait3A_202 = arith.constant 256 : i32
    %dma_wait3A_203 = tpu.memref_slice %arg11[%dma_wait3A_201, %dma_wait3A_202] : memref<4x512xi32, #tpu.memory_space<vmem>> -> memref<1x128xi32, #tpu.memory_space<vmem>>
    %dma_wait3A_204 = tpu.memref_squeeze %dma_wait3A_203 : memref<1x128xi32, #tpu.memory_space<vmem>> -> memref<128xi32, #tpu.memory_space<vmem>>
    %dma_wait3A_205 = arith.constant 0 : i32
    %dma_wait3A_206 = arith.constant 0 : i32
    %dma_wait3A_207 = tpu.memref_slice %arg3[%dma_wait3A_205, %dma_wait3A_206] : memref<10000x128xf32, #tpu.memory_space<hbm>> -> memref<10000x128xf32, #tpu.memory_space<hbm>>
    tpu.wait_indirect_dma semaphore(%arg17 : memref<!tpu.dma_semaphore, #tpu.memory_space<semaphore_mem>>) src(%dma_wait3A_207 : memref<10000x128xf32, #tpu.memory_space<hbm>>) dst(%arg12 : memref<128x128xf32, #tpu.memory_space<vmem>>)
    %add3A_208 = arith.constant 256 : i32
    %add3A_209 = arith.addi %mul3A_2, %add3A_208 : i32
    %dma_start3A_210 = arith.constant 0 : i32
    %dma_start3A_211 = tpu.memref_slice %arg7[%add3A_209, %dma_start3A_210] : memref<16384x128xf32, #tpu.memory_space<hbm>> -> memref<128x128xf32, #tpu.memory_space<hbm>>
    %dma_start3A_212 = arith.constant 0 : i32
    %dma_start3A_213 = tpu.memref_slice %arg7[%add3A_209, %dma_start3A_212] : memref<16384x128xf32, #tpu.memory_space<hbm>> -> memref<128x128xf32, #tpu.memory_space<hbm>>
    tpu.enqueue_dma source(%arg12 : memref<128x128xf32, #tpu.memory_space<vmem>>) target(%dma_start3A_213 : memref<128x128xf32, #tpu.memory_space<hbm>>) target_semaphore(%arg18 : memref<!tpu.dma_semaphore, #tpu.memory_space<semaphore_mem>>)
    %dma_wait3A_214 = arith.constant 0 : i32
    %dma_wait3A_215 = tpu.memref_slice %arg9[%add3A_157, %dma_wait3A_214] : memref<16384x128xf32, #tpu.memory_space<hbm>> -> memref<128x128xf32, #tpu.memory_space<hbm>>
    %dma_wait3A_216 = arith.constant 0 : i32
    %dma_wait3A_217 = tpu.memref_slice %arg9[%add3A_157, %dma_wait3A_216] : memref<16384x128xf32, #tpu.memory_space<hbm>> -> memref<128x128xf32, #tpu.memory_space<hbm>>
    tpu.wait_dma2 semaphore(%arg18 : memref<!tpu.dma_semaphore, #tpu.memory_space<semaphore_mem>>) src(%arg14 : memref<128x128xf32, #tpu.memory_space<vmem>>) dst(%dma_wait3A_217 : memref<128x128xf32, #tpu.memory_space<hbm>>)
    %dma_start3A_218 = arith.constant 2 : i32
    %dma_start3A_219 = arith.constant 256 : i32
    %dma_start3A_220 = tpu.memref_slice %arg11[%dma_start3A_218, %dma_start3A_219] : memref<4x512xi32, #tpu.memory_space<vmem>> -> memref<1x128xi32, #tpu.memory_space<vmem>>
    %dma_start3A_221 = tpu.memref_squeeze %dma_start3A_220 : memref<1x128xi32, #tpu.memory_space<vmem>> -> memref<128xi32, #tpu.memory_space<vmem>>
    %dma_start3A_222 = arith.constant 0 : i32
    %dma_start3A_223 = arith.constant 0 : i32
    %dma_start3A_224 = tpu.memref_slice %arg5[%dma_start3A_222, %dma_start3A_223] : memref<10000x128xf32, #tpu.memory_space<hbm>> -> memref<10000x128xf32, #tpu.memory_space<hbm>>
    tpu.enqueue_indirect_dma source(%dma_start3A_224 : memref<10000x128xf32, #tpu.memory_space<hbm>>) target(%arg14 : memref<128x128xf32, #tpu.memory_space<vmem>>) offsets(%dma_start3A_221 : memref<128xi32, #tpu.memory_space<vmem>>) semaphore(%arg17 : memref<!tpu.dma_semaphore, #tpu.memory_space<semaphore_mem>>)
    %dma_wait3A_225 = arith.constant 1 : i32
    %dma_wait3A_226 = arith.constant 256 : i32
    %dma_wait3A_227 = tpu.memref_slice %arg11[%dma_wait3A_225, %dma_wait3A_226] : memref<4x512xi32, #tpu.memory_space<vmem>> -> memref<1x128xi32, #tpu.memory_space<vmem>>
    %dma_wait3A_228 = tpu.memref_squeeze %dma_wait3A_227 : memref<1x128xi32, #tpu.memory_space<vmem>> -> memref<128xi32, #tpu.memory_space<vmem>>
    %dma_wait3A_229 = arith.constant 0 : i32
    %dma_wait3A_230 = arith.constant 0 : i32
    %dma_wait3A_231 = tpu.memref_slice %arg4[%dma_wait3A_229, %dma_wait3A_230] : memref<10000x128xi32, #tpu.memory_space<hbm>> -> memref<10000x128xi32, #tpu.memory_space<hbm>>
    tpu.wait_indirect_dma semaphore(%arg17 : memref<!tpu.dma_semaphore, #tpu.memory_space<semaphore_mem>>) src(%dma_wait3A_231 : memref<10000x128xi32, #tpu.memory_space<hbm>>) dst(%arg13 : memref<128x128xi32, #tpu.memory_space<vmem>>)
    %add3A_232 = arith.constant 256 : i32
    %add3A_233 = arith.addi %mul3A_2, %add3A_232 : i32
    %dma_start3A_234 = arith.constant 0 : i32
    %dma_start3A_235 = tpu.memref_slice %arg8[%add3A_233, %dma_start3A_234] : memref<16384x128xi32, #tpu.memory_space<hbm>> -> memref<128x128xi32, #tpu.memory_space<hbm>>
    %dma_start3A_236 = arith.constant 0 : i32
    %dma_start3A_237 = tpu.memref_slice %arg8[%add3A_233, %dma_start3A_236] : memref<16384x128xi32, #tpu.memory_space<hbm>> -> memref<128x128xi32, #tpu.memory_space<hbm>>
    tpu.enqueue_dma source(%arg13 : memref<128x128xi32, #tpu.memory_space<vmem>>) target(%dma_start3A_237 : memref<128x128xi32, #tpu.memory_space<hbm>>) target_semaphore(%arg18 : memref<!tpu.dma_semaphore, #tpu.memory_space<semaphore_mem>>)
    %dma_start3A_238 = arith.constant 3 : i32
    %dma_start3A_239 = arith.constant 256 : i32
    %dma_start3A_240 = tpu.memref_slice %arg11[%dma_start3A_238, %dma_start3A_239] : memref<4x512xi32, #tpu.memory_space<vmem>> -> memref<1x128xi32, #tpu.memory_space<vmem>>
    %dma_start3A_241 = tpu.memref_squeeze %dma_start3A_240 : memref<1x128xi32, #tpu.memory_space<vmem>> -> memref<128xi32, #tpu.memory_space<vmem>>
    %dma_start3A_242 = arith.constant 0 : i32
    %dma_start3A_243 = arith.constant 0 : i32
    %dma_start3A_244 = tpu.memref_slice %arg6[%dma_start3A_242, %dma_start3A_243] : memref<10000x256xi32, #tpu.memory_space<hbm>> -> memref<10000x256xi32, #tpu.memory_space<hbm>>
    tpu.enqueue_indirect_dma source(%dma_start3A_244 : memref<10000x256xi32, #tpu.memory_space<hbm>>) target(%arg15 : memref<128x256xi32, #tpu.memory_space<vmem>>) offsets(%dma_start3A_241 : memref<128xi32, #tpu.memory_space<vmem>>) semaphore(%arg17 : memref<!tpu.dma_semaphore, #tpu.memory_space<semaphore_mem>>)
    %dma_wait3A_245 = arith.constant 2 : i32
    %dma_wait3A_246 = arith.constant 256 : i32
    %dma_wait3A_247 = tpu.memref_slice %arg11[%dma_wait3A_245, %dma_wait3A_246] : memref<4x512xi32, #tpu.memory_space<vmem>> -> memref<1x128xi32, #tpu.memory_space<vmem>>
    %dma_wait3A_248 = tpu.memref_squeeze %dma_wait3A_247 : memref<1x128xi32, #tpu.memory_space<vmem>> -> memref<128xi32, #tpu.memory_space<vmem>>
    %dma_wait3A_249 = arith.constant 0 : i32
    %dma_wait3A_250 = arith.constant 0 : i32
    %dma_wait3A_251 = tpu.memref_slice %arg5[%dma_wait3A_249, %dma_wait3A_250] : memref<10000x128xf32, #tpu.memory_space<hbm>> -> memref<10000x128xf32, #tpu.memory_space<hbm>>
    tpu.wait_indirect_dma semaphore(%arg17 : memref<!tpu.dma_semaphore, #tpu.memory_space<semaphore_mem>>) src(%dma_wait3A_251 : memref<10000x128xf32, #tpu.memory_space<hbm>>) dst(%arg14 : memref<128x128xf32, #tpu.memory_space<vmem>>)
    %add3A_252 = arith.constant 256 : i32
    %add3A_253 = arith.addi %mul3A_2, %add3A_252 : i32
    %dma_start3A_254 = arith.constant 0 : i32
    %dma_start3A_255 = tpu.memref_slice %arg9[%add3A_253, %dma_start3A_254] : memref<16384x128xf32, #tpu.memory_space<hbm>> -> memref<128x128xf32, #tpu.memory_space<hbm>>
    %dma_start3A_256 = arith.constant 0 : i32
    %dma_start3A_257 = tpu.memref_slice %arg9[%add3A_253, %dma_start3A_256] : memref<16384x128xf32, #tpu.memory_space<hbm>> -> memref<128x128xf32, #tpu.memory_space<hbm>>
    tpu.enqueue_dma source(%arg14 : memref<128x128xf32, #tpu.memory_space<vmem>>) target(%dma_start3A_257 : memref<128x128xf32, #tpu.memory_space<hbm>>) target_semaphore(%arg18 : memref<!tpu.dma_semaphore, #tpu.memory_space<semaphore_mem>>)
    %dma_wait3A_258 = arith.constant 0 : i32
    %dma_wait3A_259 = tpu.memref_slice %arg10[%add3A_185, %dma_wait3A_258] : memref<16384x256xi32, #tpu.memory_space<hbm>> -> memref<128x256xi32, #tpu.memory_space<hbm>>
    %dma_wait3A_260 = arith.constant 0 : i32
    %dma_wait3A_261 = tpu.memref_slice %arg10[%add3A_185, %dma_wait3A_260] : memref<16384x256xi32, #tpu.memory_space<hbm>> -> memref<128x256xi32, #tpu.memory_space<hbm>>
    tpu.wait_dma2 semaphore(%arg18 : memref<!tpu.dma_semaphore, #tpu.memory_space<semaphore_mem>>) src(%arg16 : memref<128x256xi32, #tpu.memory_space<vmem>>) dst(%dma_wait3A_261 : memref<128x256xi32, #tpu.memory_space<hbm>>)
    %dma_wait3A_262 = arith.constant 0 : i32
    %dma_wait3A_263 = tpu.memref_slice %arg7[%add3A_209, %dma_wait3A_262] : memref<16384x128xf32, #tpu.memory_space<hbm>> -> memref<128x128xf32, #tpu.memory_space<hbm>>
    %dma_wait3A_264 = arith.constant 0 : i32
    %dma_wait3A_265 = tpu.memref_slice %arg7[%add3A_209, %dma_wait3A_264] : memref<16384x128xf32, #tpu.memory_space<hbm>> -> memref<128x128xf32, #tpu.memory_space<hbm>>
    tpu.wait_dma2 semaphore(%arg18 : memref<!tpu.dma_semaphore, #tpu.memory_space<semaphore_mem>>) src(%arg12 : memref<128x128xf32, #tpu.memory_space<vmem>>) dst(%dma_wait3A_265 : memref<128x128xf32, #tpu.memory_space<hbm>>)
    %dma_start3A_266 = arith.constant 0 : i32
    %dma_start3A_267 = arith.constant 384 : i32
    %dma_start3A_268 = tpu.memref_slice %arg11[%dma_start3A_266, %dma_start3A_267] : memref<4x512xi32, #tpu.memory_space<vmem>> -> memref<1x128xi32, #tpu.memory_space<vmem>>
    %dma_start3A_269 = tpu.memref_squeeze %dma_start3A_268 : memref<1x128xi32, #tpu.memory_space<vmem>> -> memref<128xi32, #tpu.memory_space<vmem>>
    %dma_start3A_270 = arith.constant 0 : i32
    %dma_start3A_271 = arith.constant 0 : i32
    %dma_start3A_272 = tpu.memref_slice %arg3[%dma_start3A_270, %dma_start3A_271] : memref<10000x128xf32, #tpu.memory_space<hbm>> -> memref<10000x128xf32, #tpu.memory_space<hbm>>
    tpu.enqueue_indirect_dma source(%dma_start3A_272 : memref<10000x128xf32, #tpu.memory_space<hbm>>) target(%arg12 : memref<128x128xf32, #tpu.memory_space<vmem>>) offsets(%dma_start3A_269 : memref<128xi32, #tpu.memory_space<vmem>>) semaphore(%arg17 : memref<!tpu.dma_semaphore, #tpu.memory_space<semaphore_mem>>)
    %dma_wait3A_273 = arith.constant 3 : i32
    %dma_wait3A_274 = arith.constant 256 : i32
    %dma_wait3A_275 = tpu.memref_slice %arg11[%dma_wait3A_273, %dma_wait3A_274] : memref<4x512xi32, #tpu.memory_space<vmem>> -> memref<1x128xi32, #tpu.memory_space<vmem>>
    %dma_wait3A_276 = tpu.memref_squeeze %dma_wait3A_275 : memref<1x128xi32, #tpu.memory_space<vmem>> -> memref<128xi32, #tpu.memory_space<vmem>>
    %dma_wait3A_277 = arith.constant 0 : i32
    %dma_wait3A_278 = arith.constant 0 : i32
    %dma_wait3A_279 = tpu.memref_slice %arg6[%dma_wait3A_277, %dma_wait3A_278] : memref<10000x256xi32, #tpu.memory_space<hbm>> -> memref<10000x256xi32, #tpu.memory_space<hbm>>
    tpu.wait_indirect_dma semaphore(%arg17 : memref<!tpu.dma_semaphore, #tpu.memory_space<semaphore_mem>>) src(%dma_wait3A_279 : memref<10000x256xi32, #tpu.memory_space<hbm>>) dst(%arg15 : memref<128x256xi32, #tpu.memory_space<vmem>>)
    %add3A_280 = arith.constant 256 : i32
    %add3A_281 = arith.addi %mul3A_2, %add3A_280 : i32
    %dma_start3A_282 = arith.constant 0 : i32
    %dma_start3A_283 = tpu.memref_slice %arg10[%add3A_281, %dma_start3A_282] : memref<16384x256xi32, #tpu.memory_space<hbm>> -> memref<128x256xi32, #tpu.memory_space<hbm>>
    %dma_start3A_284 = arith.constant 0 : i32
    %dma_start3A_285 = tpu.memref_slice %arg10[%add3A_281, %dma_start3A_284] : memref<16384x256xi32, #tpu.memory_space<hbm>> -> memref<128x256xi32, #tpu.memory_space<hbm>>
    tpu.enqueue_dma source(%arg15 : memref<128x256xi32, #tpu.memory_space<vmem>>) target(%dma_start3A_285 : memref<128x256xi32, #tpu.memory_space<hbm>>) target_semaphore(%arg18 : memref<!tpu.dma_semaphore, #tpu.memory_space<semaphore_mem>>)
    %dma_wait3A_286 = arith.constant 0 : i32
    %dma_wait3A_287 = tpu.memref_slice %arg8[%add3A_233, %dma_wait3A_286] : memref<16384x128xi32, #tpu.memory_space<hbm>> -> memref<128x128xi32, #tpu.memory_space<hbm>>
    %dma_wait3A_288 = arith.constant 0 : i32
    %dma_wait3A_289 = tpu.memref_slice %arg8[%add3A_233, %dma_wait3A_288] : memref<16384x128xi32, #tpu.memory_space<hbm>> -> memref<128x128xi32, #tpu.memory_space<hbm>>
    tpu.wait_dma2 semaphore(%arg18 : memref<!tpu.dma_semaphore, #tpu.memory_space<semaphore_mem>>) src(%arg13 : memref<128x128xi32, #tpu.memory_space<vmem>>) dst(%dma_wait3A_289 : memref<128x128xi32, #tpu.memory_space<hbm>>)
    %dma_start3A_290 = arith.constant 1 : i32
    %dma_start3A_291 = arith.constant 384 : i32
    %dma_start3A_292 = tpu.memref_slice %arg11[%dma_start3A_290, %dma_start3A_291] : memref<4x512xi32, #tpu.memory_space<vmem>> -> memref<1x128xi32, #tpu.memory_space<vmem>>
    %dma_start3A_293 = tpu.memref_squeeze %dma_start3A_292 : memref<1x128xi32, #tpu.memory_space<vmem>> -> memref<128xi32, #tpu.memory_space<vmem>>
    %dma_start3A_294 = arith.constant 0 : i32
    %dma_start3A_295 = arith.constant 0 : i32
    %dma_start3A_296 = tpu.memref_slice %arg4[%dma_start3A_294, %dma_start3A_295] : memref<10000x128xi32, #tpu.memory_space<hbm>> -> memref<10000x128xi32, #tpu.memory_space<hbm>>
    tpu.enqueue_indirect_dma source(%dma_start3A_296 : memref<10000x128xi32, #tpu.memory_space<hbm>>) target(%arg13 : memref<128x128xi32, #tpu.memory_space<vmem>>) offsets(%dma_start3A_293 : memref<128xi32, #tpu.memory_space<vmem>>) semaphore(%arg17 : memref<!tpu.dma_semaphore, #tpu.memory_space<semaphore_mem>>)
    %dma_wait3A_297 = arith.constant 0 : i32
    %dma_wait3A_298 = arith.constant 384 : i32
    %dma_wait3A_299 = tpu.memref_slice %arg11[%dma_wait3A_297, %dma_wait3A_298] : memref<4x512xi32, #tpu.memory_space<vmem>> -> memref<1x128xi32, #tpu.memory_space<vmem>>
    %dma_wait3A_300 = tpu.memref_squeeze %dma_wait3A_299 : memref<1x128xi32, #tpu.memory_space<vmem>> -> memref<128xi32, #tpu.memory_space<vmem>>
    %dma_wait3A_301 = arith.constant 0 : i32
    %dma_wait3A_302 = arith.constant 0 : i32
    %dma_wait3A_303 = tpu.memref_slice %arg3[%dma_wait3A_301, %dma_wait3A_302] : memref<10000x128xf32, #tpu.memory_space<hbm>> -> memref<10000x128xf32, #tpu.memory_space<hbm>>
    tpu.wait_indirect_dma semaphore(%arg17 : memref<!tpu.dma_semaphore, #tpu.memory_space<semaphore_mem>>) src(%dma_wait3A_303 : memref<10000x128xf32, #tpu.memory_space<hbm>>) dst(%arg12 : memref<128x128xf32, #tpu.memory_space<vmem>>)
    %add3A_304 = arith.constant 384 : i32
    %add3A_305 = arith.addi %mul3A_2, %add3A_304 : i32
    %dma_start3A_306 = arith.constant 0 : i32
    %dma_start3A_307 = tpu.memref_slice %arg7[%add3A_305, %dma_start3A_306] : memref<16384x128xf32, #tpu.memory_space<hbm>> -> memref<128x128xf32, #tpu.memory_space<hbm>>
    %dma_start3A_308 = arith.constant 0 : i32
    %dma_start3A_309 = tpu.memref_slice %arg7[%add3A_305, %dma_start3A_308] : memref<16384x128xf32, #tpu.memory_space<hbm>> -> memref<128x128xf32, #tpu.memory_space<hbm>>
    tpu.enqueue_dma source(%arg12 : memref<128x128xf32, #tpu.memory_space<vmem>>) target(%dma_start3A_309 : memref<128x128xf32, #tpu.memory_space<hbm>>) target_semaphore(%arg18 : memref<!tpu.dma_semaphore, #tpu.memory_space<semaphore_mem>>)
    %dma_wait3A_310 = arith.constant 0 : i32
    %dma_wait3A_311 = tpu.memref_slice %arg9[%add3A_253, %dma_wait3A_310] : memref<16384x128xf32, #tpu.memory_space<hbm>> -> memref<128x128xf32, #tpu.memory_space<hbm>>
    %dma_wait3A_312 = arith.constant 0 : i32
    %dma_wait3A_313 = tpu.memref_slice %arg9[%add3A_253, %dma_wait3A_312] : memref<16384x128xf32, #tpu.memory_space<hbm>> -> memref<128x128xf32, #tpu.memory_space<hbm>>
    tpu.wait_dma2 semaphore(%arg18 : memref<!tpu.dma_semaphore, #tpu.memory_space<semaphore_mem>>) src(%arg14 : memref<128x128xf32, #tpu.memory_space<vmem>>) dst(%dma_wait3A_313 : memref<128x128xf32, #tpu.memory_space<hbm>>)
    %dma_start3A_314 = arith.constant 2 : i32
    %dma_start3A_315 = arith.constant 384 : i32
    %dma_start3A_316 = tpu.memref_slice %arg11[%dma_start3A_314, %dma_start3A_315] : memref<4x512xi32, #tpu.memory_space<vmem>> -> memref<1x128xi32, #tpu.memory_space<vmem>>
    %dma_start3A_317 = tpu.memref_squeeze %dma_start3A_316 : memref<1x128xi32, #tpu.memory_space<vmem>> -> memref<128xi32, #tpu.memory_space<vmem>>
    %dma_start3A_318 = arith.constant 0 : i32
    %dma_start3A_319 = arith.constant 0 : i32
    %dma_start3A_320 = tpu.memref_slice %arg5[%dma_start3A_318, %dma_start3A_319] : memref<10000x128xf32, #tpu.memory_space<hbm>> -> memref<10000x128xf32, #tpu.memory_space<hbm>>
    tpu.enqueue_indirect_dma source(%dma_start3A_320 : memref<10000x128xf32, #tpu.memory_space<hbm>>) target(%arg14 : memref<128x128xf32, #tpu.memory_space<vmem>>) offsets(%dma_start3A_317 : memref<128xi32, #tpu.memory_space<vmem>>) semaphore(%arg17 : memref<!tpu.dma_semaphore, #tpu.memory_space<semaphore_mem>>)
    %dma_wait3A_321 = arith.constant 1 : i32
    %dma_wait3A_322 = arith.constant 384 : i32
    %dma_wait3A_323 = tpu.memref_slice %arg11[%dma_wait3A_321, %dma_wait3A_322] : memref<4x512xi32, #tpu.memory_space<vmem>> -> memref<1x128xi32, #tpu.memory_space<vmem>>
    %dma_wait3A_324 = tpu.memref_squeeze %dma_wait3A_323 : memref<1x128xi32, #tpu.memory_space<vmem>> -> memref<128xi32, #tpu.memory_space<vmem>>
    %dma_wait3A_325 = arith.constant 0 : i32
    %dma_wait3A_326 = arith.constant 0 : i32
    %dma_wait3A_327 = tpu.memref_slice %arg4[%dma_wait3A_325, %dma_wait3A_326] : memref<10000x128xi32, #tpu.memory_space<hbm>> -> memref<10000x128xi32, #tpu.memory_space<hbm>>
    tpu.wait_indirect_dma semaphore(%arg17 : memref<!tpu.dma_semaphore, #tpu.memory_space<semaphore_mem>>) src(%dma_wait3A_327 : memref<10000x128xi32, #tpu.memory_space<hbm>>) dst(%arg13 : memref<128x128xi32, #tpu.memory_space<vmem>>)
    %add3A_328 = arith.constant 384 : i32
    %add3A_329 = arith.addi %mul3A_2, %add3A_328 : i32
    %dma_start3A_330 = arith.constant 0 : i32
    %dma_start3A_331 = tpu.memref_slice %arg8[%add3A_329, %dma_start3A_330] : memref<16384x128xi32, #tpu.memory_space<hbm>> -> memref<128x128xi32, #tpu.memory_space<hbm>>
    %dma_start3A_332 = arith.constant 0 : i32
    %dma_start3A_333 = tpu.memref_slice %arg8[%add3A_329, %dma_start3A_332] : memref<16384x128xi32, #tpu.memory_space<hbm>> -> memref<128x128xi32, #tpu.memory_space<hbm>>
    tpu.enqueue_dma source(%arg13 : memref<128x128xi32, #tpu.memory_space<vmem>>) target(%dma_start3A_333 : memref<128x128xi32, #tpu.memory_space<hbm>>) target_semaphore(%arg18 : memref<!tpu.dma_semaphore, #tpu.memory_space<semaphore_mem>>)
    %dma_start3A_334 = arith.constant 3 : i32
    %dma_start3A_335 = arith.constant 384 : i32
    %dma_start3A_336 = tpu.memref_slice %arg11[%dma_start3A_334, %dma_start3A_335] : memref<4x512xi32, #tpu.memory_space<vmem>> -> memref<1x128xi32, #tpu.memory_space<vmem>>
    %dma_start3A_337 = tpu.memref_squeeze %dma_start3A_336 : memref<1x128xi32, #tpu.memory_space<vmem>> -> memref<128xi32, #tpu.memory_space<vmem>>
    %dma_start3A_338 = arith.constant 0 : i32
    %dma_start3A_339 = arith.constant 0 : i32
    %dma_start3A_340 = tpu.memref_slice %arg6[%dma_start3A_338, %dma_start3A_339] : memref<10000x256xi32, #tpu.memory_space<hbm>> -> memref<10000x256xi32, #tpu.memory_space<hbm>>
    tpu.enqueue_indirect_dma source(%dma_start3A_340 : memref<10000x256xi32, #tpu.memory_space<hbm>>) target(%arg16 : memref<128x256xi32, #tpu.memory_space<vmem>>) offsets(%dma_start3A_337 : memref<128xi32, #tpu.memory_space<vmem>>) semaphore(%arg17 : memref<!tpu.dma_semaphore, #tpu.memory_space<semaphore_mem>>)
    %dma_wait3A_341 = arith.constant 2 : i32
    %dma_wait3A_342 = arith.constant 384 : i32
    %dma_wait3A_343 = tpu.memref_slice %arg11[%dma_wait3A_341, %dma_wait3A_342] : memref<4x512xi32, #tpu.memory_space<vmem>> -> memref<1x128xi32, #tpu.memory_space<vmem>>
    %dma_wait3A_344 = tpu.memref_squeeze %dma_wait3A_343 : memref<1x128xi32, #tpu.memory_space<vmem>> -> memref<128xi32, #tpu.memory_space<vmem>>
    %dma_wait3A_345 = arith.constant 0 : i32
    %dma_wait3A_346 = arith.constant 0 : i32
    %dma_wait3A_347 = tpu.memref_slice %arg5[%dma_wait3A_345, %dma_wait3A_346] : memref<10000x128xf32, #tpu.memory_space<hbm>> -> memref<10000x128xf32, #tpu.memory_space<hbm>>
    tpu.wait_indirect_dma semaphore(%arg17 : memref<!tpu.dma_semaphore, #tpu.memory_space<semaphore_mem>>) src(%dma_wait3A_347 : memref<10000x128xf32, #tpu.memory_space<hbm>>) dst(%arg14 : memref<128x128xf32, #tpu.memory_space<vmem>>)
    %add3A_348 = arith.constant 384 : i32
    %add3A_349 = arith.addi %mul3A_2, %add3A_348 : i32
    %dma_start3A_350 = arith.constant 0 : i32
    %dma_start3A_351 = tpu.memref_slice %arg9[%add3A_349, %dma_start3A_350] : memref<16384x128xf32, #tpu.memory_space<hbm>> -> memref<128x128xf32, #tpu.memory_space<hbm>>
    %dma_start3A_352 = arith.constant 0 : i32
    %dma_start3A_353 = tpu.memref_slice %arg9[%add3A_349, %dma_start3A_352] : memref<16384x128xf32, #tpu.memory_space<hbm>> -> memref<128x128xf32, #tpu.memory_space<hbm>>
    tpu.enqueue_dma source(%arg14 : memref<128x128xf32, #tpu.memory_space<vmem>>) target(%dma_start3A_353 : memref<128x128xf32, #tpu.memory_space<hbm>>) target_semaphore(%arg18 : memref<!tpu.dma_semaphore, #tpu.memory_space<semaphore_mem>>)
    %dma_wait3A_354 = arith.constant 3 : i32
    %dma_wait3A_355 = arith.constant 384 : i32
    %dma_wait3A_356 = tpu.memref_slice %arg11[%dma_wait3A_354, %dma_wait3A_355] : memref<4x512xi32, #tpu.memory_space<vmem>> -> memref<1x128xi32, #tpu.memory_space<vmem>>
    %dma_wait3A_357 = tpu.memref_squeeze %dma_wait3A_356 : memref<1x128xi32, #tpu.memory_space<vmem>> -> memref<128xi32, #tpu.memory_space<vmem>>
    %dma_wait3A_358 = arith.constant 0 : i32
    %dma_wait3A_359 = arith.constant 0 : i32
    %dma_wait3A_360 = tpu.memref_slice %arg6[%dma_wait3A_358, %dma_wait3A_359] : memref<10000x256xi32, #tpu.memory_space<hbm>> -> memref<10000x256xi32, #tpu.memory_space<hbm>>
    tpu.wait_indirect_dma semaphore(%arg17 : memref<!tpu.dma_semaphore, #tpu.memory_space<semaphore_mem>>) src(%dma_wait3A_360 : memref<10000x256xi32, #tpu.memory_space<hbm>>) dst(%arg16 : memref<128x256xi32, #tpu.memory_space<vmem>>)
    %add3A_361 = arith.constant 384 : i32
    %add3A_362 = arith.addi %mul3A_2, %add3A_361 : i32
    %dma_start3A_363 = arith.constant 0 : i32
    %dma_start3A_364 = tpu.memref_slice %arg10[%add3A_362, %dma_start3A_363] : memref<16384x256xi32, #tpu.memory_space<hbm>> -> memref<128x256xi32, #tpu.memory_space<hbm>>
    %dma_start3A_365 = arith.constant 0 : i32
    %dma_start3A_366 = tpu.memref_slice %arg10[%add3A_362, %dma_start3A_365] : memref<16384x256xi32, #tpu.memory_space<hbm>> -> memref<128x256xi32, #tpu.memory_space<hbm>>
    tpu.enqueue_dma source(%arg16 : memref<128x256xi32, #tpu.memory_space<vmem>>) target(%dma_start3A_366 : memref<128x256xi32, #tpu.memory_space<hbm>>) target_semaphore(%arg18 : memref<!tpu.dma_semaphore, #tpu.memory_space<semaphore_mem>>)
    %dma_wait3A_367 = arith.constant 0 : i32
    %dma_wait3A_368 = tpu.memref_slice %arg10[%add3A_281, %dma_wait3A_367] : memref<16384x256xi32, #tpu.memory_space<hbm>> -> memref<128x256xi32, #tpu.memory_space<hbm>>
    %dma_wait3A_369 = arith.constant 0 : i32
    %dma_wait3A_370 = tpu.memref_slice %arg10[%add3A_281, %dma_wait3A_369] : memref<16384x256xi32, #tpu.memory_space<hbm>> -> memref<128x256xi32, #tpu.memory_space<hbm>>
    tpu.wait_dma2 semaphore(%arg18 : memref<!tpu.dma_semaphore, #tpu.memory_space<semaphore_mem>>) src(%arg15 : memref<128x256xi32, #tpu.memory_space<vmem>>) dst(%dma_wait3A_370 : memref<128x256xi32, #tpu.memory_space<hbm>>)
    %dma_wait3A_371 = arith.constant 0 : i32
    %dma_wait3A_372 = tpu.memref_slice %arg7[%add3A_305, %dma_wait3A_371] : memref<16384x128xf32, #tpu.memory_space<hbm>> -> memref<128x128xf32, #tpu.memory_space<hbm>>
    %dma_wait3A_373 = arith.constant 0 : i32
    %dma_wait3A_374 = tpu.memref_slice %arg7[%add3A_305, %dma_wait3A_373] : memref<16384x128xf32, #tpu.memory_space<hbm>> -> memref<128x128xf32, #tpu.memory_space<hbm>>
    tpu.wait_dma2 semaphore(%arg18 : memref<!tpu.dma_semaphore, #tpu.memory_space<semaphore_mem>>) src(%arg12 : memref<128x128xf32, #tpu.memory_space<vmem>>) dst(%dma_wait3A_374 : memref<128x128xf32, #tpu.memory_space<hbm>>)
    %dma_wait3A_375 = arith.constant 0 : i32
    %dma_wait3A_376 = tpu.memref_slice %arg8[%add3A_329, %dma_wait3A_375] : memref<16384x128xi32, #tpu.memory_space<hbm>> -> memref<128x128xi32, #tpu.memory_space<hbm>>
    %dma_wait3A_377 = arith.constant 0 : i32
    %dma_wait3A_378 = tpu.memref_slice %arg8[%add3A_329, %dma_wait3A_377] : memref<16384x128xi32, #tpu.memory_space<hbm>> -> memref<128x128xi32, #tpu.memory_space<hbm>>
    tpu.wait_dma2 semaphore(%arg18 : memref<!tpu.dma_semaphore, #tpu.memory_space<semaphore_mem>>) src(%arg13 : memref<128x128xi32, #tpu.memory_space<vmem>>) dst(%dma_wait3A_378 : memref<128x128xi32, #tpu.memory_space<hbm>>)
    %dma_wait3A_379 = arith.constant 0 : i32
    %dma_wait3A_380 = tpu.memref_slice %arg9[%add3A_349, %dma_wait3A_379] : memref<16384x128xf32, #tpu.memory_space<hbm>> -> memref<128x128xf32, #tpu.memory_space<hbm>>
    %dma_wait3A_381 = arith.constant 0 : i32
    %dma_wait3A_382 = tpu.memref_slice %arg9[%add3A_349, %dma_wait3A_381] : memref<16384x128xf32, #tpu.memory_space<hbm>> -> memref<128x128xf32, #tpu.memory_space<hbm>>
    tpu.wait_dma2 semaphore(%arg18 : memref<!tpu.dma_semaphore, #tpu.memory_space<semaphore_mem>>) src(%arg14 : memref<128x128xf32, #tpu.memory_space<vmem>>) dst(%dma_wait3A_382 : memref<128x128xf32, #tpu.memory_space<hbm>>)
    %dma_wait3A_383 = arith.constant 0 : i32
    %dma_wait3A_384 = tpu.memref_slice %arg10[%add3A_362, %dma_wait3A_383] : memref<16384x256xi32, #tpu.memory_space<hbm>> -> memref<128x256xi32, #tpu.memory_space<hbm>>
    %dma_wait3A_385 = arith.constant 0 : i32
    %dma_wait3A_386 = tpu.memref_slice %arg10[%add3A_362, %dma_wait3A_385] : memref<16384x256xi32, #tpu.memory_space<hbm>> -> memref<128x256xi32, #tpu.memory_space<hbm>>
    tpu.wait_dma2 semaphore(%arg18 : memref<!tpu.dma_semaphore, #tpu.memory_space<semaphore_mem>>) src(%arg16 : memref<128x256xi32, #tpu.memory_space<vmem>>) dst(%dma_wait3A_386 : memref<128x256xi32, #tpu.memory_space<hbm>>)
    return
  }
}

module attributes {stable_mosaic.version = 14 : i64} {
  func.func @body(%arg0: i32, %arg1: memref<1000x256xf32, #tpu.memory_space<vmem>>, %arg2: memref<1000x128xi32, #tpu.memory_space<vmem>>) attributes {dimension_semantics = [#tpu.dimension_semantics<arbitrary>], iteration_bounds = array<i64: 10>, scalar_prefetch = 0 : i64, scratch_operands = 0 : i64, tpu.core_type = #tpu.core_type<tc>, window_params = [{transform_indices = @transform_0, window_bounds = array<i64: 1000, 256>}, {transform_indices = @transform_1, window_bounds = array<i64: 1000, 128>}]} {
    %get3A = arith.constant 0 : index
    %get3A_0 = arith.constant 0 : index
    %get3A_1 = vector.load %arg1[%get3A, %get3A_0] : memref<1000x256xf32, #tpu.memory_space<vmem>>, vector<1000x128xf32>
    %convert_element_type3A = arith.truncf %get3A_1 : vector<1000x128xf32> to vector<1000x128xbf16>
    %bitcast_convert_type3A = tpu.bitcast %convert_element_type3A : vector<1000x128xbf16> -> vector<1000x128xi16>
    %convert_element_type3A_2 = arith.extui %bitcast_convert_type3A : vector<1000x128xi16> to vector<1000x128xi32>
    %get3A_3 = arith.constant 0 : index
    %get3A_4 = arith.constant 128 : index
    %get3A_5 = vector.load %arg1[%get3A_3, %get3A_4] : memref<1000x256xf32, #tpu.memory_space<vmem>>, vector<1000x128xf32>
    %convert_element_type3A_6 = arith.truncf %get3A_5 : vector<1000x128xf32> to vector<1000x128xbf16>
    %bitcast_convert_type3A_7 = tpu.bitcast %convert_element_type3A_6 : vector<1000x128xbf16> -> vector<1000x128xi16>
    %convert_element_type3A_8 = arith.extui %bitcast_convert_type3A_7 : vector<1000x128xi16> to vector<1000x128xi32>
    %shift_left3A = arith.constant 16 : i32
    %shift_left3A_9 = vector.broadcast %shift_left3A : i32 to vector<1000x128xi32>
    %shift_left3A_10 = arith.shli %convert_element_type3A_8, %shift_left3A_9 : vector<1000x128xi32>
    %or3A = arith.ori %convert_element_type3A_2, %shift_left3A_10 : vector<1000x128xi32>
    %bitcast_convert_type3A_11 = tpu.bitcast %or3A : vector<1000x128xi32> -> vector<1000x128xi32>
    %swap3A = arith.constant 0 : index
    %swap3A_12 = arith.constant 0 : index
    %swap3A_13 = vector.load %arg2[%swap3A, %swap3A_12] : memref<1000x128xi32, #tpu.memory_space<vmem>>, vector<1000x128xi32>
    tpu.vector_store %arg2[%swap3A, %swap3A_12], %bitcast_convert_type3A_11 {strides = array<i32>} : memref<1000x128xi32, #tpu.memory_space<vmem>>, vector<1000x128xi32>,
    return
  }
  func.func @transform_0(%arg0: i32) -> (i32, i32) {
    %c0_i32 = arith.constant 0 : i32
    %c0_i32_0 = arith.constant 0 : i32
    return %arg0, %c0_i32 : i32, i32
  }
  func.func @transform_1(%arg0: i32) -> (i32, i32) {
    %c0_i32 = arith.constant 0 : i32
    %c0_i32_0 = arith.constant 0 : i32
    return %arg0, %c0_i32 : i32, i32
  }
}

module attributes {stable_mosaic.version = 14 : i64} {
  func.func @body(%arg0: i32, %arg1: memref<1000x512xf32, #tpu.memory_space<vmem>>, %arg2: memref<1000x256xi32, #tpu.memory_space<vmem>>) attributes {dimension_semantics = [#tpu.dimension_semantics<arbitrary>], iteration_bounds = array<i64: 10>, scalar_prefetch = 0 : i64, scratch_operands = 0 : i64, tpu.core_type = #tpu.core_type<tc>, window_params = [{transform_indices = @transform_0, window_bounds = array<i64: 1000, 512>}, {transform_indices = @transform_1, window_bounds = array<i64: 1000, 256>}]} {
    %get3A = arith.constant 0 : index
    %get3A_0 = arith.constant 0 : index
    %get3A_1 = vector.load %arg1[%get3A, %get3A_0] : memref<1000x512xf32, #tpu.memory_space<vmem>>, vector<1000x256xf32>
    %convert_element_type3A = arith.truncf %get3A_1 : vector<1000x256xf32> to vector<1000x256xbf16>
    %bitcast_convert_type3A = tpu.bitcast %convert_element_type3A : vector<1000x256xbf16> -> vector<1000x256xi16>
    %convert_element_type3A_2 = arith.extui %bitcast_convert_type3A : vector<1000x256xi16> to vector<1000x256xi32>
    %get3A_3 = arith.constant 0 : index
    %get3A_4 = arith.constant 256 : index
    %get3A_5 = vector.load %arg1[%get3A_3, %get3A_4] : memref<1000x512xf32, #tpu.memory_space<vmem>>, vector<1000x256xf32>
    %convert_element_type3A_6 = arith.truncf %get3A_5 : vector<1000x256xf32> to vector<1000x256xbf16>
    %bitcast_convert_type3A_7 = tpu.bitcast %convert_element_type3A_6 : vector<1000x256xbf16> -> vector<1000x256xi16>
    %convert_element_type3A_8 = arith.extui %bitcast_convert_type3A_7 : vector<1000x256xi16> to vector<1000x256xi32>
    %shift_left3A = arith.constant 16 : i32
    %shift_left3A_9 = vector.broadcast %shift_left3A : i32 to vector<1000x256xi32>
    %shift_left3A_10 = arith.shli %convert_element_type3A_8, %shift_left3A_9 : vector<1000x256xi32>
    %or3A = arith.ori %convert_element_type3A_2, %shift_left3A_10 : vector<1000x256xi32>
    %bitcast_convert_type3A_11 = tpu.bitcast %or3A : vector<1000x256xi32> -> vector<1000x256xi32>
    %swap3A = arith.constant 0 : index
    %swap3A_12 = arith.constant 0 : index
    %swap3A_13 = vector.load %arg2[%swap3A, %swap3A_12] : memref<1000x256xi32, #tpu.memory_space<vmem>>, vector<1000x256xi32>
    tpu.vector_store %arg2[%swap3A, %swap3A_12], %bitcast_convert_type3A_11 {strides = array<i32>} : memref<1000x256xi32, #tpu.memory_space<vmem>>, vector<1000x256xi32>,
    return
  }
  func.func @transform_0(%arg0: i32) -> (i32, i32) {
    %c0_i32 = arith.constant 0 : i32
    %c0_i32_0 = arith.constant 0 : i32
    return %arg0, %c0_i32 : i32, i32
  }
  func.func @transform_1(%arg0: i32) -> (i32, i32) {
    %c0_i32 = arith.constant 0 : i32
    %c0_i32_0 = arith.constant 0 : i32
    return %arg0, %c0_i32 : i32, i32
  }
}

module attributes {stable_mosaic.version = 14 : i64} {
  func.func @_matmul_body(%arg0: i32, %arg1: memref<1024x128xf32, #tpu.memory_space<vmem>>, %arg2: memref<1024x128xi32, #tpu.memory_space<vmem>>, %arg3: memref<1024x128xf32, #tpu.memory_space<vmem>>, %arg4: memref<1024x256xi32, #tpu.memory_space<vmem>>, %arg5: memref<1024x1024xbf16, #tpu.memory_space<vmem>>, %arg6: memref<1x1024xf32, #tpu.memory_space<vmem>>, %arg7: memref<1024x1024xf32, #tpu.memory_space<vmem>>) attributes {dimension_semantics = [#tpu.dimension_semantics<arbitrary>], iteration_bounds = array<i64: 16>, scalar_prefetch = 0 : i64, scratch_operands = 0 : i64, tpu.core_type = #tpu.core_type<tc>, window_params = [{transform_indices = @transform_0, window_bounds = array<i64: 1024, 128>}, {transform_indices = @transform_1, window_bounds = array<i64: 1024, 128>}, {transform_indices = @transform_2, window_bounds = array<i64: 1024, 128>}, {transform_indices = @transform_3, window_bounds = array<i64: 1024, 256>}, {pipeline_mode = #tpu.pipeline_mode<synchronous>, transform_indices = @transform_4, window_bounds = array<i64: 1024, 1024>}, {pipeline_mode = #tpu.pipeline_mode<synchronous>, transform_indices = @transform_5, window_bounds = array<i64: 1, 1024>}, {transform_indices = @transform_6, window_bounds = array<i64: 1024, 1024>}]} {
    %get3A = arith.constant 0 : index
    %get3A_0 = arith.constant 0 : index
    %get3A_1 = vector.load %arg6[%get3A, %get3A_0] : memref<1x1024xf32, #tpu.memory_space<vmem>>, vector<1x1024xf32>
    %get3A_2 = arith.constant 0 : index
    %get3A_3 = arith.constant 0 : index
    %get3A_4 = vector.load %arg1[%get3A_2, %get3A_3] : memref<1024x128xf32, #tpu.memory_space<vmem>>, vector<1024x128xf32>
    %convert_element_type3A = arith.truncf %get3A_4 : vector<1024x128xf32> to vector<1024x128xbf16>
    %get3A_5 = arith.constant 0 : index
    %get3A_6 = arith.constant 0 : index
    %get3A_7 = vector.load %arg5[%get3A_5, %get3A_6] : memref<1024x1024xbf16, #tpu.memory_space<vmem>>, vector<128x1024xbf16>
    %dot_general3A = arith.constant dense<0.000000e+00> : vector<1024x1024xf32>
    %dot_general3A_8 = tpu.matmul %convert_element_type3A, %get3A_7, %dot_general3A {dimension_numbers = #tpu.dot_dimension_numbers<[1], [0], [0], [1], [0, 0, 1, 1], [], []>, transpose_lhs_hint = false} : vector<1024x128xbf16>, vector<128x1024xbf16>, vector<1024x1024xf32> -> vector<1024x1024xf32>
    %add3A = vector.broadcast %get3A_1 : vector<1x1024xf32> to vector<1024x1024xf32>
    %add3A_9 = arith.addf %add3A, %dot_general3A_8 : vector<1024x1024xf32>
    %get3A_10 = arith.constant 0 : index
    %get3A_11 = arith.constant 0 : index
    %get3A_12 = vector.load %arg2[%get3A_10, %get3A_11] : memref<1024x128xi32, #tpu.memory_space<vmem>>, vector<1024x128xi32>
    %shift_left3A = arith.constant 16 : i32
    %shift_left3A_13 = vector.broadcast %shift_left3A : i32 to vector<1024x128xi32>
    %shift_left3A_14 = arith.shli %get3A_12, %shift_left3A_13 : vector<1024x128xi32>
    %bitcast_convert_type3A = tpu.bitcast %shift_left3A_14 : vector<1024x128xi32> -> vector<1024x128xf32>
    %convert_element_type3A_15 = arith.truncf %bitcast_convert_type3A : vector<1024x128xf32> to vector<1024x128xbf16>
    %and3A = arith.constant -65536 : i32
    %and3A_16 = vector.broadcast %and3A : i32 to vector<1024x128xi32>
    %and3A_17 = arith.andi %get3A_12, %and3A_16 : vector<1024x128xi32>
    %bitcast_convert_type3A_18 = tpu.bitcast %and3A_17 : vector<1024x128xi32> -> vector<1024x128xf32>
    %convert_element_type3A_19 = arith.truncf %bitcast_convert_type3A_18 : vector<1024x128xf32> to vector<1024x128xbf16>
    %get3A_20 = arith.constant 128 : index
    %get3A_21 = arith.constant 0 : index
    %get3A_22 = vector.load %arg5[%get3A_20, %get3A_21] : memref<1024x1024xbf16, #tpu.memory_space<vmem>>, vector<128x1024xbf16>
    %dot_general3A_23 = arith.constant dense<0.000000e+00> : vector<1024x1024xf32>
    %dot_general3A_24 = tpu.matmul %convert_element_type3A_15, %get3A_22, %dot_general3A_23 {dimension_numbers = #tpu.dot_dimension_numbers<[1], [0], [0], [1], [0, 0, 1, 1], [], []>, transpose_lhs_hint = false} : vector<1024x128xbf16>, vector<128x1024xbf16>, vector<1024x1024xf32> -> vector<1024x1024xf32>
    %add3A_25 = arith.addf %add3A_9, %dot_general3A_24 : vector<1024x1024xf32>
    %get3A_26 = arith.constant 256 : index
    %get3A_27 = arith.constant 0 : index
    %get3A_28 = vector.load %arg5[%get3A_26, %get3A_27] : memref<1024x1024xbf16, #tpu.memory_space<vmem>>, vector<128x1024xbf16>
    %dot_general3A_29 = arith.constant dense<0.000000e+00> : vector<1024x1024xf32>
    %dot_general3A_30 = tpu.matmul %convert_element_type3A_19, %get3A_28, %dot_general3A_29 {dimension_numbers = #tpu.dot_dimension_numbers<[1], [0], [0], [1], [0, 0, 1, 1], [], []>, transpose_lhs_hint = false} : vector<1024x128xbf16>, vector<128x1024xbf16>, vector<1024x1024xf32> -> vector<1024x1024xf32>
    %add3A_31 = arith.addf %add3A_25, %dot_general3A_30 : vector<1024x1024xf32>
    %get3A_32 = arith.constant 0 : index
    %get3A_33 = arith.constant 0 : index
    %get3A_34 = vector.load %arg3[%get3A_32, %get3A_33] : memref<1024x128xf32, #tpu.memory_space<vmem>>, vector<1024x128xf32>
    %convert_element_type3A_35 = arith.truncf %get3A_34 : vector<1024x128xf32> to vector<1024x128xbf16>
    %get3A_36 = arith.constant 384 : index
    %get3A_37 = arith.constant 0 : index
    %get3A_38 = vector.load %arg5[%get3A_36, %get3A_37] : memref<1024x1024xbf16, #tpu.memory_space<vmem>>, vector<128x1024xbf16>
    %dot_general3A_39 = arith.constant dense<0.000000e+00> : vector<1024x1024xf32>
    %dot_general3A_40 = tpu.matmul %convert_element_type3A_35, %get3A_38, %dot_general3A_39 {dimension_numbers = #tpu.dot_dimension_numbers<[1], [0], [0], [1], [0, 0, 1, 1], [], []>, transpose_lhs_hint = false} : vector<1024x128xbf16>, vector<128x1024xbf16>, vector<1024x1024xf32> -> vector<1024x1024xf32>
    %add3A_41 = arith.addf %add3A_31, %dot_general3A_40 : vector<1024x1024xf32>
    %get3A_42 = arith.constant 0 : index
    %get3A_43 = arith.constant 0 : index
    %get3A_44 = vector.load %arg4[%get3A_42, %get3A_43] : memref<1024x256xi32, #tpu.memory_space<vmem>>, vector<1024x256xi32>
    %shift_left3A_45 = arith.constant 16 : i32
    %shift_left3A_46 = vector.broadcast %shift_left3A_45 : i32 to vector<1024x256xi32>
    %shift_left3A_47 = arith.shli %get3A_44, %shift_left3A_46 : vector<1024x256xi32>
    %bitcast_convert_type3A_48 = tpu.bitcast %shift_left3A_47 : vector<1024x256xi32> -> vector<1024x256xf32>
    %convert_element_type3A_49 = arith.truncf %bitcast_convert_type3A_48 : vector<1024x256xf32> to vector<1024x256xbf16>
    %and3A_50 = arith.constant -65536 : i32
    %and3A_51 = vector.broadcast %and3A_50 : i32 to vector<1024x256xi32>
    %and3A_52 = arith.andi %get3A_44, %and3A_51 : vector<1024x256xi32>
    %bitcast_convert_type3A_53 = tpu.bitcast %and3A_52 : vector<1024x256xi32> -> vector<1024x256xf32>
    %convert_element_type3A_54 = arith.truncf %bitcast_convert_type3A_53 : vector<1024x256xf32> to vector<1024x256xbf16>
    %get3A_55 = arith.constant 512 : index
    %get3A_56 = arith.constant 0 : index
    %get3A_57 = vector.load %arg5[%get3A_55, %get3A_56] : memref<1024x1024xbf16, #tpu.memory_space<vmem>>, vector<256x1024xbf16>
    %dot_general3A_58 = arith.constant dense<0.000000e+00> : vector<1024x1024xf32>
    %dot_general3A_59 = tpu.matmul %convert_element_type3A_49, %get3A_57, %dot_general3A_58 {dimension_numbers = #tpu.dot_dimension_numbers<[1], [0], [0], [1], [0, 0, 1, 1], [], []>, transpose_lhs_hint = false} : vector<1024x256xbf16>, vector<256x1024xbf16>, vector<1024x1024xf32> -> vector<1024x1024xf32>
    %add3A_60 = arith.addf %add3A_41, %dot_general3A_59 : vector<1024x1024xf32>
    %get3A_61 = arith.constant 768 : index
    %get3A_62 = arith.constant 0 : index
    %get3A_63 = vector.load %arg5[%get3A_61, %get3A_62] : memref<1024x1024xbf16, #tpu.memory_space<vmem>>, vector<256x1024xbf16>
    %dot_general3A_64 = arith.constant dense<0.000000e+00> : vector<1024x1024xf32>
    %dot_general3A_65 = tpu.matmul %convert_element_type3A_54, %get3A_63, %dot_general3A_64 {dimension_numbers = #tpu.dot_dimension_numbers<[1], [0], [0], [1], [0, 0, 1, 1], [], []>, transpose_lhs_hint = false} : vector<1024x256xbf16>, vector<256x1024xbf16>, vector<1024x1024xf32> -> vector<1024x1024xf32>
    %add3A_66 = arith.addf %add3A_60, %dot_general3A_65 : vector<1024x1024xf32>
    %swap3A = arith.constant 0 : index
    %swap3A_67 = arith.constant 0 : index
    %swap3A_68 = vector.load %arg7[%swap3A, %swap3A_67] : memref<1024x1024xf32, #tpu.memory_space<vmem>>, vector<1024x1024xf32>
    tpu.vector_store %arg7[%swap3A, %swap3A_67], %add3A_66 {strides = array<i32>} : memref<1024x1024xf32, #tpu.memory_space<vmem>>, vector<1024x1024xf32>,
    return
  }
  func.func @transform_0(%arg0: i32) -> (i32, i32) {
    %c0_i32 = arith.constant 0 : i32
    %c0_i32_0 = arith.constant 0 : i32
    return %arg0, %c0_i32 : i32, i32
  }
  func.func @transform_1(%arg0: i32) -> (i32, i32) {
    %c0_i32 = arith.constant 0 : i32
    %c0_i32_0 = arith.constant 0 : i32
    return %arg0, %c0_i32 : i32, i32
  }
  func.func @transform_2(%arg0: i32) -> (i32, i32) {
    %c0_i32 = arith.constant 0 : i32
    %c0_i32_0 = arith.constant 0 : i32
    return %arg0, %c0_i32 : i32, i32
  }
  func.func @transform_3(%arg0: i32) -> (i32, i32) {
    %c0_i32 = arith.constant 0 : i32
    %c0_i32_0 = arith.constant 0 : i32
    return %arg0, %c0_i32 : i32, i32
  }
  func.func @transform_4(%arg0: i32) -> (i32, i32) {
    %c0_i32 = arith.constant 0 : i32
    %c0_i32_0 = arith.constant 0 : i32
    %c0_i32_1 = arith.constant 0 : i32
    return %c0_i32, %c0_i32_0 : i32, i32
  }
  func.func @transform_5(%arg0: i32) -> (i32, i32) {
    %c0_i32 = arith.constant 0 : i32
    %c0_i32_0 = arith.constant 0 : i32
    %c0_i32_1 = arith.constant 0 : i32
    return %c0_i32, %c0_i32_0 : i32, i32
  }
  func.func @transform_6(%arg0: i32) -> (i32, i32) {
    %c0_i32 = arith.constant 0 : i32
    %c0_i32_0 = arith.constant 0 : i32
    return %arg0, %c0_i32 : i32, i32
  }
}

module attributes {stable_mosaic.version = 14 : i64} {
  func.func @body(%arg0: i32, %arg1: memref<32768x1024xf32, #tpu.memory_space<any>>, %arg2: memref<1024x128xf32, #tpu.memory_space<vmem>>, %arg3: memref<1024x128xi32, #tpu.memory_space<vmem>>, %arg4: memref<1024x128xf32, #tpu.memory_space<vmem>>, %arg5: memref<1024x256xi32, #tpu.memory_space<vmem>>, %arg6: memref<1024x1024xbf16, #tpu.memory_space<vmem>>, %arg7: memref<1x1024xf32, #tpu.memory_space<vmem>>, %arg8: memref<1024x1024xf32, #tpu.memory_space<vmem>>) attributes {dimension_semantics = [#tpu.dimension_semantics<arbitrary>], iteration_bounds = array<i64: 16>, scalar_prefetch = 0 : i64, scratch_operands = 0 : i64, tpu.core_type = #tpu.core_type<tc>, window_params = [{}, {transform_indices = @transform_1, window_bounds = array<i64: 1024, 128>}, {transform_indices = @transform_2, window_bounds = array<i64: 1024, 128>}, {transform_indices = @transform_3, window_bounds = array<i64: 1024, 128>}, {transform_indices = @transform_4, window_bounds = array<i64: 1024, 256>}, {pipeline_mode = #tpu.pipeline_mode<synchronous>, transform_indices = @transform_5, window_bounds = array<i64: 1024, 1024>}, {pipeline_mode = #tpu.pipeline_mode<synchronous>, transform_indices = @transform_6, window_bounds = array<i64: 1, 1024>}, {transform_indices = @transform_7, window_bounds = array<i64: 1024, 1024>}]} {
    %get3A = arith.constant 0 : index
    %get3A_0 = arith.constant 0 : index
    %get3A_1 = vector.load %arg7[%get3A, %get3A_0] : memref<1x1024xf32, #tpu.memory_space<vmem>>, vector<1x1024xf32>
    %get3A_2 = arith.constant 0 : index
    %get3A_3 = arith.constant 0 : index
    %get3A_4 = vector.load %arg2[%get3A_2, %get3A_3] : memref<1024x128xf32, #tpu.memory_space<vmem>>, vector<1024x128xf32>
    %convert_element_type3A = arith.truncf %get3A_4 : vector<1024x128xf32> to vector<1024x128xbf16>
    %get3A_5 = arith.constant 0 : index
    %get3A_6 = arith.constant 0 : index
    %get3A_7 = vector.load %arg6[%get3A_5, %get3A_6] : memref<1024x1024xbf16, #tpu.memory_space<vmem>>, vector<128x1024xbf16>
    %dot_general3A = arith.constant dense<0.000000e+00> : vector<1024x1024xf32>
    %dot_general3A_8 = tpu.matmul %convert_element_type3A, %get3A_7, %dot_general3A {dimension_numbers = #tpu.dot_dimension_numbers<[1], [0], [0], [1], [0, 0, 1, 1], [], []>, transpose_lhs_hint = false} : vector<1024x128xbf16>, vector<128x1024xbf16>, vector<1024x1024xf32> -> vector<1024x1024xf32>
    %add3A = vector.broadcast %get3A_1 : vector<1x1024xf32> to vector<1024x1024xf32>
    %add3A_9 = arith.addf %add3A, %dot_general3A_8 : vector<1024x1024xf32>
    %get3A_10 = arith.constant 0 : index
    %get3A_11 = arith.constant 0 : index
    %get3A_12 = vector.load %arg3[%get3A_10, %get3A_11] : memref<1024x128xi32, #tpu.memory_space<vmem>>, vector<1024x128xi32>
    %shift_left3A = arith.constant 16 : i32
    %shift_left3A_13 = vector.broadcast %shift_left3A : i32 to vector<1024x128xi32>
    %shift_left3A_14 = arith.shli %get3A_12, %shift_left3A_13 : vector<1024x128xi32>
    %bitcast_convert_type3A = tpu.bitcast %shift_left3A_14 : vector<1024x128xi32> -> vector<1024x128xf32>
    %convert_element_type3A_15 = arith.truncf %bitcast_convert_type3A : vector<1024x128xf32> to vector<1024x128xbf16>
    %and3A = arith.constant -65536 : i32
    %and3A_16 = vector.broadcast %and3A : i32 to vector<1024x128xi32>
    %and3A_17 = arith.andi %get3A_12, %and3A_16 : vector<1024x128xi32>
    %bitcast_convert_type3A_18 = tpu.bitcast %and3A_17 : vector<1024x128xi32> -> vector<1024x128xf32>
    %convert_element_type3A_19 = arith.truncf %bitcast_convert_type3A_18 : vector<1024x128xf32> to vector<1024x128xbf16>
    %get3A_20 = arith.constant 128 : index
    %get3A_21 = arith.constant 0 : index
    %get3A_22 = vector.load %arg6[%get3A_20, %get3A_21] : memref<1024x1024xbf16, #tpu.memory_space<vmem>>, vector<128x1024xbf16>
    %dot_general3A_23 = arith.constant dense<0.000000e+00> : vector<1024x1024xf32>
    %dot_general3A_24 = tpu.matmul %convert_element_type3A_15, %get3A_22, %dot_general3A_23 {dimension_numbers = #tpu.dot_dimension_numbers<[1], [0], [0], [1], [0, 0, 1, 1], [], []>, transpose_lhs_hint = false} : vector<1024x128xbf16>, vector<128x1024xbf16>, vector<1024x1024xf32> -> vector<1024x1024xf32>
    %add3A_25 = arith.addf %add3A_9, %dot_general3A_24 : vector<1024x1024xf32>
    %get3A_26 = arith.constant 256 : index
    %get3A_27 = arith.constant 0 : index
    %get3A_28 = vector.load %arg6[%get3A_26, %get3A_27] : memref<1024x1024xbf16, #tpu.memory_space<vmem>>, vector<128x1024xbf16>
    %dot_general3A_29 = arith.constant dense<0.000000e+00> : vector<1024x1024xf32>
    %dot_general3A_30 = tpu.matmul %convert_element_type3A_19, %get3A_28, %dot_general3A_29 {dimension_numbers = #tpu.dot_dimension_numbers<[1], [0], [0], [1], [0, 0, 1, 1], [], []>, transpose_lhs_hint = false} : vector<1024x128xbf16>, vector<128x1024xbf16>, vector<1024x1024xf32> -> vector<1024x1024xf32>
    %add3A_31 = arith.addf %add3A_25, %dot_general3A_30 : vector<1024x1024xf32>
    %get3A_32 = arith.constant 0 : index
    %get3A_33 = arith.constant 0 : index
    %get3A_34 = vector.load %arg4[%get3A_32, %get3A_33] : memref<1024x128xf32, #tpu.memory_space<vmem>>, vector<1024x128xf32>
    %convert_element_type3A_35 = arith.truncf %get3A_34 : vector<1024x128xf32> to vector<1024x128xbf16>
    %get3A_36 = arith.constant 384 : index
    %get3A_37 = arith.constant 0 : index
    %get3A_38 = vector.load %arg6[%get3A_36, %get3A_37] : memref<1024x1024xbf16, #tpu.memory_space<vmem>>, vector<128x1024xbf16>
    %dot_general3A_39 = arith.constant dense<0.000000e+00> : vector<1024x1024xf32>
    %dot_general3A_40 = tpu.matmul %convert_element_type3A_35, %get3A_38, %dot_general3A_39 {dimension_numbers = #tpu.dot_dimension_numbers<[1], [0], [0], [1], [0, 0, 1, 1], [], []>, transpose_lhs_hint = false} : vector<1024x128xbf16>, vector<128x1024xbf16>, vector<1024x1024xf32> -> vector<1024x1024xf32>
    %add3A_41 = arith.addf %add3A_31, %dot_general3A_40 : vector<1024x1024xf32>
    %get3A_42 = arith.constant 0 : index
    %get3A_43 = arith.constant 0 : index
    %get3A_44 = vector.load %arg5[%get3A_42, %get3A_43] : memref<1024x256xi32, #tpu.memory_space<vmem>>, vector<1024x256xi32>
    %shift_left3A_45 = arith.constant 16 : i32
    %shift_left3A_46 = vector.broadcast %shift_left3A_45 : i32 to vector<1024x256xi32>
    %shift_left3A_47 = arith.shli %get3A_44, %shift_left3A_46 : vector<1024x256xi32>
    %bitcast_convert_type3A_48 = tpu.bitcast %shift_left3A_47 : vector<1024x256xi32> -> vector<1024x256xf32>
    %convert_element_type3A_49 = arith.truncf %bitcast_convert_type3A_48 : vector<1024x256xf32> to vector<1024x256xbf16>
    %and3A_50 = arith.constant -65536 : i32
    %and3A_51 = vector.broadcast %and3A_50 : i32 to vector<1024x256xi32>
    %and3A_52 = arith.andi %get3A_44, %and3A_51 : vector<1024x256xi32>
    %bitcast_convert_type3A_53 = tpu.bitcast %and3A_52 : vector<1024x256xi32> -> vector<1024x256xf32>
    %convert_element_type3A_54 = arith.truncf %bitcast_convert_type3A_53 : vector<1024x256xf32> to vector<1024x256xbf16>
    %get3A_55 = arith.constant 512 : index
    %get3A_56 = arith.constant 0 : index
    %get3A_57 = vector.load %arg6[%get3A_55, %get3A_56] : memref<1024x1024xbf16, #tpu.memory_space<vmem>>, vector<256x1024xbf16>
    %dot_general3A_58 = arith.constant dense<0.000000e+00> : vector<1024x1024xf32>
    %dot_general3A_59 = tpu.matmul %convert_element_type3A_49, %get3A_57, %dot_general3A_58 {dimension_numbers = #tpu.dot_dimension_numbers<[1], [0], [0], [1], [0, 0, 1, 1], [], []>, transpose_lhs_hint = false} : vector<1024x256xbf16>, vector<256x1024xbf16>, vector<1024x1024xf32> -> vector<1024x1024xf32>
    %add3A_60 = arith.addf %add3A_41, %dot_general3A_59 : vector<1024x1024xf32>
    %get3A_61 = arith.constant 768 : index
    %get3A_62 = arith.constant 0 : index
    %get3A_63 = vector.load %arg6[%get3A_61, %get3A_62] : memref<1024x1024xbf16, #tpu.memory_space<vmem>>, vector<256x1024xbf16>
    %dot_general3A_64 = arith.constant dense<0.000000e+00> : vector<1024x1024xf32>
    %dot_general3A_65 = tpu.matmul %convert_element_type3A_54, %get3A_63, %dot_general3A_64 {dimension_numbers = #tpu.dot_dimension_numbers<[1], [0], [0], [1], [0, 0, 1, 1], [], []>, transpose_lhs_hint = false} : vector<1024x256xbf16>, vector<256x1024xbf16>, vector<1024x1024xf32> -> vector<1024x1024xf32>
    %add3A_66 = arith.addf %add3A_60, %dot_general3A_65 : vector<1024x1024xf32>
    %swap3A = arith.constant 0 : index
    %swap3A_67 = arith.constant 0 : index
    %swap3A_68 = vector.load %arg8[%swap3A, %swap3A_67] : memref<1024x1024xf32, #tpu.memory_space<vmem>>, vector<1024x1024xf32>
    tpu.vector_store %arg8[%swap3A, %swap3A_67], %add3A_66 {strides = array<i32>} : memref<1024x1024xf32, #tpu.memory_space<vmem>>, vector<1024x1024xf32>,
    return
  }
  func.func @transform_1(%arg0: i32) -> (i32, i32) {
    %c0_i32 = arith.constant 0 : i32
    %c0_i32_0 = arith.constant 0 : i32
    return %arg0, %c0_i32 : i32, i32
  }
  func.func @transform_2(%arg0: i32) -> (i32, i32) {
    %c0_i32 = arith.constant 0 : i32
    %c0_i32_0 = arith.constant 0 : i32
    return %arg0, %c0_i32 : i32, i32
  }
  func.func @transform_3(%arg0: i32) -> (i32, i32) {
    %c0_i32 = arith.constant 0 : i32
    %c0_i32_0 = arith.constant 0 : i32
    return %arg0, %c0_i32 : i32, i32
  }
  func.func @transform_4(%arg0: i32) -> (i32, i32) {
    %c0_i32 = arith.constant 0 : i32
    %c0_i32_0 = arith.constant 0 : i32
    return %arg0, %c0_i32 : i32, i32
  }
  func.func @transform_5(%arg0: i32) -> (i32, i32) {
    %c0_i32 = arith.constant 0 : i32
    %c0_i32_0 = arith.constant 0 : i32
    %c0_i32_1 = arith.constant 0 : i32
    return %c0_i32, %c0_i32_0 : i32, i32
  }
  func.func @transform_6(%arg0: i32) -> (i32, i32) {
    %c0_i32 = arith.constant 0 : i32
    %c0_i32_0 = arith.constant 0 : i32
    %c0_i32_1 = arith.constant 0 : i32
    return %c0_i32, %c0_i32_0 : i32, i32
  }
  func.func @transform_7(%arg0: i32) -> (i32, i32) {
    %add3A = arith.constant 16 : i32
    %add3A_0 = arith.addi %arg0, %add3A : i32
    %c0_i32 = arith.constant 0 : i32
    %c0_i32_1 = arith.constant 0 : i32
    return %add3A_0, %c0_i32 : i32, i32
  }
}

</mosaic_0001>

<sc_bundles>
// kernel: kernel.11.cloned.1.call-start
scs
__scs_entry_jumppad:
0x0: {  	(pc) =	sbr.rel $0x88, $3  }
0x1: {  	(tag) =	ssettag $0x0;
	lr =	simm.s32 $0x1  }
0x2: {  	[smem:$0x3F9A] =	sst lr;
	_ =	strace $0xD0000000  }
0x3: {  	_ = 	snop  }
0x4: {  	_ = 	snop  }
0x5: {  	_ = 	snop  }
0x6: {  	_ = 	snop  }
0x7: {  	_ = 	snop  }
__scs_overlays_trampoline_lowered:
0x8: {  	[smem:$0x3FA9] =	sst s0  }
0x9: {  	[smem:$0x3FAA] =	sst s1  }
0xa: {  	[smem:$0x3FAB] =	sst s2  }
0xb: {  	[smem:$0x3FAC] =	sst s3  }
0xc: {  	[smem:$0x3FAD] =	sst s4  }
0xd: {  	[smem:$0x3FAE] =	sst s5  }
0xe: {  	[smem:$0x3FAF] =	sst s6  }
0xf: {  	[smem:$0x3FB0] =	sst s7  }
0x10: {  	[smem:$0x3FB1] =	sst s8  }
0x11: {  	[smem:$0x3FB2] =	sst s9;
	s0 =	simm.s32 @!p0 $0x0  }
0x12: {  	s1 =	sld [smem:$0x3F98];
	s0 =	simm.s32 @p0 $0x1  }
0x13: {  	[smem:$0x3FB3] =	sst s0;
	s0 =	simm.s32 @!p1 $0x0  }
0x14: {  	s2 =	sld [smem:$0x3F97];
	s0 =	simm.s32 @p1 $0x1  }
0x15: {  	[smem:$0x3FB4] =	sst s0;
	s0 =	simm.s32 @!p2 $0x0  }
0x16: {  	s3 =	sld [smem:$0x3FDB];
	s0 =	simm.s32 @p2 $0x1  }
0x17: {  	s4 =	simm.s32 $0x1BF5;
	[smem:$0x3FB6] =	sst s0  }
0x18: {  	s0 =	sld [smem:$0x3F99];
	_ =	swait.ge [sflag:s4], $0x0  }
0x19: {  	s7 =	sld [smem:$0x3F9A]  }
0x1a: {  	s8 =	sadd.s32 $0xFFFFE003, lr  }
0x1b: {  	s9 =	sadd.s32 $0xFFFFFEF7, lr;
	s5 =	simm.s32 $0xFFFFFFFF;
	p2 =	slt.u32 s8, $0xFFFFF086  }
0x1c: {  	p1 =	slt.u32 s9, $0xF7A;
	s5 =	simm.s32 @!p2 $0x0  }
0x1d: {  	s5 =	simm.s32 @p1 $0x1;
	p0 =	seq.s32 s7, s2  }
0x1e: {  	s7 =	smul.u32 @!p0 $0xF7A, s2;
	p2 =	seq.s32 @!p0 s5, $0x0  }
0x1f: {  	s9 =	smul.u32 $0xF7A, s1;
	s8 =	simm.s32 @!p0 $0x1BF5;
	p2 =	por !p2, p0  }
0x20: {  	[sflag:s8] =	ssyncset.s32 @!p0 $0xFFFFF086;
	s6 =	sadd.s32 @!p0 s3, s7;
	s7 =	simm.s32 @!p0 $0x108  }
0x21: {  	s3 =	sadd.s32 s3, s9;
	s6 =	sadd.s32 @!p0 $0x88, s6;
	s7 =	simm.s32 @p2 $0x1082  }
0x22: {  	[simem:s7], [sflag:s8] =	dma.local @!p0 [hbm:s6], $0xF7A  }
0x23: {  	s9 =	sor.u32 $0xD0000000, s2;
	s6 =	simm.s32 $0x108;
	_ =	swait.ge @!p0 [sflag:s8], $0x0  }
0x24: {  	s3 =	sadd.s32 $0x88, s3;
	s6 =	simm.s32 @!p1 $0x1082;
	[sflag:s4] =	ssyncset.s32 $0xFFFFF086  }
0x25: {  	[simem:s6], [sflag:s4] =	dma.local [hbm:s3], $0xF7A  }
0x26: {  	[smem:$0x3F9A] =	sst s1;
	(tag) =	ssettag s2;
	_ =	strace s9  }
0x27: {  	s1 =	sld [smem:$0x3FAA]  }
0x28: {  	s2 =	sld [smem:$0x3FAB]  }
0x29: {  	s4 =	sld [smem:$0x3FAD]  }
0x2a: {  	p0 =	seq.s32 s5, $0x0;
	s5 =	sld [smem:$0x3FAE]  }
0x2b: {  	s6 =	sld [smem:$0x3FAF]  }
0x2c: {  	s7 =	sld [smem:$0x3FB0]  }
0x2d: {  	s3 =	simm.s32 $0x108;
	s8 =	sld [smem:$0x3FB1]  }
0x2e: {  	s3 =	simm.s32 @!p0 $0x1082;
	s9 =	sld [smem:$0x3FB2]  }
0x2f: {  	lr =	sadd.s32 s0, s3;
	s0 =	sld [smem:$0x3FA9]  }
0x30: {  	s3 =	sld [smem:$0x3FAC]  }
0x31: {  	[smem:$0x3FB5] =	sst s10  }
0x32: {  	s10 =	sld [smem:$0x3FB3];
	_ =	sdelay $0x3  }
0x33: {  	p0 =	seq.s32 s10, $0x1;
	s10 =	sld [smem:$0x3FB5];
	_ =	sdelay $0x3  }
0x34: {  	[smem:$0x3FB5] =	sst s10  }
0x35: {  	s10 =	sld [smem:$0x3FB4];
	_ =	sdelay $0x3  }
0x36: {  	p1 =	seq.s32 s10, $0x1;
	s10 =	sld [smem:$0x3FB5];
	_ =	sdelay $0x3  }
0x37: {  	[smem:$0x3FB5] =	sst s10  }
0x38: {  	s10 =	sld [smem:$0x3FB6]  }
0x39: {  	_ = 	snop;
	(pc) =	sbr.ind lr, $3  }
0x3a: {  	_ = 	snop  }
0x3b: {  	_ = 	snop  }
0x3c: {  	p2 =	seq.s32 s10, $0x1;
	s10 =	sld [smem:$0x3FB5]  }
0x3d: {  	_ =	shalt  }
0x3e: {  	_ =	shalt  }
0x3f: {  	_ =	shalt  }
0x40: {  	_ =	shalt  }
0x41: {  	_ =	shalt  }
0x42: {  	_ =	shalt  }
0x43: {  	_ =	shalt  }
0x44: {  	_ =	shalt  }
0x45: {  	_ =	shalt  }
0x46: {  	_ =	shalt  }
0x47: {  	_ =	shalt  }
0x48: {  	_ =	shalt  }
0x49: {  	_ =	shalt  }
0x4a: {  	_ =	shalt  }
0x4b: {  	_ =	shalt  }
0x4c: {  	_ =	shalt  }
0x4d: {  	_ =	shalt  }
0x4e: {  	_ =	shalt  }
0x4f: {  	_ =	shalt  }
0x50: {  	_ =	shalt  }
0x51: {  	_ =	shalt  }
0x52: {  	_ =	shalt  }
0x53: {  	_ =	shalt  }
0x54: {  	_ =	shalt  }
0x55: {  	_ =	shalt  }
0x56: {  	_ =	shalt  }
0x57: {  	_ =	shalt  }
0x58: {  	_ =	shalt  }
0x59: {  	_ =	shalt  }
0x5a: {  	_ =	shalt  }
0x5b: {  	_ =	shalt  }
0x5c: {  	_ =	shalt  }
0x5d: {  	_ =	shalt  }
0x5e: {  	_ =	shalt  }
0x5f: {  	_ =	shalt  }
0x60: {  	_ =	shalt  }
0x61: {  	_ =	shalt  }
0x62: {  	_ =	shalt  }
0x63: {  	_ =	shalt  }
0x64: {  	_ =	shalt  }
0x65: {  	_ =	shalt  }
0x66: {  	_ =	shalt  }
0x67: {  	_ =	shalt  }
0x68: {  	_ =	shalt  }
0x69: {  	_ =	shalt  }
0x6a: {  	_ =	shalt  }
0x6b: {  	_ =	shalt  }
0x6c: {  	_ =	shalt  }
0x6d: {  	_ =	shalt  }
0x6e: {  	_ =	shalt  }
0x6f: {  	_ =	shalt  }
0x70: {  	_ =	shalt  }
0x71: {  	_ =	shalt  }
0x72: {  	_ =	shalt  }
0x73: {  	_ =	shalt  }
0x74: {  	_ =	shalt  }
0x75: {  	_ =	shalt  }
0x76: {  	_ =	shalt  }
0x77: {  	_ =	shalt  }
0x78: {  	_ =	shalt  }
0x79: {  	_ =	shalt  }
0x7a: {  	_ =	shalt  }
0x7b: {  	_ =	shalt  }
0x7c: {  	_ =	shalt  }
0x7d: {  	_ =	shalt  }
0x7e: {  	_ =	shalt  }
0x7f: {  	_ =	shalt  }
0x80: {  	_ =	shalt  }
0x81: {  	_ =	shalt  }
0x82: {  	_ =	shalt  }
0x83: {  	_ =	shalt  }
0x84: {  	_ =	shalt  }
0x85: {  	_ =	shalt  }
0x86: {  	_ =	shalt  }
0x87: {  	_ =	shalt  }
.Lfunc_end0:
.L_simem_size_0:
called_computation.1_lowered:
.L_overlay_start_0:
0x88: {  	s2 =	sld [smem:$0x3FD9]  }
0x89: {  	s3 =	sld [smem:$0x3FFE];
	_ =	sdelay $0x1  }
0x8a: {  	s1 =	srdreg.scid  }
0x8b: {  	s0 =	sand.u32 $0x1, s1  }
0x8c: {  	s17 =	sshll.u32 s0, $0xA;
	s2 =	sadd.s32 s3, s2  }
0x8d: {  	s2 =	sadd.s32 s2, s17  }
0x8e: {  	[smem:$0x3FC1] =	sst s2  }
0x8f: {  	_ = 	snop  }
0x90: {  	s4 =	sld [smem:$0x3FC9]  }
0x91: {  	s5 =	sld [smem:$0x3FC8]  }
0x92: {  	s18 =	sld [smem:$0x3FC6];
	(tm) =	ssettm $0x1  }
0x93: {  	s19 =	sld [smem:$0x3FFB];
	_ =	sdelay $0x3  }
0x94: {  	_ =	strace s19  }
0x95: {  	s2 =	sld [smem:$0x3FFC];
	_ =	sdelay $0x3  }
0x96: {  	_ =	strace s2  }
0x97: {  	s2 =	sld [smem:$0x3FFD];
	_ =	sdelay $0x3  }
0x98: {  	_ =	strace s2  }
0x99: {  	_ =	strace $0x8FFFFFFF  }
0x9a: {  	s20 =	sld [smem:$0x3FDB];
	_ =	sdelay $0x1  }
0x9b: {  	s6 =	simm.s32 $_scs_section_size  }
0x9c: {  	s7 =	simm.s32 $_size__tile_overlayer_lowered;
	s8 =	simm.s32 $_tile_overlayer_lowered  }
0x9d: {  	s9 =	simm.s32 $0x1BFF;
	s21 =	sshll.u32 s8, $0x1;
	s6 =	sadd.s32 s6, s20  }
0x9e: {  	s22 =	simm.s32 $0x0;
	s7 =	sshll.u32 s7, $0x1;
	s8 =	sadd.s32 s21, s6  }
0x9f: {  	[timem:s22], [sflag:s9] =	dma.local [hbm:s8], s7  }
0xa0: {  	_ =	swait.ge [sflag:s9], s7  }
0xa1: {  	s7 =	ssub.s32 $0x0, s7;
	[sflag:s9] =	ssyncset.done $0x0  }
0xa2: {  	[sflag:s9] =	ssyncadd.s32 s7;
	_ =	sdelay $0x1  }
0xa3: {  	s23 =	simm.s32 $0x1B8B  }
0xa4: {  	_ =	swait.ge [sflag:s23], $0x1  }
0xa5: {  	[sflag:s23] =	ssyncset.done $0x0  }
0xa6: {  	[sflag:s23] =	ssyncadd.s32 $0xFFFFFFFF  }
0xa7: {  	s7 =	sld [smem:$0x0]  }
0xa8: {  	s8 =	sand.u32 $0xFFFFFFFE, s1  }
0xa9: {  	p0 =	sne.s32 s1, s8  }
0xaa: {  	s8 =	sshll.u32 @p0 s8, $0xE  }
0xab: {  	s8 =	sadd.s32 @p0 $0x11B8D, s8;
	s9 =	sshll.u32 @p0 s7, $0x11  }
0xac: {  	s8 =	sor.u32 @p0 s9, s8  }
0xad: {  	[sflag:s8] =	ssyncadd.remote.s32 @p0 $0x1;
	_ =	sdelay $0x1  }
0xae: {  	s8 =	simm.s32 @p0 $0x1B8D  }
0xaf: {  	_ =	swait.eq @p0 [sflag:s8], $0x1  }
0xb0: {  	[sflag:s8] =	ssyncadd.s32 @p0 $0xFFFFFFFF  }
0xb1: {  	s9 =	sshll.u32 @!p0 s1, $0xE  }
0xb2: {  	s9 =	sor.u32 @!p0 $0x4000, s9;
	s8 =	simm.s32 @!p0 $0x1B8D  }
0xb3: {  	s7 =	sshll.u32 @!p0 s7, $0x11;
	s9 =	sadd.s32 @!p0 $0x11B8D, s9;
	_ =	swait.eq @!p0 [sflag:s8], $0x1  }
0xb4: {  	s7 =	sor.u32 @!p0 s7, s9;
	[sflag:s8] =	ssyncadd.s32 @!p0 $0xFFFFFFFF  }
0xb5: {  	s25 =	simm.s32 $0x1B8E;
	s24 =	sld [smem:$0x3FFE];
	[sflag:s7] =	ssyncadd.remote.s32 @!p0 $0x1  }
0xb6: {  	s26 =	simm.s32 $execute0_lowered;
	[smem:$0x3FD2] =	sst s25  }
0xb7: {  	s8 =	sshll.u32 s26, $0x1;
	_ =	strace $0x80000049;
	[dreg:$0x1] =	wrdreg $0xFFFFFFFF  }
0xb8: {  	s28 =	simm.s32 $_size_execute0_lowered;
	s6 =	sadd.s32 s6, s8;
	[dreg:$0x0] =	wrdreg $0x0  }
0xb9: {  	s8 =	sshll.u32 s28, $0x1;
	[dreg:$0x2] =	wrdreg s6  }
0xba: {  	[dreg:$0x3] =	wrdreg s8  }
0xbb: {  	[dreg:$0x4] =	wrdreg $0xC0  }
0xbc: {  	_ =	task [dreg:s22], $0x5FFFF  }
0xbd: {  	[dreg:$0x1] =	wrdreg $0xFFFFFFFF  }
0xbe: {  	[dreg:$0x0] =	wrdreg $0x60  }
0xbf: {  	[dreg:$0x2] =	wrdreg s4  }
0xc0: {  	[dreg:$0x3] =	wrdreg s5  }
0xc1: {  	[dreg:$0x4] =	wrdreg s24  }
0xc2: {  	[dreg:$0x5] =	wrdreg s18  }
0xc3: {  	[dreg:$0x6] =	wrdreg $0xA  }
0xc4: {  	_ =	task.clear_ibuf [dreg:s22], $0x7FFFF;
	_ =	strace $0x90000049  }
0xc5: {  	s29 =	simm.s32 $0xA;
	_ =	strace $0x8000004B  }
0xc6: {  	_ =	swait.ge [sflag:s29], $0x1  }
0xc7: {  	[sflag:s29] =	ssyncadd.s32 $0xFFFFFFFF  }
0xc8: {  	_ =	strace $0x9000004B  }
0xc9: {  	_ =	sfence  }
0xca: {  	s30 =	sld [smem:$0x0];
	_ =	sdelay $0x2  }
0xcb: {  	s31 =	sshll.u32 s1, $0xD;
	s1 =	sshrl.u32 s1, $0x2  }
0xcc: {  	s4 =	sand.u32 $0x4000, s31;
	s1 =	sadd.s32 s1, s30  }
0xcd: {  	s0 =	sor.u32 s4, s0;
	s1 =	sshll.u32 s1, $0x11  }
0xce: {  	s0 =	sor.u32 s1, s0  }
0xcf: {  	s0 =	sadd.s32 $0x8F2B, s0  }
0xd0: {  	[sflag:s0] =	ssyncadd.remote.s32 $0x1  }
0xd1: {  	_ =	sfence.sel $0xFFFF  }
0xd2: {  	[dreg:$0x0] =	wrdreg $0xFFFFFFFF;
	(pc) =	sbr.abs _section_cstart, $3  }
0xd3: {  	[dreg:$0x1] =	wrdreg $0xFFFFFFFF  }
0xd4: {  	_ =	task.clear_ibuf [dreg:s22], $0x2FFFF;
	_ =	strace $0x9FFFFFFF  }
0xd5: {  	(tm) =	ssettm $0x7FFFFFFF  }
tec
execute0_lowered:
.L_overlay_start_1:
0x0: {  	(tag) =	ssettag $0x1  }
0x1: {  	s2 =	rddreg [dreg:$0x0];
	s3 =	srdreg.scid  }
0x2: {  	s0 =	rddreg [dreg:$0x2];
	s4 =	stileid.u32  }
0x3: {  	s31 =	simm.s32 $0x2;
	s28 =	simm.s32 $0x13800;
	s29 =	simm.s32 $0x14000  }
0x4: {  	s6 =	sand.u32 $0x1, s3;
	s5 =	sshll.u32 s4, $0xA;
	s13 =	sadd.s32 $0x177600, s0  }
0x5: {  	s4 =	simm.s32 $0x0;
	s9 =	sadd.s32 $0x1B7600, s0;
	s7 =	sshll.u32 s6, $0x9  }
0x6: {  	s10 =	sadd.s32 $0x1F7600, s0;
	[smem:$0x7FF] =	sst s4;
	s5 =	sor.u32 s7, s5  }
0x7: {  	s11 =	sadd.s32 $0x237600, s0;
	_ =	strace $0x8000004A;
	s7 =	sshrl.u32 s5, $0x1  }
0x8: {  	s8 =	sshll.u32 s5, $0x4;
	s16 =	sshrl.u32 s5, $0x3;
	s5 =	sshll.u32 s5, $0x5  }
0x9: {  	s2 =	sadd.s32 s7, s2;
	s14 =	sadd.s32 s13, s8;
	s15 =	sadd.s32 s9, s8  }
0xa: {  	s8 =	sadd.s32 s10, s8;
	s12 =	sor.u32 $0x10, s16;
	[dreg:$0x6] =	wrdreg s14  }
0xb: {  	s5 =	sadd.s32 s11, s5;
	s22 =	sor.u32 $0x20, s16;
	[dreg:$0x7] =	wrdreg s15  }
0xc: {  	s2 =	sadd.s32 $0x2000, s2;
	[dreg:$0x8] =	wrdreg s8;
	s17 =	sshll.u32 s12, $0x7  }
0xd: {  	[dreg:$0x9] =	wrdreg s5;
	s21 =	sshll.u32 s12, $0x8;
	s24 =	sshll.u32 s22, $0x7  }
0xe: {  	s1 =	sshll.u32 s22, $0x8;
	s22 =	simm.s32 $0x400;
	[dreg:$0x5] =	wrdreg s2  }
0xf: {  	s5 =	sadd.s32 $0x2200, s0;
	s18 =	sadd.s32 s13, s17;
	[dreg:$0x1a] =	wrdreg s22  }
0x10: {  	s12 =	simm.s32 $0x1;
	s19 =	sadd.s32 s9, s17;
	[dreg:$0xa] =	wrdreg s18  }
0x11: {  	s20 =	sadd.s32 s10, s17;
	s23 =	sadd.s32 s11, s21;
	[dreg:$0xb] =	wrdreg s19  }
0x12: {  	s25 =	sadd.s32 s13, s24;
	s26 =	sadd.s32 s9, s24;
	[dreg:$0xc] =	wrdreg s20  }
0x13: {  	s30 =	sadd.s32 s10, s24;
	s2 =	sor.u32 $0x30, s16;
	[dreg:$0xd] =	wrdreg s23  }
0x14: {  	s8 =	sadd.s32 s11, s1;
	s21 =	simm.s32 $0x300;
	[dreg:$0xe] =	wrdreg s25  }
0x15: {  	s24 =	simm.s32 $0x500;
	s22 =	simm.s32 $0x11000;
	[dreg:$0xf] =	wrdreg s26  }
0x16: {  	s1 =	simm.s32 $0x14800;
	[dreg:$0x10] =	wrdreg s30;
	s3 =	sshll.u32 s2, $0x7  }
0x17: {  	[dreg:$0x11] =	wrdreg s8;
	s2 =	sshll.u32 s2, $0x8;
	s18 =	simm.s32 $0x100  }
0x18: {  	s19 =	simm.s32 $0x200;
	s20 =	simm.s32 $0x280;
	[dreg:$0x19] =	wrdreg s21  }
0x19: {  	s23 =	simm.s32 $0x480;
	[dreg:$0x1c] =	wrdreg s24;
	s25 =	simm.s32 $0x600  }
0x1a: {  	s26 =	simm.s32 $0x680;
	s30 =	simm.s32 $0x700;
	[dreg:$0x16] =	wrdreg s18  }
0x1b: {  	s21 =	simm.s32 $0x10800;
	s24 =	simm.s32 $0x12000;
	[dreg:$0x17] =	wrdreg s19  }
0x1c: {  	s8 =	simm.s32 $0x15000;
	s7 =	sadd.s32 s13, s3;
	[dreg:$0x18] =	wrdreg s20  }
0x1d: {  	s13 =	ssub.s32 $0x2, s6;
	s14 =	sadd.s32 s9, s3;
	[dreg:$0x1b] =	wrdreg s23  }
0x1e: {  	s15 =	sadd.s32 s10, s3;
	s2 =	sadd.s32 s11, s2;
	[dreg:$0x1d] =	wrdreg s25  }
0x1f: {  	s6 =	sadd.s32 $0x29400, s0;
	s9 =	simm.s32 $0x80;
	[dreg:$0x1e] =	wrdreg s26  }
0x20: {  	s10 =	simm.s32 $0x800;
	s11 =	simm.s32 $0x4800;
	[dreg:$0x1f] =	wrdreg s30  }
0x21: {  	s18 =	simm.s32 $0xF000;
	s19 =	simm.s32 $0xF800;
	[dreg:$0x12] =	wrdreg s7  }
0x22: {  	s20 =	simm.s32 $0x10000;
	s23 =	simm.s32 $0x11800;
	[dreg:$0x13] =	wrdreg s14  }
0x23: {  	s25 =	simm.s32 $0x12800;
	s26 =	simm.s32 $0x13000;
	[dreg:$0x14] =	wrdreg s15  }
0x24: {  	v2 =	vlaneseq.u32;
	s16 =	sshrl.u32 s13, $0x1;
	[dreg:$0x15] =	wrdreg s2;
	s2 =	simm.s32 $0xC800  }
0x25: {  	vm0 =	vmmov $0xffff;
	v1 =	vshrl.u32 v2, $0x3;
	s15 =	simm.s32 $0xD800;
	s17 =	ssub.s32 s13, s16;
	s13 =	simm.s32 $0x8800  }
0x26: {  	v0 =	vand.u32 $0x7, v2;
	v2 =	vor.u32 $0x8, v2;
	v1 =	vmul.u32 $0x8, v1;
	s16 =	simm.s32 $0xE000;
	s7 =	smax.u32 s17, $0x1;
	s17 =	simm.s32 $0xE800  }
.LBB2_1:
0x27: {  	s30 =	rddreg [dreg:$0x5];
	s0 =	simm.s32 $0x3  }
0x28: {  	[tilespmem:s4], [sflag:$0x3] =	stream.linear.gather [hbm4b:s30+s4], $0x800, $0x38;
	[tilespmem:$0x1C800] =	vst v63  }
0x29: {  	_ =	swait.ge [sflag:s0], $0x800  }
0x2a: {  	[sflag:s0] =	ssyncset.done $0x0  }
0x2b: {  	[sflag:s0] =	ssyncadd.s32 $0xFFFFF800  }
0x2c: {  	s3 =	rddreg [dreg:$0x1]  }
0x2d: {  	[tilespmem:s10], [sflag:$0x1] =	stream.indirect.gather [hbm4b:s3+s9], $0x80, s4, s9, $0xb8;
	[tilespmem:$0x1C800] =	vst v63  }
0x2e: {  	_ = 	snop  }
0x2f: {  	[tilespmem:s11], [sflag:$0x1] =	stream.indirect.gather [hbm4b:s5+s9], $0x80, s9, s9, $0xb8;
	[tilespmem:$0x1C800] =	vst v63  }
0x30: {  	_ =	swait.ge [sflag:s12], $0x4000  }
0x31: {  	s14 =	rddreg [dreg:$0x6];
	[sflag:s12] =	ssyncset.done $0x0  }
0x32: {  	s0 =	rddreg [dreg:$0x16];
	[sflag:s12] =	ssyncadd.s32 $0xFFFFC000  }
0x33: {  	[hbm4b:s14+s4] =	stream.linear.scatter [tilespmem:s10], [sflag:$0x2], $0x4000, $0x38;
	[tilespmem:$0x1C800] =	vst v63  }
0x34: {  	s14 =	rddreg [dreg:$0x3]  }
0x35: {  	[tilespmem:s13], [sflag:$0x1] =	stream.indirect.gather [hbm4b:s14+s9], $0x80, s0, s9, $0xb8;
	[tilespmem:$0x1C800] =	vst v63  }
0x36: {  	_ =	swait.ge [sflag:s12], $0x4000  }
0x37: {  	[sflag:s12] =	ssyncset.done $0x0  }
0x38: {  	s30 =	rddreg [dreg:$0x7];
	[sflag:s12] =	ssyncadd.s32 $0xFFFFC000  }
0x39: {  	[hbm4b:s30+s4] =	stream.linear.scatter [tilespmem:s11], [sflag:$0x2], $0x4000, $0x38;
	[tilespmem:$0x1C800] =	vst v63  }
0x3a: {  	v3 =	vld [tilespmem:$0x180];
	_ =	sdelay $0x4  }
0x3b: {  	v4 =	vshll.u32 v3, $0x1  }
0x3c: {  	v3 =	vand.u32 $0x7, v3;
	v4 =	vand.u32 $0xFFFFFFF0, v4  }
0x3d: {  	v3 =	vor.u32 v3, v4  }
0x3e: {  	v4 =	vperm.xlane v3, v0;
	_ =	sdelay $0x1  }
0x3f: {  	v3 =	vperm.xlane v3, v2;
	v4 =	vadd.s32 v1, v4;
	_ =	sdelay $0x1  }
0x40: {  	v3 =	vadd.s32 v1, v3;
	_ =	sdelay $0x2  }
0x41: {  	[tilespmem:s2], [sflag:$0x1] =	stream.indirect_vreg.gather [hbm4b:s6+s4], $0x80, v4, vm0, $0xb8;
	[tilespmem:$0x1C800] =	vst v63  }
0x42: {  	s30 =	simm.s32 $0xD000  }
0x43: {  	[tilespmem:s30], [sflag:$0x1] =	stream.indirect_vreg.gather [hbm4b:s6+s4], $0x80, v3, vm0, $0xb8;
	[tilespmem:$0x1C800] =	vst v63  }
0x44: {  	v3 =	vld [tilespmem:$0x190];
	_ =	sdelay $0x4  }
0x45: {  	v33 =	vshll.u32 v3, $0x1  }
0x46: {  	v3 =	vand.u32 $0x7, v3;
	v4 =	vand.u32 $0xFFFFFFF0, v33  }
0x47: {  	v3 =	vor.u32 v3, v4  }
0x48: {  	v4 =	vperm.xlane v3, v0;
	_ =	sdelay $0x1  }
0x49: {  	v3 =	vperm.xlane v3, v2;
	v4 =	vadd.s32 v1, v4;
	_ =	sdelay $0x1  }
0x4a: {  	v3 =	vadd.s32 v1, v3;
	_ =	sdelay $0x2  }
0x4b: {  	[tilespmem:s15], [sflag:$0x1] =	stream.indirect_vreg.gather [hbm4b:s6+s4], $0x80, v4, vm0, $0xb8;
	[tilespmem:$0x1C800] =	vst v63  }
0x4c: {  	_ = 	snop  }
0x4d: {  	[tilespmem:s16], [sflag:$0x1] =	stream.indirect_vreg.gather [hbm4b:s6+s4], $0x80, v3, vm0, $0xb8;
	[tilespmem:$0x1C800] =	vst v63  }
0x4e: {  	v3 =	vld [tilespmem:$0x1A0];
	_ =	sdelay $0x4  }
0x4f: {  	v34 =	vshll.u32 v3, $0x1  }
0x50: {  	v3 =	vand.u32 $0x7, v3;
	v4 =	vand.u32 $0xFFFFFFF0, v34  }
0x51: {  	v3 =	vor.u32 v3, v4  }
0x52: {  	v4 =	vperm.xlane v3, v0;
	_ =	sdelay $0x1  }
0x53: {  	v3 =	vperm.xlane v3, v2;
	v4 =	vadd.s32 v1, v4;
	_ =	sdelay $0x1  }
0x54: {  	v3 =	vadd.s32 v1, v3;
	_ =	sdelay $0x2  }
0x55: {  	[tilespmem:s17], [sflag:$0x1] =	stream.indirect_vreg.gather [hbm4b:s6+s4], $0x80, v4, vm0, $0xb8;
	[tilespmem:$0x1C800] =	vst v63  }
0x56: {  	_ = 	snop  }
0x57: {  	[tilespmem:s18], [sflag:$0x1] =	stream.indirect_vreg.gather [hbm4b:s6+s4], $0x80, v3, vm0, $0xb8;
	[tilespmem:$0x1C800] =	vst v63  }
0x58: {  	v3 =	vld [tilespmem:$0x1B0];
	_ =	sdelay $0x4  }
0x59: {  	v35 =	vshll.u32 v3, $0x1  }
0x5a: {  	v3 =	vand.u32 $0x7, v3;
	v4 =	vand.u32 $0xFFFFFFF0, v35  }
0x5b: {  	v3 =	vor.u32 v3, v4  }
0x5c: {  	v4 =	vperm.xlane v3, v0;
	_ =	sdelay $0x1  }
0x5d: {  	v3 =	vperm.xlane v3, v2;
	v4 =	vadd.s32 v1, v4;
	_ =	sdelay $0x1  }
0x5e: {  	v3 =	vadd.s32 v1, v3;
	_ =	sdelay $0x2  }
0x5f: {  	[tilespmem:s19], [sflag:$0x1] =	stream.indirect_vreg.gather [hbm4b:s6+s4], $0x80, v4, vm0, $0xb8;
	[tilespmem:$0x1C800] =	vst v63  }
0x60: {  	_ = 	snop  }
0x61: {  	[tilespmem:s20], [sflag:$0x1] =	stream.indirect_vreg.gather [hbm4b:s6+s4], $0x80, v3, vm0, $0xb8;
	[tilespmem:$0x1C800] =	vst v63  }
0x62: {  	v3 =	vld [tilespmem:$0x1C0];
	_ =	sdelay $0x4  }
0x63: {  	v36 =	vshll.u32 v3, $0x1  }
0x64: {  	v3 =	vand.u32 $0x7, v3;
	v4 =	vand.u32 $0xFFFFFFF0, v36  }
0x65: {  	v3 =	vor.u32 v3, v4  }
0x66: {  	v4 =	vperm.xlane v3, v0;
	_ =	sdelay $0x1  }
0x67: {  	v3 =	vperm.xlane v3, v2;
	v4 =	vadd.s32 v1, v4;
	_ =	sdelay $0x1  }
0x68: {  	v3 =	vadd.s32 v1, v3;
	_ =	sdelay $0x2  }
0x69: {  	[tilespmem:s21], [sflag:$0x1] =	stream.indirect_vreg.gather [hbm4b:s6+s4], $0x80, v4, vm0, $0xb8;
	[tilespmem:$0x1C800] =	vst v63  }
0x6a: {  	_ = 	snop  }
0x6b: {  	[tilespmem:s22], [sflag:$0x1] =	stream.indirect_vreg.gather [hbm4b:s6+s4], $0x80, v3, vm0, $0xb8;
	[tilespmem:$0x1C800] =	vst v63  }
0x6c: {  	v3 =	vld [tilespmem:$0x1D0];
	_ =	sdelay $0x4  }
0x6d: {  	v37 =	vshll.u32 v3, $0x1  }
0x6e: {  	v3 =	vand.u32 $0x7, v3;
	v4 =	vand.u32 $0xFFFFFFF0, v37  }
0x6f: {  	v3 =	vor.u32 v3, v4  }
0x70: {  	v4 =	vperm.xlane v3, v0;
	_ =	sdelay $0x1  }
0x71: {  	v3 =	vperm.xlane v3, v2;
	v4 =	vadd.s32 v1, v4;
	_ =	sdelay $0x1  }
0x72: {  	v3 =	vadd.s32 v1, v3;
	_ =	sdelay $0x2  }
0x73: {  	[tilespmem:s23], [sflag:$0x1] =	stream.indirect_vreg.gather [hbm4b:s6+s4], $0x80, v4, vm0, $0xb8;
	[tilespmem:$0x1C800] =	vst v63  }
0x74: {  	_ = 	snop  }
0x75: {  	[tilespmem:s24], [sflag:$0x1] =	stream.indirect_vreg.gather [hbm4b:s6+s4], $0x80, v3, vm0, $0xb8;
	[tilespmem:$0x1C800] =	vst v63  }
0x76: {  	v3 =	vld [tilespmem:$0x1E0];
	_ =	sdelay $0x4  }
0x77: {  	v38 =	vshll.u32 v3, $0x1  }
0x78: {  	v3 =	vand.u32 $0x7, v3;
	v4 =	vand.u32 $0xFFFFFFF0, v38  }
0x79: {  	v3 =	vor.u32 v3, v4  }
0x7a: {  	v4 =	vperm.xlane v3, v0;
	_ =	sdelay $0x1  }
0x7b: {  	v3 =	vperm.xlane v3, v2;
	v4 =	vadd.s32 v1, v4;
	_ =	sdelay $0x1  }
0x7c: {  	v3 =	vadd.s32 v1, v3;
	_ =	sdelay $0x2  }
0x7d: {  	[tilespmem:s25], [sflag:$0x1] =	stream.indirect_vreg.gather [hbm4b:s6+s4], $0x80, v4, vm0, $0xb8;
	[tilespmem:$0x1C800] =	vst v63  }
0x7e: {  	_ = 	snop  }
0x7f: {  	[tilespmem:s26], [sflag:$0x1] =	stream.indirect_vreg.gather [hbm4b:s6+s4], $0x80, v3, vm0, $0xb8;
	[tilespmem:$0x1C800] =	vst v63  }
0x80: {  	v3 =	vld [tilespmem:$0x1F0];
	_ =	sdelay $0x4  }
0x81: {  	v39 =	vshll.u32 v3, $0x1  }
0x82: {  	v3 =	vand.u32 $0x7, v3;
	v4 =	vand.u32 $0xFFFFFFF0, v39  }
0x83: {  	v3 =	vor.u32 v3, v4  }
0x84: {  	v4 =	vperm.xlane v3, v0;
	_ =	sdelay $0x1  }
0x85: {  	v3 =	vperm.xlane v3, v2;
	v4 =	vadd.s32 v1, v4;
	_ =	sdelay $0x1  }
0x86: {  	v3 =	vadd.s32 v1, v3;
	_ =	sdelay $0x2  }
0x87: {  	[tilespmem:s28], [sflag:$0x1] =	stream.indirect_vreg.gather [hbm4b:s6+s4], $0x80, v4, vm0, $0xb8;
	[tilespmem:$0x1C800] =	vst v63  }
0x88: {  	_ = 	snop  }
0x89: {  	[tilespmem:s29], [sflag:$0x1] =	stream.indirect_vreg.gather [hbm4b:s6+s4], $0x80, v3, vm0, $0xb8;
	[tilespmem:$0x1C800] =	vst v63  }
0x8a: {  	_ =	swait.ge [sflag:s12], $0x4000  }
0x8b: {  	[sflag:s12] =	ssyncset.done $0x0  }
0x8c: {  	s0 =	rddreg [dreg:$0x8];
	[sflag:s12] =	ssyncadd.s32 $0xFFFFC000  }
0x8d: {  	[hbm4b:s0+s4] =	stream.linear.scatter [tilespmem:s13], [sflag:$0x2], $0x4000, $0x38;
	[tilespmem:$0x1C800] =	vst v63  }
0x8e: {  	_ =	swait.ge [sflag:s31], $0x4000  }
0x8f: {  	[sflag:s31] =	ssyncset.done $0x0  }
0x90: {  	s0 =	rddreg [dreg:$0x17];
	[sflag:s31] =	ssyncadd.s32 $0xFFFFC000  }
0x91: {  	[tilespmem:s10], [sflag:$0x1] =	stream.indirect.gather [hbm4b:s3+s9], $0x80, s0, s9, $0xb8;
	[tilespmem:$0x1C800] =	vst v63  }
0x92: {  	_ =	swait.ge [sflag:s12], $0x8000  }
0x93: {  	[sflag:s12] =	ssyncset.done $0x0  }
0x94: {  	s0 =	rddreg [dreg:$0x9];
	[sflag:s12] =	ssyncadd.s32 $0xFFFF8000  }
0x95: {  	[hbm4b:s0+s4] =	stream.linear.scatter [tilespmem:s2], [sflag:$0x2], $0x8000, $0x38;
	[tilespmem:$0x1C800] =	vst v63  }
0x96: {  	_ =	swait.ge [sflag:s31], $0x4000  }
0x97: {  	[sflag:s31] =	ssyncset.done $0x0  }
0x98: {  	s0 =	rddreg [dreg:$0x18];
	[sflag:s31] =	ssyncadd.s32 $0xFFFFC000  }
0x99: {  	[tilespmem:s11], [sflag:$0x1] =	stream.indirect.gather [hbm4b:s5+s9], $0x80, s0, s9, $0xb8;
	[tilespmem:$0x1C800] =	vst v63  }
0x9a: {  	_ =	swait.ge [sflag:s12], $0x4000  }
0x9b: {  	[sflag:s12] =	ssyncset.done $0x0  }
0x9c: {  	s0 =	rddreg [dreg:$0xa];
	[sflag:s12] =	ssyncadd.s32 $0xFFFFC000  }
0x9d: {  	[hbm4b:s0+s4] =	stream.linear.scatter [tilespmem:s10], [sflag:$0x2], $0x4000, $0x38;
	[tilespmem:$0x1C800] =	vst v63  }
0x9e: {  	_ =	swait.ge [sflag:s31], $0x4000  }
0x9f: {  	[sflag:s31] =	ssyncset.done $0x0  }
0xa0: {  	s0 =	rddreg [dreg:$0x19];
	[sflag:s31] =	ssyncadd.s32 $0xFFFFC000  }
0xa1: {  	[tilespmem:s13], [sflag:$0x1] =	stream.indirect.gather [hbm4b:s14+s9], $0x80, s0, s9, $0xb8;
	[tilespmem:$0x1C800] =	vst v63  }
0xa2: {  	_ =	swait.ge [sflag:s12], $0x4000  }
0xa3: {  	[sflag:s12] =	ssyncset.done $0x0  }
0xa4: {  	s0 =	rddreg [dreg:$0xb];
	[sflag:s12] =	ssyncadd.s32 $0xFFFFC000  }
0xa5: {  	[hbm4b:s0+s4] =	stream.linear.scatter [tilespmem:s11], [sflag:$0x2], $0x4000, $0x38;
	[tilespmem:$0x1C800] =	vst v63  }
0xa6: {  	v3 =	vld [tilespmem:$0x380];
	_ =	sdelay $0x4  }
0xa7: {  	v40 =	vshll.u32 v3, $0x1  }
0xa8: {  	v3 =	vand.u32 $0x7, v3;
	v4 =	vand.u32 $0xFFFFFFF0, v40  }
0xa9: {  	v3 =	vor.u32 v3, v4  }
0xaa: {  	v4 =	vperm.xlane v3, v0;
	_ =	sdelay $0x1  }
0xab: {  	v3 =	vperm.xlane v3, v2;
	v4 =	vadd.s32 v1, v4;
	_ =	sdelay $0x1  }
0xac: {  	v3 =	vadd.s32 v1, v3;
	_ =	sdelay $0x2  }
0xad: {  	[tilespmem:s1], [sflag:$0x1] =	stream.indirect_vreg.gather [hbm4b:s6+s4], $0x80, v4, vm0, $0xb8;
	[tilespmem:$0x1C800] =	vst v63  }
0xae: {  	_ = 	snop  }
0xaf: {  	[tilespmem:s8], [sflag:$0x1] =	stream.indirect_vreg.gather [hbm4b:s6+s4], $0x80, v3, vm0, $0xb8;
	[tilespmem:$0x1C800] =	vst v63  }
0xb0: {  	v3 =	vld [tilespmem:$0x390];
	_ =	sdelay $0x4  }
0xb1: {  	v41 =	vshll.u32 v3, $0x1  }
0xb2: {  	v3 =	vand.u32 $0x7, v3;
	v4 =	vand.u32 $0xFFFFFFF0, v41  }
0xb3: {  	v3 =	vor.u32 v3, v4  }
0xb4: {  	v4 =	vperm.xlane v3, v0;
	_ =	sdelay $0x1  }
0xb5: {  	v3 =	vperm.xlane v3, v2;
	v4 =	vadd.s32 v1, v4;
	_ =	sdelay $0x1  }
0xb6: {  	v3 =	vadd.s32 v1, v3;
	_ =	sdelay $0x1  }
0xb7: {  	s0 =	simm.s32 $0x15800  }
0xb8: {  	[tilespmem:s0], [sflag:$0x1] =	stream.indirect_vreg.gather [hbm4b:s6+s4], $0x80, v4, vm0, $0xb8;
	[tilespmem:$0x1C800] =	vst v63  }
0xb9: {  	s0 =	simm.s32 $0x16000  }
0xba: {  	[tilespmem:s0], [sflag:$0x1] =	stream.indirect_vreg.gather [hbm4b:s6+s4], $0x80, v3, vm0, $0xb8;
	[tilespmem:$0x1C800] =	vst v63  }
0xbb: {  	v3 =	vld [tilespmem:$0x3A0];
	_ =	sdelay $0x4  }
0xbc: {  	v42 =	vshll.u32 v3, $0x1  }
0xbd: {  	v3 =	vand.u32 $0x7, v3;
	v4 =	vand.u32 $0xFFFFFFF0, v42  }
0xbe: {  	v3 =	vor.u32 v3, v4  }
0xbf: {  	v4 =	vperm.xlane v3, v0;
	_ =	sdelay $0x1  }
0xc0: {  	v3 =	vperm.xlane v3, v2;
	v4 =	vadd.s32 v1, v4;
	_ =	sdelay $0x1  }
0xc1: {  	v3 =	vadd.s32 v1, v3;
	_ =	sdelay $0x1  }
0xc2: {  	s0 =	simm.s32 $0x16800  }
0xc3: {  	[tilespmem:s0], [sflag:$0x1] =	stream.indirect_vreg.gather [hbm4b:s6+s4], $0x80, v4, vm0, $0xb8;
	[tilespmem:$0x1C800] =	vst v63  }
0xc4: {  	s0 =	simm.s32 $0x17000  }
0xc5: {  	[tilespmem:s0], [sflag:$0x1] =	stream.indirect_vreg.gather [hbm4b:s6+s4], $0x80, v3, vm0, $0xb8;
	[tilespmem:$0x1C800] =	vst v63  }
0xc6: {  	v3 =	vld [tilespmem:$0x3B0];
	_ =	sdelay $0x4  }
0xc7: {  	v43 =	vshll.u32 v3, $0x1  }
0xc8: {  	v3 =	vand.u32 $0x7, v3;
	v4 =	vand.u32 $0xFFFFFFF0, v43  }
0xc9: {  	v3 =	vor.u32 v3, v4  }
0xca: {  	v4 =	vperm.xlane v3, v0;
	_ =	sdelay $0x1  }
0xcb: {  	v3 =	vperm.xlane v3, v2;
	v4 =	vadd.s32 v1, v4;
	_ =	sdelay $0x1  }
0xcc: {  	v3 =	vadd.s32 v1, v3;
	_ =	sdelay $0x1  }
0xcd: {  	s0 =	simm.s32 $0x17800  }
0xce: {  	[tilespmem:s0], [sflag:$0x1] =	stream.indirect_vreg.gather [hbm4b:s6+s4], $0x80, v4, vm0, $0xb8;
	[tilespmem:$0x1C800] =	vst v63  }
0xcf: {  	s0 =	simm.s32 $0x18000  }
0xd0: {  	[tilespmem:s0], [sflag:$0x1] =	stream.indirect_vreg.gather [hbm4b:s6+s4], $0x80, v3, vm0, $0xb8;
	[tilespmem:$0x1C800] =	vst v63  }
0xd1: {  	v3 =	vld [tilespmem:$0x3C0];
	_ =	sdelay $0x4  }
0xd2: {  	v44 =	vshll.u32 v3, $0x1  }
0xd3: {  	v3 =	vand.u32 $0x7, v3;
	v4 =	vand.u32 $0xFFFFFFF0, v44  }
0xd4: {  	v3 =	vor.u32 v3, v4  }
0xd5: {  	v4 =	vperm.xlane v3, v0;
	_ =	sdelay $0x1  }
0xd6: {  	v3 =	vperm.xlane v3, v2;
	v4 =	vadd.s32 v1, v4;
	_ =	sdelay $0x1  }
0xd7: {  	v3 =	vadd.s32 v1, v3;
	_ =	sdelay $0x1  }
0xd8: {  	s0 =	simm.s32 $0x18800  }
0xd9: {  	[tilespmem:s0], [sflag:$0x1] =	stream.indirect_vreg.gather [hbm4b:s6+s4], $0x80, v4, vm0, $0xb8;
	[tilespmem:$0x1C800] =	vst v63  }
0xda: {  	s0 =	simm.s32 $0x19000  }
0xdb: {  	[tilespmem:s0], [sflag:$0x1] =	stream.indirect_vreg.gather [hbm4b:s6+s4], $0x80, v3, vm0, $0xb8;
	[tilespmem:$0x1C800] =	vst v63  }
0xdc: {  	v3 =	vld [tilespmem:$0x3D0];
	_ =	sdelay $0x4  }
0xdd: {  	v45 =	vshll.u32 v3, $0x1  }
0xde: {  	v3 =	vand.u32 $0x7, v3;
	v4 =	vand.u32 $0xFFFFFFF0, v45  }
0xdf: {  	v3 =	vor.u32 v3, v4  }
0xe0: {  	v4 =	vperm.xlane v3, v0;
	_ =	sdelay $0x1  }
0xe1: {  	v3 =	vperm.xlane v3, v2;
	v4 =	vadd.s32 v1, v4;
	_ =	sdelay $0x1  }
0xe2: {  	v3 =	vadd.s32 v1, v3;
	_ =	sdelay $0x1  }
0xe3: {  	s0 =	simm.s32 $0x19800  }
0xe4: {  	[tilespmem:s0], [sflag:$0x1] =	stream.indirect_vreg.gather [hbm4b:s6+s4], $0x80, v4, vm0, $0xb8;
	[tilespmem:$0x1C800] =	vst v63  }
0xe5: {  	s0 =	simm.s32 $0x1A000  }
0xe6: {  	[tilespmem:s0], [sflag:$0x1] =	stream.indirect_vreg.gather [hbm4b:s6+s4], $0x80, v3, vm0, $0xb8;
	[tilespmem:$0x1C800] =	vst v63  }
0xe7: {  	v3 =	vld [tilespmem:$0x3E0];
	_ =	sdelay $0x4  }
0xe8: {  	v46 =	vshll.u32 v3, $0x1  }
0xe9: {  	v3 =	vand.u32 $0x7, v3;
	v4 =	vand.u32 $0xFFFFFFF0, v46  }
0xea: {  	v3 =	vor.u32 v3, v4  }
0xeb: {  	v4 =	vperm.xlane v3, v0;
	_ =	sdelay $0x1  }
0xec: {  	v3 =	vperm.xlane v3, v2;
	v4 =	vadd.s32 v1, v4;
	_ =	sdelay $0x1  }
0xed: {  	v3 =	vadd.s32 v1, v3;
	_ =	sdelay $0x1  }
0xee: {  	s0 =	simm.s32 $0x1A800  }
0xef: {  	[tilespmem:s0], [sflag:$0x1] =	stream.indirect_vreg.gather [hbm4b:s6+s4], $0x80, v4, vm0, $0xb8;
	[tilespmem:$0x1C800] =	vst v63  }
0xf0: {  	s0 =	simm.s32 $0x1B000  }
0xf1: {  	[tilespmem:s0], [sflag:$0x1] =	stream.indirect_vreg.gather [hbm4b:s6+s4], $0x80, v3, vm0, $0xb8;
	[tilespmem:$0x1C800] =	vst v63  }
0xf2: {  	v3 =	vld [tilespmem:$0x3F0];
	_ =	sdelay $0x4  }
0xf3: {  	v47 =	vshll.u32 v3, $0x1  }
0xf4: {  	v3 =	vand.u32 $0x7, v3;
	v4 =	vand.u32 $0xFFFFFFF0, v47  }
0xf5: {  	v3 =	vor.u32 v3, v4  }
0xf6: {  	v4 =	vperm.xlane v3, v0;
	_ =	sdelay $0x1  }
0xf7: {  	v3 =	vperm.xlane v3, v2;
	v4 =	vadd.s32 v1, v4;
	_ =	sdelay $0x1  }
0xf8: {  	v3 =	vadd.s32 v1, v3;
	_ =	sdelay $0x1  }
0xf9: {  	s0 =	simm.s32 $0x1B800  }
0xfa: {  	[tilespmem:s0], [sflag:$0x1] =	stream.indirect_vreg.gather [hbm4b:s6+s4], $0x80, v4, vm0, $0xb8;
	[tilespmem:$0x1C800] =	vst v63  }
0xfb: {  	s0 =	simm.s32 $0x1C000  }
0xfc: {  	[tilespmem:s0], [sflag:$0x1] =	stream.indirect_vreg.gather [hbm4b:s6+s4], $0x80, v3, vm0, $0xb8;
	[tilespmem:$0x1C800] =	vst v63  }
0xfd: {  	_ =	swait.ge [sflag:s12], $0x4000  }
0xfe: {  	[sflag:s12] =	ssyncset.done $0x0  }
0xff: {  	s0 =	rddreg [dreg:$0xc];
	[sflag:s12] =	ssyncadd.s32 $0xFFFFC000  }
0x100: {  	[hbm4b:s0+s4] =	stream.linear.scatter [tilespmem:s13], [sflag:$0x2], $0x4000, $0x38;
	[tilespmem:$0x1C800] =	vst v63  }
0x101: {  	_ =	swait.ge [sflag:s31], $0x8000  }
0x102: {  	[sflag:s31] =	ssyncset.done $0x0  }
0x103: {  	[sflag:s31] =	ssyncadd.s32 $0xFFFF8000  }
0x104: {  	_ =	swait.ge [sflag:s31], $0x4000  }
0x105: {  	[sflag:s31] =	ssyncset.done $0x0  }
0x106: {  	s0 =	rddreg [dreg:$0x1a];
	[sflag:s31] =	ssyncadd.s32 $0xFFFFC000  }
0x107: {  	[tilespmem:s10], [sflag:$0x1] =	stream.indirect.gather [hbm4b:s3+s9], $0x80, s0, s9, $0xb8;
	[tilespmem:$0x1C800] =	vst v63  }
0x108: {  	_ =	swait.ge [sflag:s12], $0x8000  }
0x109: {  	[sflag:s12] =	ssyncset.done $0x0  }
0x10a: {  	s0 =	rddreg [dreg:$0xd];
	[sflag:s12] =	ssyncadd.s32 $0xFFFF8000  }
0x10b: {  	[hbm4b:s0+s4] =	stream.linear.scatter [tilespmem:s1], [sflag:$0x2], $0x8000, $0x38;
	[tilespmem:$0x1C800] =	vst v63  }
0x10c: {  	_ =	swait.ge [sflag:s31], $0x4000  }
0x10d: {  	[sflag:s31] =	ssyncset.done $0x0  }
0x10e: {  	s0 =	rddreg [dreg:$0x1b];
	[sflag:s31] =	ssyncadd.s32 $0xFFFFC000  }
0x10f: {  	[tilespmem:s11], [sflag:$0x1] =	stream.indirect.gather [hbm4b:s5+s9], $0x80, s0, s9, $0xb8;
	[tilespmem:$0x1C800] =	vst v63  }
0x110: {  	_ =	swait.ge [sflag:s12], $0x4000  }
0x111: {  	[sflag:s12] =	ssyncset.done $0x0  }
0x112: {  	s0 =	rddreg [dreg:$0xe];
	[sflag:s12] =	ssyncadd.s32 $0xFFFFC000  }
0x113: {  	[hbm4b:s0+s4] =	stream.linear.scatter [tilespmem:s10], [sflag:$0x2], $0x4000, $0x38;
	[tilespmem:$0x1C800] =	vst v63  }
0x114: {  	_ =	swait.ge [sflag:s31], $0x4000  }
0x115: {  	[sflag:s31] =	ssyncset.done $0x0  }
0x116: {  	s0 =	rddreg [dreg:$0x1c];
	[sflag:s31] =	ssyncadd.s32 $0xFFFFC000  }
0x117: {  	[tilespmem:s13], [sflag:$0x1] =	stream.indirect.gather [hbm4b:s14+s9], $0x80, s0, s9, $0xb8;
	[tilespmem:$0x1C800] =	vst v63  }
0x118: {  	_ =	swait.ge [sflag:s12], $0x4000  }
0x119: {  	[sflag:s12] =	ssyncset.done $0x0  }
0x11a: {  	s0 =	rddreg [dreg:$0xf];
	[sflag:s12] =	ssyncadd.s32 $0xFFFFC000  }
0x11b: {  	[hbm4b:s0+s4] =	stream.linear.scatter [tilespmem:s11], [sflag:$0x2], $0x4000, $0x38;
	[tilespmem:$0x1C800] =	vst v63  }
0x11c: {  	v3 =	vld [tilespmem:$0x580];
	_ =	sdelay $0x4  }
0x11d: {  	v48 =	vshll.u32 v3, $0x1  }
0x11e: {  	v3 =	vand.u32 $0x7, v3;
	v4 =	vand.u32 $0xFFFFFFF0, v48  }
0x11f: {  	v3 =	vor.u32 v3, v4  }
0x120: {  	v4 =	vperm.xlane v3, v0;
	_ =	sdelay $0x1  }
0x121: {  	v3 =	vperm.xlane v3, v2;
	v4 =	vadd.s32 v1, v4;
	_ =	sdelay $0x1  }
0x122: {  	v3 =	vadd.s32 v1, v3;
	_ =	sdelay $0x2  }
0x123: {  	[tilespmem:s2], [sflag:$0x1] =	stream.indirect_vreg.gather [hbm4b:s6+s4], $0x80, v4, vm0, $0xb8;
	[tilespmem:$0x1C800] =	vst v63  }
0x124: {  	_ = 	snop  }
0x125: {  	[tilespmem:s30], [sflag:$0x1] =	stream.indirect_vreg.gather [hbm4b:s6+s4], $0x80, v3, vm0, $0xb8;
	[tilespmem:$0x1C800] =	vst v63  }
0x126: {  	v3 =	vld [tilespmem:$0x590];
	_ =	sdelay $0x4  }
0x127: {  	v49 =	vshll.u32 v3, $0x1  }
0x128: {  	v3 =	vand.u32 $0x7, v3;
	v4 =	vand.u32 $0xFFFFFFF0, v49  }
0x129: {  	v3 =	vor.u32 v3, v4  }
0x12a: {  	v4 =	vperm.xlane v3, v0;
	_ =	sdelay $0x1  }
0x12b: {  	v3 =	vperm.xlane v3, v2;
	v4 =	vadd.s32 v1, v4;
	_ =	sdelay $0x1  }
0x12c: {  	v3 =	vadd.s32 v1, v3;
	_ =	sdelay $0x2  }
0x12d: {  	[tilespmem:s15], [sflag:$0x1] =	stream.indirect_vreg.gather [hbm4b:s6+s4], $0x80, v4, vm0, $0xb8;
	[tilespmem:$0x1C800] =	vst v63  }
0x12e: {  	_ = 	snop  }
0x12f: {  	[tilespmem:s16], [sflag:$0x1] =	stream.indirect_vreg.gather [hbm4b:s6+s4], $0x80, v3, vm0, $0xb8;
	[tilespmem:$0x1C800] =	vst v63  }
0x130: {  	v3 =	vld [tilespmem:$0x5A0];
	_ =	sdelay $0x4  }
0x131: {  	v50 =	vshll.u32 v3, $0x1  }
0x132: {  	v3 =	vand.u32 $0x7, v3;
	v4 =	vand.u32 $0xFFFFFFF0, v50  }
0x133: {  	v3 =	vor.u32 v3, v4  }
0x134: {  	v4 =	vperm.xlane v3, v0;
	_ =	sdelay $0x1  }
0x135: {  	v3 =	vperm.xlane v3, v2;
	v4 =	vadd.s32 v1, v4;
	_ =	sdelay $0x1  }
0x136: {  	v3 =	vadd.s32 v1, v3;
	_ =	sdelay $0x2  }
0x137: {  	[tilespmem:s17], [sflag:$0x1] =	stream.indirect_vreg.gather [hbm4b:s6+s4], $0x80, v4, vm0, $0xb8;
	[tilespmem:$0x1C800] =	vst v63  }
0x138: {  	_ = 	snop  }
0x139: {  	[tilespmem:s18], [sflag:$0x1] =	stream.indirect_vreg.gather [hbm4b:s6+s4], $0x80, v3, vm0, $0xb8;
	[tilespmem:$0x1C800] =	vst v63  }
0x13a: {  	v3 =	vld [tilespmem:$0x5B0];
	_ =	sdelay $0x4  }
0x13b: {  	v51 =	vshll.u32 v3, $0x1  }
0x13c: {  	v3 =	vand.u32 $0x7, v3;
	v4 =	vand.u32 $0xFFFFFFF0, v51  }
0x13d: {  	v3 =	vor.u32 v3, v4  }
0x13e: {  	v4 =	vperm.xlane v3, v0;
	_ =	sdelay $0x1  }
0x13f: {  	v3 =	vperm.xlane v3, v2;
	v4 =	vadd.s32 v1, v4;
	_ =	sdelay $0x1  }
0x140: {  	v3 =	vadd.s32 v1, v3;
	_ =	sdelay $0x2  }
0x141: {  	[tilespmem:s19], [sflag:$0x1] =	stream.indirect_vreg.gather [hbm4b:s6+s4], $0x80, v4, vm0, $0xb8;
	[tilespmem:$0x1C800] =	vst v63  }
0x142: {  	_ = 	snop  }
0x143: {  	[tilespmem:s20], [sflag:$0x1] =	stream.indirect_vreg.gather [hbm4b:s6+s4], $0x80, v3, vm0, $0xb8;
	[tilespmem:$0x1C800] =	vst v63  }
0x144: {  	v3 =	vld [tilespmem:$0x5C0];
	_ =	sdelay $0x4  }
0x145: {  	v52 =	vshll.u32 v3, $0x1  }
0x146: {  	v3 =	vand.u32 $0x7, v3;
	v4 =	vand.u32 $0xFFFFFFF0, v52  }
0x147: {  	v3 =	vor.u32 v3, v4  }
0x148: {  	v4 =	vperm.xlane v3, v0;
	_ =	sdelay $0x1  }
0x149: {  	v3 =	vperm.xlane v3, v2;
	v4 =	vadd.s32 v1, v4;
	_ =	sdelay $0x1  }
0x14a: {  	v3 =	vadd.s32 v1, v3;
	_ =	sdelay $0x2  }
0x14b: {  	[tilespmem:s21], [sflag:$0x1] =	stream.indirect_vreg.gather [hbm4b:s6+s4], $0x80, v4, vm0, $0xb8;
	[tilespmem:$0x1C800] =	vst v63  }
0x14c: {  	_ = 	snop  }
0x14d: {  	[tilespmem:s22], [sflag:$0x1] =	stream.indirect_vreg.gather [hbm4b:s6+s4], $0x80, v3, vm0, $0xb8;
	[tilespmem:$0x1C800] =	vst v63  }
0x14e: {  	v3 =	vld [tilespmem:$0x5D0];
	_ =	sdelay $0x4  }
0x14f: {  	v53 =	vshll.u32 v3, $0x1  }
0x150: {  	v3 =	vand.u32 $0x7, v3;
	v4 =	vand.u32 $0xFFFFFFF0, v53  }
0x151: {  	v3 =	vor.u32 v3, v4  }
0x152: {  	v4 =	vperm.xlane v3, v0;
	_ =	sdelay $0x1  }
0x153: {  	v3 =	vperm.xlane v3, v2;
	v4 =	vadd.s32 v1, v4;
	_ =	sdelay $0x1  }
0x154: {  	v3 =	vadd.s32 v1, v3;
	_ =	sdelay $0x2  }
0x155: {  	[tilespmem:s23], [sflag:$0x1] =	stream.indirect_vreg.gather [hbm4b:s6+s4], $0x80, v4, vm0, $0xb8;
	[tilespmem:$0x1C800] =	vst v63  }
0x156: {  	_ = 	snop  }
0x157: {  	[tilespmem:s24], [sflag:$0x1] =	stream.indirect_vreg.gather [hbm4b:s6+s4], $0x80, v3, vm0, $0xb8;
	[tilespmem:$0x1C800] =	vst v63  }
0x158: {  	v3 =	vld [tilespmem:$0x5E0];
	_ =	sdelay $0x4  }
0x159: {  	v54 =	vshll.u32 v3, $0x1  }
0x15a: {  	v3 =	vand.u32 $0x7, v3;
	v4 =	vand.u32 $0xFFFFFFF0, v54  }
0x15b: {  	v3 =	vor.u32 v3, v4  }
0x15c: {  	v4 =	vperm.xlane v3, v0;
	_ =	sdelay $0x1  }
0x15d: {  	v3 =	vperm.xlane v3, v2;
	v4 =	vadd.s32 v1, v4;
	_ =	sdelay $0x1  }
0x15e: {  	v3 =	vadd.s32 v1, v3;
	_ =	sdelay $0x2  }
0x15f: {  	[tilespmem:s25], [sflag:$0x1] =	stream.indirect_vreg.gather [hbm4b:s6+s4], $0x80, v4, vm0, $0xb8;
	[tilespmem:$0x1C800] =	vst v63  }
0x160: {  	_ = 	snop  }
0x161: {  	[tilespmem:s26], [sflag:$0x1] =	stream.indirect_vreg.gather [hbm4b:s6+s4], $0x80, v3, vm0, $0xb8;
	[tilespmem:$0x1C800] =	vst v63  }
0x162: {  	v3 =	vld [tilespmem:$0x5F0];
	_ =	sdelay $0x4  }
0x163: {  	v55 =	vshll.u32 v3, $0x1  }
0x164: {  	v3 =	vand.u32 $0x7, v3;
	v4 =	vand.u32 $0xFFFFFFF0, v55  }
0x165: {  	v3 =	vor.u32 v3, v4  }
0x166: {  	v4 =	vperm.xlane v3, v0;
	_ =	sdelay $0x1  }
0x167: {  	v3 =	vperm.xlane v3, v2;
	v4 =	vadd.s32 v1, v4;
	_ =	sdelay $0x1  }
0x168: {  	v3 =	vadd.s32 v1, v3;
	_ =	sdelay $0x2  }
0x169: {  	[tilespmem:s28], [sflag:$0x1] =	stream.indirect_vreg.gather [hbm4b:s6+s4], $0x80, v4, vm0, $0xb8;
	[tilespmem:$0x1C800] =	vst v63  }
0x16a: {  	_ = 	snop  }
0x16b: {  	[tilespmem:s29], [sflag:$0x1] =	stream.indirect_vreg.gather [hbm4b:s6+s4], $0x80, v3, vm0, $0xb8;
	[tilespmem:$0x1C800] =	vst v63  }
0x16c: {  	_ =	swait.ge [sflag:s12], $0x4000  }
0x16d: {  	[sflag:s12] =	ssyncset.done $0x0  }
0x16e: {  	s30 =	rddreg [dreg:$0x10];
	[sflag:s12] =	ssyncadd.s32 $0xFFFFC000  }
0x16f: {  	[hbm4b:s30+s4] =	stream.linear.scatter [tilespmem:s13], [sflag:$0x2], $0x4000, $0x38;
	[tilespmem:$0x1C800] =	vst v63  }
0x170: {  	_ =	swait.ge [sflag:s31], $0x8000  }
0x171: {  	[sflag:s31] =	ssyncset.done $0x0  }
0x172: {  	[sflag:s31] =	ssyncadd.s32 $0xFFFF8000  }
0x173: {  	_ =	swait.ge [sflag:s31], $0x4000  }
0x174: {  	[sflag:s31] =	ssyncset.done $0x0  }
0x175: {  	s30 =	rddreg [dreg:$0x1d];
	[sflag:s31] =	ssyncadd.s32 $0xFFFFC000  }
0x176: {  	[tilespmem:s10], [sflag:$0x1] =	stream.indirect.gather [hbm4b:s3+s9], $0x80, s30, s9, $0xb8;
	[tilespmem:$0x1C800] =	vst v63  }
0x177: {  	_ =	swait.ge [sflag:s12], $0x8000  }
0x178: {  	[sflag:s12] =	ssyncset.done $0x0  }
0x179: {  	s30 =	rddreg [dreg:$0x11];
	[sflag:s12] =	ssyncadd.s32 $0xFFFF8000  }
0x17a: {  	[hbm4b:s30+s4] =	stream.linear.scatter [tilespmem:s2], [sflag:$0x2], $0x8000, $0x38;
	[tilespmem:$0x1C800] =	vst v63  }
0x17b: {  	_ =	swait.ge [sflag:s31], $0x4000  }
0x17c: {  	[sflag:s31] =	ssyncset.done $0x0  }
0x17d: {  	s3 =	rddreg [dreg:$0x1e];
	[sflag:s31] =	ssyncadd.s32 $0xFFFFC000  }
0x17e: {  	[tilespmem:s11], [sflag:$0x1] =	stream.indirect.gather [hbm4b:s5+s9], $0x80, s3, s9, $0xb8;
	[tilespmem:$0x1C800] =	vst v63  }
0x17f: {  	_ =	swait.ge [sflag:s12], $0x4000  }
0x180: {  	[sflag:s12] =	ssyncset.done $0x0  }
0x181: {  	s30 =	rddreg [dreg:$0x12];
	[sflag:s12] =	ssyncadd.s32 $0xFFFFC000  }
0x182: {  	[hbm4b:s30+s4] =	stream.linear.scatter [tilespmem:s10], [sflag:$0x2], $0x4000, $0x38;
	[tilespmem:$0x1C800] =	vst v63  }
0x183: {  	_ =	swait.ge [sflag:s31], $0x4000  }
0x184: {  	[sflag:s31] =	ssyncset.done $0x0  }
0x185: {  	s3 =	rddreg [dreg:$0x1f];
	[sflag:s31] =	ssyncadd.s32 $0xFFFFC000  }
0x186: {  	[tilespmem:s13], [sflag:$0x1] =	stream.indirect.gather [hbm4b:s14+s9], $0x80, s3, s9, $0xb8;
	[tilespmem:$0x1C800] =	vst v63  }
0x187: {  	_ =	swait.ge [sflag:s12], $0x4000  }
0x188: {  	[sflag:s12] =	ssyncset.done $0x0  }
0x189: {  	s14 =	rddreg [dreg:$0x13];
	[sflag:s12] =	ssyncadd.s32 $0xFFFFC000  }
0x18a: {  	[hbm4b:s14+s4] =	stream.linear.scatter [tilespmem:s11], [sflag:$0x2], $0x4000, $0x38;
	[tilespmem:$0x1C800] =	vst v63  }
0x18b: {  	v3 =	vld [tilespmem:$0x780];
	_ =	sdelay $0x4  }
0x18c: {  	v56 =	vshll.u32 v3, $0x1  }
0x18d: {  	v3 =	vand.u32 $0x7, v3;
	v4 =	vand.u32 $0xFFFFFFF0, v56  }
0x18e: {  	v3 =	vor.u32 v3, v4  }
0x18f: {  	v4 =	vperm.xlane v3, v0;
	_ =	sdelay $0x1  }
0x190: {  	v3 =	vperm.xlane v3, v2;
	v4 =	vadd.s32 v1, v4;
	_ =	sdelay $0x1  }
0x191: {  	v3 =	vadd.s32 v1, v3;
	_ =	sdelay $0x2  }
0x192: {  	[tilespmem:s1], [sflag:$0x1] =	stream.indirect_vreg.gather [hbm4b:s6+s4], $0x80, v4, vm0, $0xb8;
	[tilespmem:$0x1C800] =	vst v63  }
0x193: {  	_ = 	snop  }
0x194: {  	[tilespmem:s8], [sflag:$0x1] =	stream.indirect_vreg.gather [hbm4b:s6+s4], $0x80, v3, vm0, $0xb8;
	[tilespmem:$0x1C800] =	vst v63  }
0x195: {  	v3 =	vld [tilespmem:$0x790];
	_ =	sdelay $0x4  }
0x196: {  	v57 =	vshll.u32 v3, $0x1  }
0x197: {  	v3 =	vand.u32 $0x7, v3;
	v4 =	vand.u32 $0xFFFFFFF0, v57  }
0x198: {  	v3 =	vor.u32 v3, v4  }
0x199: {  	v4 =	vperm.xlane v3, v0;
	_ =	sdelay $0x1  }
0x19a: {  	v3 =	vperm.xlane v3, v2;
	v4 =	vadd.s32 v1, v4;
	_ =	sdelay $0x1  }
0x19b: {  	v3 =	vadd.s32 v1, v3;
	_ =	sdelay $0x1  }
0x19c: {  	s30 =	simm.s32 $0x15800  }
0x19d: {  	[tilespmem:s30], [sflag:$0x1] =	stream.indirect_vreg.gather [hbm4b:s6+s4], $0x80, v4, vm0, $0xb8;
	[tilespmem:$0x1C800] =	vst v63  }
0x19e: {  	s3 =	simm.s32 $0x16000  }
0x19f: {  	[tilespmem:s3], [sflag:$0x1] =	stream.indirect_vreg.gather [hbm4b:s6+s4], $0x80, v3, vm0, $0xb8;
	[tilespmem:$0x1C800] =	vst v63  }
0x1a0: {  	v3 =	vld [tilespmem:$0x7A0];
	_ =	sdelay $0x4  }
0x1a1: {  	v58 =	vshll.u32 v3, $0x1  }
0x1a2: {  	v3 =	vand.u32 $0x7, v3;
	v4 =	vand.u32 $0xFFFFFFF0, v58  }
0x1a3: {  	v3 =	vor.u32 v3, v4  }
0x1a4: {  	v4 =	vperm.xlane v3, v0;
	_ =	sdelay $0x1  }
0x1a5: {  	v3 =	vperm.xlane v3, v2;
	v4 =	vadd.s32 v1, v4;
	_ =	sdelay $0x1  }
0x1a6: {  	v3 =	vadd.s32 v1, v3;
	_ =	sdelay $0x1  }
0x1a7: {  	s14 =	simm.s32 $0x16800  }
0x1a8: {  	[tilespmem:s14], [sflag:$0x1] =	stream.indirect_vreg.gather [hbm4b:s6+s4], $0x80, v4, vm0, $0xb8;
	[tilespmem:$0x1C800] =	vst v63  }
0x1a9: {  	s30 =	simm.s32 $0x17000  }
0x1aa: {  	[tilespmem:s30], [sflag:$0x1] =	stream.indirect_vreg.gather [hbm4b:s6+s4], $0x80, v3, vm0, $0xb8;
	[tilespmem:$0x1C800] =	vst v63  }
0x1ab: {  	v3 =	vld [tilespmem:$0x7B0];
	_ =	sdelay $0x4  }
0x1ac: {  	v59 =	vshll.u32 v3, $0x1  }
0x1ad: {  	v3 =	vand.u32 $0x7, v3;
	v4 =	vand.u32 $0xFFFFFFF0, v59  }
0x1ae: {  	v3 =	vor.u32 v3, v4  }
0x1af: {  	v4 =	vperm.xlane v3, v0;
	_ =	sdelay $0x1  }
0x1b0: {  	v3 =	vperm.xlane v3, v2;
	v4 =	vadd.s32 v1, v4;
	_ =	sdelay $0x1  }
0x1b1: {  	v3 =	vadd.s32 v1, v3;
	_ =	sdelay $0x1  }
0x1b2: {  	s3 =	simm.s32 $0x17800  }
0x1b3: {  	[tilespmem:s3], [sflag:$0x1] =	stream.indirect_vreg.gather [hbm4b:s6+s4], $0x80, v4, vm0, $0xb8;
	[tilespmem:$0x1C800] =	vst v63  }
0x1b4: {  	s14 =	simm.s32 $0x18000  }
0x1b5: {  	[tilespmem:s14], [sflag:$0x1] =	stream.indirect_vreg.gather [hbm4b:s6+s4], $0x80, v3, vm0, $0xb8;
	[tilespmem:$0x1C800] =	vst v63  }
0x1b6: {  	v3 =	vld [tilespmem:$0x7C0];
	_ =	sdelay $0x4  }
0x1b7: {  	v60 =	vshll.u32 v3, $0x1  }
0x1b8: {  	v3 =	vand.u32 $0x7, v3;
	v4 =	vand.u32 $0xFFFFFFF0, v60  }
0x1b9: {  	v3 =	vor.u32 v3, v4  }
0x1ba: {  	v4 =	vperm.xlane v3, v0;
	_ =	sdelay $0x1  }
0x1bb: {  	v3 =	vperm.xlane v3, v2;
	v4 =	vadd.s32 v1, v4;
	_ =	sdelay $0x1  }
0x1bc: {  	v3 =	vadd.s32 v1, v3;
	_ =	sdelay $0x1  }
0x1bd: {  	s30 =	simm.s32 $0x18800  }
0x1be: {  	[tilespmem:s30], [sflag:$0x1] =	stream.indirect_vreg.gather [hbm4b:s6+s4], $0x80, v4, vm0, $0xb8;
	[tilespmem:$0x1C800] =	vst v63  }
0x1bf: {  	s3 =	simm.s32 $0x19000  }
0x1c0: {  	[tilespmem:s3], [sflag:$0x1] =	stream.indirect_vreg.gather [hbm4b:s6+s4], $0x80, v3, vm0, $0xb8;
	[tilespmem:$0x1C800] =	vst v63  }
0x1c1: {  	v3 =	vld [tilespmem:$0x7D0];
	_ =	sdelay $0x4  }
0x1c2: {  	v61 =	vshll.u32 v3, $0x1  }
0x1c3: {  	v3 =	vand.u32 $0x7, v3;
	v4 =	vand.u32 $0xFFFFFFF0, v61  }
0x1c4: {  	v3 =	vor.u32 v3, v4  }
0x1c5: {  	v4 =	vperm.xlane v3, v0;
	_ =	sdelay $0x1  }
0x1c6: {  	v3 =	vperm.xlane v3, v2;
	v4 =	vadd.s32 v1, v4;
	_ =	sdelay $0x1  }
0x1c7: {  	v3 =	vadd.s32 v1, v3;
	_ =	sdelay $0x1  }
0x1c8: {  	s14 =	simm.s32 $0x19800  }
0x1c9: {  	[tilespmem:s14], [sflag:$0x1] =	stream.indirect_vreg.gather [hbm4b:s6+s4], $0x80, v4, vm0, $0xb8;
	[tilespmem:$0x1C800] =	vst v63  }
0x1ca: {  	s30 =	simm.s32 $0x1A000  }
0x1cb: {  	[tilespmem:s30], [sflag:$0x1] =	stream.indirect_vreg.gather [hbm4b:s6+s4], $0x80, v3, vm0, $0xb8;
	[tilespmem:$0x1C800] =	vst v63  }
0x1cc: {  	v3 =	vld [tilespmem:$0x7E0];
	_ =	sdelay $0x4  }
0x1cd: {  	v62 =	vshll.u32 v3, $0x1  }
0x1ce: {  	v3 =	vand.u32 $0x7, v3;
	v4 =	vand.u32 $0xFFFFFFF0, v62  }
0x1cf: {  	v3 =	vor.u32 v3, v4  }
0x1d0: {  	v4 =	vperm.xlane v3, v0;
	_ =	sdelay $0x1  }
0x1d1: {  	v3 =	vperm.xlane v3, v2;
	v4 =	vadd.s32 v1, v4;
	_ =	sdelay $0x1  }
0x1d2: {  	v3 =	vadd.s32 v1, v3;
	_ =	sdelay $0x1  }
0x1d3: {  	s3 =	simm.s32 $0x1A800  }
0x1d4: {  	[tilespmem:s3], [sflag:$0x1] =	stream.indirect_vreg.gather [hbm4b:s6+s4], $0x80, v4, vm0, $0xb8;
	[tilespmem:$0x1C800] =	vst v63  }
0x1d5: {  	s14 =	simm.s32 $0x1B000  }
0x1d6: {  	[tilespmem:s14], [sflag:$0x1] =	stream.indirect_vreg.gather [hbm4b:s6+s4], $0x80, v3, vm0, $0xb8;
	[tilespmem:$0x1C800] =	vst v63  }
0x1d7: {  	v3 =	vld [tilespmem:$0x7F0];
	_ =	sdelay $0x4  }
0x1d8: {  	v63 =	vshll.u32 v3, $0x1  }
0x1d9: {  	v3 =	vand.u32 $0x7, v3;
	v4 =	vand.u32 $0xFFFFFFF0, v63  }
0x1da: {  	v3 =	vor.u32 v3, v4  }
0x1db: {  	v4 =	vperm.xlane v3, v0;
	_ =	sdelay $0x1  }
0x1dc: {  	v3 =	vperm.xlane v3, v2;
	v4 =	vadd.s32 v1, v4;
	_ =	sdelay $0x1  }
0x1dd: {  	v3 =	vadd.s32 v1, v3;
	_ =	sdelay $0x1  }
0x1de: {  	s30 =	simm.s32 $0x1B800  }
0x1df: {  	[tilespmem:s30], [sflag:$0x1] =	stream.indirect_vreg.gather [hbm4b:s6+s4], $0x80, v4, vm0, $0xb8;
	[tilespmem:$0x1C800] =	vst v63  }
0x1e0: {  	s3 =	simm.s32 $0x1C000  }
0x1e1: {  	[tilespmem:s3], [sflag:$0x1] =	stream.indirect_vreg.gather [hbm4b:s6+s4], $0x80, v3, vm0, $0xb8;
	[tilespmem:$0x1C800] =	vst v63  }
0x1e2: {  	_ =	swait.ge [sflag:s12], $0x4000  }
0x1e3: {  	[sflag:s12] =	ssyncset.done $0x0  }
0x1e4: {  	s14 =	rddreg [dreg:$0x14];
	[sflag:s12] =	ssyncadd.s32 $0xFFFFC000  }
0x1e5: {  	[hbm4b:s14+s4] =	stream.linear.scatter [tilespmem:s13], [sflag:$0x2], $0x4000, $0x38;
	[tilespmem:$0x1C800] =	vst v63  }
0x1e6: {  	_ =	swait.ge [sflag:s12], $0x8000  }
0x1e7: {  	[sflag:s12] =	ssyncset.done $0x0  }
0x1e8: {  	s30 =	rddreg [dreg:$0x15];
	[sflag:s12] =	ssyncadd.s32 $0xFFFF8000  }
0x1e9: {  	[hbm4b:s30+s4] =	stream.linear.scatter [tilespmem:s1], [sflag:$0x2], $0x8000, $0x38;
	[tilespmem:$0x1C800] =	vst v63  }
0x1ea: {  	_ =	swait.ge [sflag:s31], $0x8000  }
0x1eb: {  	[sflag:s31] =	ssyncset.done $0x0  }
0x1ec: {  	[sflag:s31] =	ssyncadd.s32 $0xFFFF8000  }
0x1ed: {  	_ =	swait.ge [sflag:s31], $0x4000  }
0x1ee: {  	[sflag:s31] =	ssyncset.done $0x0  }
0x1ef: {  	[sflag:s31] =	ssyncadd.s32 $0xFFFFC000  }
0x1f0: {  	_ =	swait.ge [sflag:s31], $0x4000  }
0x1f1: {  	[sflag:s31] =	ssyncset.done $0x0  }
0x1f2: {  	[sflag:s31] =	ssyncadd.s32 $0xFFFFC000  }
0x1f3: {  	p0 =	sne.s32 s7, $0x1;
	_ =	swait.ge [sflag:s31], $0x4000  }
.Ltmp0:
0x1f4: {  	[sflag:s31] =	ssyncset.done $0x0;
	(pc) =	sbr.rel @p0 .LBB2_1-.Ltmp0, $4  }
0x1f5: {  	[sflag:s31] =	ssyncadd.s32 $0xFFFFC000  }
0x1f6: {  	_ =	swait.ge [sflag:s31], $0x8000  }
0x1f7: {  	[sflag:s31] =	ssyncset.done $0x0  }
0x1f8: {  	s7 =	sadd.s32 $0xFFFFFFFF, s7;
	[sflag:s31] =	ssyncadd.s32 $0xFFFF8000  }
0x1f9: {  	_ =	sfence.sel $0x180000  }
0x1fa: {  	[bflag:$0x0] =	sbarrier.arrive $0xFFFF  }
0x1fb: {  	_ =	strace $0x9000004A  }
0x1fc: {  	s0 =	stileid.u32;
	[bflag:$0x2] =	sbarrier.arrive $0xFFFF  }
0x1fd: {  	p0 =	sne.s32 s0, $0x0;
	s0 =	rddreg [dreg:$0x4]  }
0x1fe: {  	s0 =	sadd.s32 @!p0 $0x100000, s0  }
0x1ff: {  	[sflag:s0] =	ssyncadd.tile.s32 @!p0 $0x1;
	_ =	shalt  }
.Lfunc_end2:
_tile_overlayer_lowered:
.L_overlay_start_2:
0x200: {  	(tag) =	ssettag $0x2  }
0x201: {  	s0 =	rddreg [dreg:$0x0];
	s2 =	stileid.u32  }
0x202: {  	s1 =	rddreg [dreg:$0x1];
	p0 =	sne.s32 s2, $0x0  }
0x203: {  	s3 =	rddreg [dreg:$0x2];
	[bflag:$0x3] =	sbarrier.arrive $0xFFFF;
	s2 =	simm.s32 @!p0 $0x1C03  }
0x204: {  	[timem:s3], [sflag:s2] =	dma.local @!p0 [hbm:s0], s1  }
0x205: {  	s0 =	simm.s32 @!p0 $0x3  }
0x206: {  	_ =	swait.ge @!p0 [sflag:s0], s1  }
0x207: {  	s1 =	ssub.s32 @!p0 $0x0, s1;
	[sflag:s0] =	ssyncset.done @!p0 $0x0  }
0x208: {  	[sflag:s0] =	ssyncadd.s32 @!p0 s1  }
0x209: {  	[bflag:$0x3] =	sbarrier.arrive $0xFFFF  }
0x20a: {  	_ =	shalt  }

// kernel: kernel.8.cloned.1.call-start
scs
__scs_entry_jumppad:
0x0: {  	(pc) =	sbr.rel $0x88, $3  }
0x1: {  	(tag) =	ssettag $0x0;
	lr =	simm.s32 $0x1  }
0x2: {  	[smem:$0x3F9A] =	sst lr;
	_ =	strace $0xD0000000  }
0x3: {  	_ = 	snop  }
0x4: {  	_ = 	snop  }
0x5: {  	_ = 	snop  }
0x6: {  	_ = 	snop  }
0x7: {  	_ = 	snop  }
__scs_overlays_trampoline_lowered:
0x8: {  	[smem:$0x3FA9] =	sst s0  }
0x9: {  	[smem:$0x3FAA] =	sst s1  }
0xa: {  	[smem:$0x3FAB] =	sst s2  }
0xb: {  	[smem:$0x3FAC] =	sst s3  }
0xc: {  	[smem:$0x3FAD] =	sst s4  }
0xd: {  	[smem:$0x3FAE] =	sst s5  }
0xe: {  	[smem:$0x3FAF] =	sst s6  }
0xf: {  	[smem:$0x3FB0] =	sst s7  }
0x10: {  	[smem:$0x3FB1] =	sst s8  }
0x11: {  	[smem:$0x3FB2] =	sst s9;
	s0 =	simm.s32 @!p0 $0x0  }
0x12: {  	s1 =	sld [smem:$0x3F98];
	s0 =	simm.s32 @p0 $0x1  }
0x13: {  	[smem:$0x3FB3] =	sst s0;
	s0 =	simm.s32 @!p1 $0x0  }
0x14: {  	s2 =	sld [smem:$0x3F97];
	s0 =	simm.s32 @p1 $0x1  }
0x15: {  	[smem:$0x3FB4] =	sst s0;
	s0 =	simm.s32 @!p2 $0x0  }
0x16: {  	s3 =	sld [smem:$0x3FDB];
	s0 =	simm.s32 @p2 $0x1  }
0x17: {  	s4 =	simm.s32 $0x1BF5;
	[smem:$0x3FB6] =	sst s0  }
0x18: {  	s0 =	sld [smem:$0x3F99];
	_ =	swait.ge [sflag:s4], $0x0  }
0x19: {  	s7 =	sld [smem:$0x3F9A]  }
0x1a: {  	s8 =	sadd.s32 $0xFFFFE003, lr  }
0x1b: {  	s9 =	sadd.s32 $0xFFFFFEF7, lr;
	s5 =	simm.s32 $0xFFFFFFFF;
	p2 =	slt.u32 s8, $0xFFFFF086  }
0x1c: {  	p1 =	slt.u32 s9, $0xF7A;
	s5 =	simm.s32 @!p2 $0x0  }
0x1d: {  	s5 =	simm.s32 @p1 $0x1;
	p0 =	seq.s32 s7, s2  }
0x1e: {  	s7 =	smul.u32 @!p0 $0xF7A, s2;
	p2 =	seq.s32 @!p0 s5, $0x0  }
0x1f: {  	s9 =	smul.u32 $0xF7A, s1;
	s8 =	simm.s32 @!p0 $0x1BF5;
	p2 =	por !p2, p0  }
0x20: {  	[sflag:s8] =	ssyncset.s32 @!p0 $0xFFFFF086;
	s6 =	sadd.s32 @!p0 s3, s7;
	s7 =	simm.s32 @!p0 $0x108  }
0x21: {  	s3 =	sadd.s32 s3, s9;
	s6 =	sadd.s32 @!p0 $0x88, s6;
	s7 =	simm.s32 @p2 $0x1082  }
0x22: {  	[simem:s7], [sflag:s8] =	dma.local @!p0 [hbm:s6], $0xF7A  }
0x23: {  	s9 =	sor.u32 $0xD0000000, s2;
	s6 =	simm.s32 $0x108;
	_ =	swait.ge @!p0 [sflag:s8], $0x0  }
0x24: {  	s3 =	sadd.s32 $0x88, s3;
	s6 =	simm.s32 @!p1 $0x1082;
	[sflag:s4] =	ssyncset.s32 $0xFFFFF086  }
0x25: {  	[simem:s6], [sflag:s4] =	dma.local [hbm:s3], $0xF7A  }
0x26: {  	[smem:$0x3F9A] =	sst s1;
	(tag) =	ssettag s2;
	_ =	strace s9  }
0x27: {  	s1 =	sld [smem:$0x3FAA]  }
0x28: {  	s2 =	sld [smem:$0x3FAB]  }
0x29: {  	s4 =	sld [smem:$0x3FAD]  }
0x2a: {  	p0 =	seq.s32 s5, $0x0;
	s5 =	sld [smem:$0x3FAE]  }
0x2b: {  	s6 =	sld [smem:$0x3FAF]  }
0x2c: {  	s7 =	sld [smem:$0x3FB0]  }
0x2d: {  	s3 =	simm.s32 $0x108;
	s8 =	sld [smem:$0x3FB1]  }
0x2e: {  	s3 =	simm.s32 @!p0 $0x1082;
	s9 =	sld [smem:$0x3FB2]  }
0x2f: {  	lr =	sadd.s32 s0, s3;
	s0 =	sld [smem:$0x3FA9]  }
0x30: {  	s3 =	sld [smem:$0x3FAC]  }
0x31: {  	[smem:$0x3FB5] =	sst s10  }
0x32: {  	s10 =	sld [smem:$0x3FB3];
	_ =	sdelay $0x3  }
0x33: {  	p0 =	seq.s32 s10, $0x1;
	s10 =	sld [smem:$0x3FB5];
	_ =	sdelay $0x3  }
0x34: {  	[smem:$0x3FB5] =	sst s10  }
0x35: {  	s10 =	sld [smem:$0x3FB4];
	_ =	sdelay $0x3  }
0x36: {  	p1 =	seq.s32 s10, $0x1;
	s10 =	sld [smem:$0x3FB5];
	_ =	sdelay $0x3  }
0x37: {  	[smem:$0x3FB5] =	sst s10  }
0x38: {  	s10 =	sld [smem:$0x3FB6]  }
0x39: {  	_ = 	snop;
	(pc) =	sbr.ind lr, $3  }
0x3a: {  	_ = 	snop  }
0x3b: {  	_ = 	snop  }
0x3c: {  	p2 =	seq.s32 s10, $0x1;
	s10 =	sld [smem:$0x3FB5]  }
0x3d: {  	_ =	shalt  }
0x3e: {  	_ =	shalt  }
0x3f: {  	_ =	shalt  }
0x40: {  	_ =	shalt  }
0x41: {  	_ =	shalt  }
0x42: {  	_ =	shalt  }
0x43: {  	_ =	shalt  }
0x44: {  	_ =	shalt  }
0x45: {  	_ =	shalt  }
0x46: {  	_ =	shalt  }
0x47: {  	_ =	shalt  }
0x48: {  	_ =	shalt  }
0x49: {  	_ =	shalt  }
0x4a: {  	_ =	shalt  }
0x4b: {  	_ =	shalt  }
0x4c: {  	_ =	shalt  }
0x4d: {  	_ =	shalt  }
0x4e: {  	_ =	shalt  }
0x4f: {  	_ =	shalt  }
0x50: {  	_ =	shalt  }
0x51: {  	_ =	shalt  }
0x52: {  	_ =	shalt  }
0x53: {  	_ =	shalt  }
0x54: {  	_ =	shalt  }
0x55: {  	_ =	shalt  }
0x56: {  	_ =	shalt  }
0x57: {  	_ =	shalt  }
0x58: {  	_ =	shalt  }
0x59: {  	_ =	shalt  }
0x5a: {  	_ =	shalt  }
0x5b: {  	_ =	shalt  }
0x5c: {  	_ =	shalt  }
0x5d: {  	_ =	shalt  }
0x5e: {  	_ =	shalt  }
0x5f: {  	_ =	shalt  }
0x60: {  	_ =	shalt  }
0x61: {  	_ =	shalt  }
0x62: {  	_ =	shalt  }
0x63: {  	_ =	shalt  }
0x64: {  	_ =	shalt  }
0x65: {  	_ =	shalt  }
0x66: {  	_ =	shalt  }
0x67: {  	_ =	shalt  }
0x68: {  	_ =	shalt  }
0x69: {  	_ =	shalt  }
0x6a: {  	_ =	shalt  }
0x6b: {  	_ =	shalt  }
0x6c: {  	_ =	shalt  }
0x6d: {  	_ =	shalt  }
0x6e: {  	_ =	shalt  }
0x6f: {  	_ =	shalt  }
0x70: {  	_ =	shalt  }
0x71: {  	_ =	shalt  }
0x72: {  	_ =	shalt  }
0x73: {  	_ =	shalt  }
0x74: {  	_ =	shalt  }
0x75: {  	_ =	shalt  }
0x76: {  	_ =	shalt  }
0x77: {  	_ =	shalt  }
0x78: {  	_ =	shalt  }
0x79: {  	_ =	shalt  }
0x7a: {  	_ =	shalt  }
0x7b: {  	_ =	shalt  }
0x7c: {  	_ =	shalt  }
0x7d: {  	_ =	shalt  }
0x7e: {  	_ =	shalt  }
0x7f: {  	_ =	shalt  }
0x80: {  	_ =	shalt  }
0x81: {  	_ =	shalt  }
0x82: {  	_ =	shalt  }
0x83: {  	_ =	shalt  }
0x84: {  	_ =	shalt  }
0x85: {  	_ =	shalt  }
0x86: {  	_ =	shalt  }
0x87: {  	_ =	shalt  }
.Lfunc_end0:
.L_simem_size_0:
called_computation_lowered:
.L_overlay_start_0:
0x88: {  	s2 =	sld [smem:$0x3FD9]  }
0x89: {  	s3 =	sld [smem:$0x3FFE];
	_ =	sdelay $0x1  }
0x8a: {  	s1 =	srdreg.scid  }
0x8b: {  	s0 =	sand.u32 $0x1, s1  }
0x8c: {  	s17 =	sshll.u32 s0, $0xA;
	s2 =	sadd.s32 s3, s2  }
0x8d: {  	s2 =	sadd.s32 s2, s17  }
0x8e: {  	[smem:$0x3FC1] =	sst s2  }
0x8f: {  	_ = 	snop  }
0x90: {  	s2 =	sld [smem:$0x3FC9]  }
0x91: {  	s18 =	sld [smem:$0x3FC8]  }
0x92: {  	s4 =	sld [smem:$0x3FC6]  }
0x93: {  	s5 =	sld [smem:$0x3FD0];
	(tm) =	ssettm $0x1  }
0x94: {  	s6 =	sld [smem:$0x3FFB];
	_ =	sdelay $0x3  }
0x95: {  	_ =	strace s6  }
0x96: {  	s6 =	sld [smem:$0x3FFC];
	_ =	sdelay $0x3  }
0x97: {  	_ =	strace s6  }
0x98: {  	s6 =	sld [smem:$0x3FFD];
	_ =	sdelay $0x3  }
0x99: {  	_ =	strace s6  }
0x9a: {  	_ =	strace $0x8FFFFFFF  }
0x9b: {  	s19 =	sld [smem:$0x3FDB];
	_ =	sdelay $0x1  }
0x9c: {  	s7 =	simm.s32 $_scs_section_size  }
0x9d: {  	s8 =	simm.s32 $_size__tile_overlayer_lowered;
	s9 =	simm.s32 $_tile_overlayer_lowered  }
0x9e: {  	s22 =	simm.s32 $0x1BFF;
	s21 =	sshll.u32 s9, $0x1;
	s6 =	sadd.s32 s7, s19  }
0x9f: {  	s10 =	simm.s32 $0x0;
	s20 =	sshll.u32 s8, $0x1;
	s8 =	sadd.s32 s21, s6  }
0xa0: {  	[timem:s10], [sflag:s22] =	dma.local [hbm:s8], s20  }
0xa1: {  	_ =	swait.ge [sflag:s22], s20  }
0xa2: {  	s7 =	ssub.s32 $0x0, s20;
	[sflag:s22] =	ssyncset.done $0x0  }
0xa3: {  	[sflag:s22] =	ssyncadd.s32 s7;
	_ =	sdelay $0x1  }
0xa4: {  	s23 =	simm.s32 $0x1B8B  }
0xa5: {  	_ =	swait.ge [sflag:s23], $0x1  }
0xa6: {  	[sflag:s23] =	ssyncset.done $0x0  }
0xa7: {  	s25 =	simm.s32 $0x1B8E;
	s24 =	sld [smem:$0x3FFE];
	[sflag:s23] =	ssyncadd.s32 $0xFFFFFFFF  }
0xa8: {  	s26 =	simm.s32 $execute0_lowered;
	[smem:$0x3FD2] =	sst s25  }
0xa9: {  	s8 =	sshll.u32 s26, $0x1;
	_ =	strace $0x80000046;
	[dreg:$0x1] =	wrdreg $0xFFFFFFFF  }
0xaa: {  	s28 =	simm.s32 $_size_execute0_lowered;
	s6 =	sadd.s32 s6, s8;
	[dreg:$0x0] =	wrdreg $0x0  }
0xab: {  	s8 =	sshll.u32 s28, $0x1;
	[dreg:$0x2] =	wrdreg s6  }
0xac: {  	[dreg:$0x3] =	wrdreg s8  }
0xad: {  	[dreg:$0x4] =	wrdreg $0xC0  }
0xae: {  	_ =	task [dreg:s10], $0x5FFFF  }
0xaf: {  	[dreg:$0x1] =	wrdreg $0xFFFFFFFF  }
0xb0: {  	[dreg:$0x0] =	wrdreg $0x60  }
0xb1: {  	[dreg:$0x2] =	wrdreg s2  }
0xb2: {  	[dreg:$0x3] =	wrdreg s18  }
0xb3: {  	[dreg:$0x4] =	wrdreg s24  }
0xb4: {  	[dreg:$0x5] =	wrdreg s4  }
0xb5: {  	[dreg:$0x6] =	wrdreg s5  }
0xb6: {  	[dreg:$0x7] =	wrdreg $0x9  }
0xb7: {  	_ =	task.clear_ibuf [dreg:s10], $0x8FFFF;
	_ =	strace $0x90000046  }
0xb8: {  	s29 =	simm.s32 $0x9;
	_ =	strace $0x80000048  }
0xb9: {  	_ =	swait.ge [sflag:s29], $0x1  }
0xba: {  	[sflag:s29] =	ssyncadd.s32 $0xFFFFFFFF  }
0xbb: {  	_ =	strace $0x90000048  }
0xbc: {  	_ =	sfence  }
0xbd: {  	s30 =	sld [smem:$0x0];
	_ =	sdelay $0x2  }
0xbe: {  	s31 =	sshll.u32 s1, $0xD;
	s1 =	sshrl.u32 s1, $0x2  }
0xbf: {  	s3 =	sand.u32 $0x4000, s31;
	s1 =	sadd.s32 s1, s30  }
0xc0: {  	s0 =	sor.u32 s3, s0;
	s1 =	sshll.u32 s1, $0x11  }
0xc1: {  	s0 =	sor.u32 s1, s0  }
0xc2: {  	s0 =	sadd.s32 $0x8F2B, s0  }
0xc3: {  	[sflag:s0] =	ssyncadd.remote.s32 $0x1  }
0xc4: {  	_ =	sfence.sel $0xFFFF  }
0xc5: {  	[dreg:$0x0] =	wrdreg $0xFFFFFFFF;
	(pc) =	sbr.abs _section_cstart, $3  }
0xc6: {  	[dreg:$0x1] =	wrdreg $0xFFFFFFFF  }
0xc7: {  	_ =	task.clear_ibuf [dreg:s10], $0x2FFFF;
	_ =	strace $0x9FFFFFFF  }
0xc8: {  	(tm) =	ssettm $0x7FFFFFFF  }
0xc9: {  	_ =	shalt  }
tec
execute0_lowered:
.L_overlay_start_1:
0x0: {  	(tag) =	ssettag $0x1  }
0x1: {  	s2 =	rddreg [dreg:$0x0]  }
0x2: {  	s0 =	rddreg [dreg:$0x2];
	s4 =	srdreg.scid  }
0x3: {  	s5 =	stileid.u32;
	s7 =	rddreg [dreg:$0x4];
	s6 =	sand.u32 $0x1, s4  }
0x4: {  	s31 =	simm.s32 $0x2;
	s5 =	sshll.u32 s5, $0xA;
	s8 =	sshll.u32 s6, $0x9  }
0x5: {  	s4 =	simm.s32 $0x0;
	s9 =	sadd.s32 $0x77600, s0;
	s5 =	sor.u32 s8, s5  }
0x6: {  	s10 =	sadd.s32 $0xB7600, s0;
	s11 =	sadd.s32 $0xF7600, s0;
	s8 =	sshrl.u32 s5, $0x1  }
0x7: {  	[smem:$0x7FF] =	sst s4;
	s13 =	sshll.u32 s5, $0x4;
	s2 =	sadd.s32 s2, s8  }
0x8: {  	_ =	strace $0x80000047;
	s14 =	sadd.s32 s7, s13;
	[dreg:$0x6] =	wrdreg s2  }
0x9: {  	s16 =	sshrl.u32 s5, $0x3;
	s15 =	sadd.s32 s9, s13;
	[dreg:$0x7] =	wrdreg s14  }
0xa: {  	s5 =	sshll.u32 s5, $0x5;
	s8 =	sadd.s32 s10, s13;
	[dreg:$0x8] =	wrdreg s15  }
0xb: {  	s12 =	sor.u32 $0x10, s16;
	s5 =	sadd.s32 s11, s5;
	[dreg:$0x9] =	wrdreg s8  }
0xc: {  	s22 =	sor.u32 $0x20, s16;
	s17 =	sshll.u32 s12, $0x7;
	[dreg:$0xa] =	wrdreg s5  }
0xd: {  	s24 =	sshll.u32 s22, $0x7;
	s1 =	sshll.u32 s22, $0x8;
	s22 =	simm.s32 $0x400  }
0xe: {  	s28 =	simm.s32 $0x13800;
	s18 =	sadd.s32 s7, s17;
	[dreg:$0x1b] =	wrdreg s22  }
0xf: {  	s29 =	simm.s32 $0x14000;
	s19 =	sadd.s32 s9, s17;
	[dreg:$0xb] =	wrdreg s18  }
0x10: {  	s21 =	sshll.u32 s12, $0x8;
	s20 =	sadd.s32 s10, s17;
	[dreg:$0xc] =	wrdreg s19  }
0x11: {  	s13 =	ssub.s32 $0x2, s6;
	s23 =	sadd.s32 s11, s21;
	[dreg:$0xd] =	wrdreg s20  }
0x12: {  	s6 =	sadd.s32 $0x29400, s0;
	s25 =	sadd.s32 s7, s24;
	[dreg:$0xe] =	wrdreg s23  }
0x13: {  	s2 =	sor.u32 $0x30, s16;
	s26 =	sadd.s32 s9, s24;
	[dreg:$0xf] =	wrdreg s25  }
0x14: {  	s5 =	sadd.s32 $0x2200, s0;
	s30 =	sadd.s32 s10, s24;
	[dreg:$0x10] =	wrdreg s26  }
0x15: {  	s16 =	sshrl.u32 s13, $0x1;
	s8 =	sadd.s32 s11, s1;
	[dreg:$0x11] =	wrdreg s30  }
0x16: {  	s12 =	simm.s32 $0x1;
	s21 =	simm.s32 $0x300;
	[dreg:$0x12] =	wrdreg s8  }
0x17: {  	s3 =	sshll.u32 s2, $0x7;
	s24 =	simm.s32 $0x500;
	[dreg:$0x1a] =	wrdreg s21  }
0x18: {  	s2 =	sshll.u32 s2, $0x8;
	s7 =	sadd.s32 s7, s3;
	[dreg:$0x1d] =	wrdreg s24  }
0x19: {  	s17 =	ssub.s32 s13, s16;
	s14 =	sadd.s32 s9, s3;
	[dreg:$0x13] =	wrdreg s7  }
0x1a: {  	s13 =	simm.s32 $0x8800;
	s15 =	sadd.s32 s10, s3;
	[dreg:$0x14] =	wrdreg s14  }
0x1b: {  	s16 =	simm.s32 $0xE000;
	s2 =	sadd.s32 s11, s2;
	[dreg:$0x15] =	wrdreg s15  }
0x1c: {  	s22 =	simm.s32 $0x11000;
	s18 =	simm.s32 $0x100;
	[dreg:$0x16] =	wrdreg s2  }
0x1d: {  	s1 =	simm.s32 $0x14800;
	s19 =	simm.s32 $0x200;
	[dreg:$0x17] =	wrdreg s18  }
0x1e: {  	s9 =	simm.s32 $0x80;
	s20 =	simm.s32 $0x280;
	[dreg:$0x18] =	wrdreg s19  }
0x1f: {  	s10 =	simm.s32 $0x800;
	s23 =	simm.s32 $0x480;
	[dreg:$0x19] =	wrdreg s20  }
0x20: {  	s11 =	simm.s32 $0x4800;
	s25 =	simm.s32 $0x600;
	[dreg:$0x1c] =	wrdreg s23  }
0x21: {  	s26 =	simm.s32 $0x680;
	s30 =	simm.s32 $0x700;
	[dreg:$0x1e] =	wrdreg s25  }
0x22: {  	s21 =	simm.s32 $0x10800;
	s24 =	simm.s32 $0x12000;
	[dreg:$0x1f] =	wrdreg s26  }
0x23: {  	s8 =	simm.s32 $0x15000;
	s7 =	smax.u32 s17, $0x1;
	[smem:$0x7FD] =	sst s30  }
0x24: {  	v2 =	vlaneseq.u32;
	s2 =	simm.s32 $0xC800;
	s15 =	simm.s32 $0xD800;
	s17 =	simm.s32 $0xE800  }
0x25: {  	vm0 =	vmmov $0xffff;
	v1 =	vshrl.u32 v2, $0x3;
	s18 =	simm.s32 $0xF000;
	s19 =	simm.s32 $0xF800;
	s20 =	simm.s32 $0x10000  }
0x26: {  	v0 =	vand.u32 $0x7, v2;
	v2 =	vor.u32 $0x8, v2;
	v1 =	vmul.u32 $0x8, v1;
	s23 =	simm.s32 $0x11800;
	s25 =	simm.s32 $0x12800;
	s26 =	simm.s32 $0x13000  }
.LBB2_1:
0x27: {  	s30 =	rddreg [dreg:$0x6];
	s0 =	simm.s32 $0x3  }
0x28: {  	[tilespmem:s4], [sflag:$0x3] =	stream.linear.gather [hbm4b:s30+s4], $0x800, $0x38;
	[tilespmem:$0x1C800] =	vst v63  }
0x29: {  	_ =	swait.ge [sflag:s0], $0x800  }
0x2a: {  	[sflag:s0] =	ssyncset.done $0x0  }
0x2b: {  	[sflag:s0] =	ssyncadd.s32 $0xFFFFF800  }
0x2c: {  	s3 =	rddreg [dreg:$0x1]  }
0x2d: {  	[tilespmem:s10], [sflag:$0x1] =	stream.indirect.gather [hbm4b:s3+s9], $0x80, s4, s9, $0xb8;
	[tilespmem:$0x1C800] =	vst v63  }
0x2e: {  	_ = 	snop  }
0x2f: {  	[tilespmem:s11], [sflag:$0x1] =	stream.indirect.gather [hbm4b:s5+s9], $0x80, s9, s9, $0xb8;
	[tilespmem:$0x1C800] =	vst v63  }
0x30: {  	_ =	swait.ge [sflag:s12], $0x4000  }
0x31: {  	s14 =	rddreg [dreg:$0x7];
	[sflag:s12] =	ssyncset.done $0x0  }
0x32: {  	s0 =	rddreg [dreg:$0x17];
	[sflag:s12] =	ssyncadd.s32 $0xFFFFC000  }
0x33: {  	[hbm4b:s14+s4] =	stream.linear.scatter [tilespmem:s10], [sflag:$0x2], $0x4000, $0x38;
	[tilespmem:$0x1C800] =	vst v63  }
0x34: {  	s14 =	rddreg [dreg:$0x3]  }
0x35: {  	[tilespmem:s13], [sflag:$0x1] =	stream.indirect.gather [hbm4b:s14+s9], $0x80, s0, s9, $0xb8;
	[tilespmem:$0x1C800] =	vst v63  }
0x36: {  	_ =	swait.ge [sflag:s12], $0x4000  }
0x37: {  	[sflag:s12] =	ssyncset.done $0x0  }
0x38: {  	s30 =	rddreg [dreg:$0x8];
	[sflag:s12] =	ssyncadd.s32 $0xFFFFC000  }
0x39: {  	[hbm4b:s30+s4] =	stream.linear.scatter [tilespmem:s11], [sflag:$0x2], $0x4000, $0x38;
	[tilespmem:$0x1C800] =	vst v63  }
0x3a: {  	v3 =	vld [tilespmem:$0x180];
	_ =	sdelay $0x4  }
0x3b: {  	v4 =	vshll.u32 v3, $0x1  }
0x3c: {  	v3 =	vand.u32 $0x7, v3;
	v4 =	vand.u32 $0xFFFFFFF0, v4  }
0x3d: {  	v3 =	vor.u32 v3, v4  }
0x3e: {  	v4 =	vperm.xlane v3, v0;
	_ =	sdelay $0x1  }
0x3f: {  	v3 =	vperm.xlane v3, v2;
	v4 =	vadd.s32 v1, v4;
	_ =	sdelay $0x1  }
0x40: {  	v3 =	vadd.s32 v1, v3;
	_ =	sdelay $0x2  }
0x41: {  	[tilespmem:s2], [sflag:$0x1] =	stream.indirect_vreg.gather [hbm4b:s6+s4], $0x80, v4, vm0, $0xb8;
	[tilespmem:$0x1C800] =	vst v63  }
0x42: {  	s30 =	simm.s32 $0xD000  }
0x43: {  	[tilespmem:s30], [sflag:$0x1] =	stream.indirect_vreg.gather [hbm4b:s6+s4], $0x80, v3, vm0, $0xb8;
	[tilespmem:$0x1C800] =	vst v63  }
0x44: {  	v3 =	vld [tilespmem:$0x190];
	_ =	sdelay $0x4  }
0x45: {  	v33 =	vshll.u32 v3, $0x1  }
0x46: {  	v3 =	vand.u32 $0x7, v3;
	v4 =	vand.u32 $0xFFFFFFF0, v33  }
0x47: {  	v3 =	vor.u32 v3, v4  }
0x48: {  	v4 =	vperm.xlane v3, v0;
	_ =	sdelay $0x1  }
0x49: {  	v3 =	vperm.xlane v3, v2;
	v4 =	vadd.s32 v1, v4;
	_ =	sdelay $0x1  }
0x4a: {  	v3 =	vadd.s32 v1, v3;
	_ =	sdelay $0x2  }
0x4b: {  	[tilespmem:s15], [sflag:$0x1] =	stream.indirect_vreg.gather [hbm4b:s6+s4], $0x80, v4, vm0, $0xb8;
	[tilespmem:$0x1C800] =	vst v63  }
0x4c: {  	_ = 	snop  }
0x4d: {  	[tilespmem:s16], [sflag:$0x1] =	stream.indirect_vreg.gather [hbm4b:s6+s4], $0x80, v3, vm0, $0xb8;
	[tilespmem:$0x1C800] =	vst v63  }
0x4e: {  	v3 =	vld [tilespmem:$0x1A0];
	_ =	sdelay $0x4  }
0x4f: {  	v34 =	vshll.u32 v3, $0x1  }
0x50: {  	v3 =	vand.u32 $0x7, v3;
	v4 =	vand.u32 $0xFFFFFFF0, v34  }
0x51: {  	v3 =	vor.u32 v3, v4  }
0x52: {  	v4 =	vperm.xlane v3, v0;
	_ =	sdelay $0x1  }
0x53: {  	v3 =	vperm.xlane v3, v2;
	v4 =	vadd.s32 v1, v4;
	_ =	sdelay $0x1  }
0x54: {  	v3 =	vadd.s32 v1, v3;
	_ =	sdelay $0x2  }
0x55: {  	[tilespmem:s17], [sflag:$0x1] =	stream.indirect_vreg.gather [hbm4b:s6+s4], $0x80, v4, vm0, $0xb8;
	[tilespmem:$0x1C800] =	vst v63  }
0x56: {  	_ = 	snop  }
0x57: {  	[tilespmem:s18], [sflag:$0x1] =	stream.indirect_vreg.gather [hbm4b:s6+s4], $0x80, v3, vm0, $0xb8;
	[tilespmem:$0x1C800] =	vst v63  }
0x58: {  	v3 =	vld [tilespmem:$0x1B0];
	_ =	sdelay $0x4  }
0x59: {  	v35 =	vshll.u32 v3, $0x1  }
0x5a: {  	v3 =	vand.u32 $0x7, v3;
	v4 =	vand.u32 $0xFFFFFFF0, v35  }
0x5b: {  	v3 =	vor.u32 v3, v4  }
0x5c: {  	v4 =	vperm.xlane v3, v0;
	_ =	sdelay $0x1  }
0x5d: {  	v3 =	vperm.xlane v3, v2;
	v4 =	vadd.s32 v1, v4;
	_ =	sdelay $0x1  }
0x5e: {  	v3 =	vadd.s32 v1, v3;
	_ =	sdelay $0x2  }
0x5f: {  	[tilespmem:s19], [sflag:$0x1] =	stream.indirect_vreg.gather [hbm4b:s6+s4], $0x80, v4, vm0, $0xb8;
	[tilespmem:$0x1C800] =	vst v63  }
0x60: {  	_ = 	snop  }
0x61: {  	[tilespmem:s20], [sflag:$0x1] =	stream.indirect_vreg.gather [hbm4b:s6+s4], $0x80, v3, vm0, $0xb8;
	[tilespmem:$0x1C800] =	vst v63  }
0x62: {  	v3 =	vld [tilespmem:$0x1C0];
	_ =	sdelay $0x4  }
0x63: {  	v36 =	vshll.u32 v3, $0x1  }
0x64: {  	v3 =	vand.u32 $0x7, v3;
	v4 =	vand.u32 $0xFFFFFFF0, v36  }
0x65: {  	v3 =	vor.u32 v3, v4  }
0x66: {  	v4 =	vperm.xlane v3, v0;
	_ =	sdelay $0x1  }
0x67: {  	v3 =	vperm.xlane v3, v2;
	v4 =	vadd.s32 v1, v4;
	_ =	sdelay $0x1  }
0x68: {  	v3 =	vadd.s32 v1, v3;
	_ =	sdelay $0x2  }
0x69: {  	[tilespmem:s21], [sflag:$0x1] =	stream.indirect_vreg.gather [hbm4b:s6+s4], $0x80, v4, vm0, $0xb8;
	[tilespmem:$0x1C800] =	vst v63  }
0x6a: {  	_ = 	snop  }
0x6b: {  	[tilespmem:s22], [sflag:$0x1] =	stream.indirect_vreg.gather [hbm4b:s6+s4], $0x80, v3, vm0, $0xb8;
	[tilespmem:$0x1C800] =	vst v63  }
0x6c: {  	v3 =	vld [tilespmem:$0x1D0];
	_ =	sdelay $0x4  }
0x6d: {  	v37 =	vshll.u32 v3, $0x1  }
0x6e: {  	v3 =	vand.u32 $0x7, v3;
	v4 =	vand.u32 $0xFFFFFFF0, v37  }
0x6f: {  	v3 =	vor.u32 v3, v4  }
0x70: {  	v4 =	vperm.xlane v3, v0;
	_ =	sdelay $0x1  }
0x71: {  	v3 =	vperm.xlane v3, v2;
	v4 =	vadd.s32 v1, v4;
	_ =	sdelay $0x1  }
0x72: {  	v3 =	vadd.s32 v1, v3;
	_ =	sdelay $0x2  }
0x73: {  	[tilespmem:s23], [sflag:$0x1] =	stream.indirect_vreg.gather [hbm4b:s6+s4], $0x80, v4, vm0, $0xb8;
	[tilespmem:$0x1C800] =	vst v63  }
0x74: {  	_ = 	snop  }
0x75: {  	[tilespmem:s24], [sflag:$0x1] =	stream.indirect_vreg.gather [hbm4b:s6+s4], $0x80, v3, vm0, $0xb8;
	[tilespmem:$0x1C800] =	vst v63  }
0x76: {  	v3 =	vld [tilespmem:$0x1E0];
	_ =	sdelay $0x4  }
0x77: {  	v38 =	vshll.u32 v3, $0x1  }
0x78: {  	v3 =	vand.u32 $0x7, v3;
	v4 =	vand.u32 $0xFFFFFFF0, v38  }
0x79: {  	v3 =	vor.u32 v3, v4  }
0x7a: {  	v4 =	vperm.xlane v3, v0;
	_ =	sdelay $0x1  }
0x7b: {  	v3 =	vperm.xlane v3, v2;
	v4 =	vadd.s32 v1, v4;
	_ =	sdelay $0x1  }
0x7c: {  	v3 =	vadd.s32 v1, v3;
	_ =	sdelay $0x2  }
0x7d: {  	[tilespmem:s25], [sflag:$0x1] =	stream.indirect_vreg.gather [hbm4b:s6+s4], $0x80, v4, vm0, $0xb8;
	[tilespmem:$0x1C800] =	vst v63  }
0x7e: {  	_ = 	snop  }
0x7f: {  	[tilespmem:s26], [sflag:$0x1] =	stream.indirect_vreg.gather [hbm4b:s6+s4], $0x80, v3, vm0, $0xb8;
	[tilespmem:$0x1C800] =	vst v63  }
0x80: {  	v3 =	vld [tilespmem:$0x1F0];
	_ =	sdelay $0x4  }
0x81: {  	v39 =	vshll.u32 v3, $0x1  }
0x82: {  	v3 =	vand.u32 $0x7, v3;
	v4 =	vand.u32 $0xFFFFFFF0, v39  }
0x83: {  	v3 =	vor.u32 v3, v4  }
0x84: {  	v4 =	vperm.xlane v3, v0;
	_ =	sdelay $0x1  }
0x85: {  	v3 =	vperm.xlane v3, v2;
	v4 =	vadd.s32 v1, v4;
	_ =	sdelay $0x1  }
0x86: {  	v3 =	vadd.s32 v1, v3;
	_ =	sdelay $0x2  }
0x87: {  	[tilespmem:s28], [sflag:$0x1] =	stream.indirect_vreg.gather [hbm4b:s6+s4], $0x80, v4, vm0, $0xb8;
	[tilespmem:$0x1C800] =	vst v63  }
0x88: {  	_ = 	snop  }
0x89: {  	[tilespmem:s29], [sflag:$0x1] =	stream.indirect_vreg.gather [hbm4b:s6+s4], $0x80, v3, vm0, $0xb8;
	[tilespmem:$0x1C800] =	vst v63  }
0x8a: {  	_ =	swait.ge [sflag:s12], $0x4000  }
0x8b: {  	[sflag:s12] =	ssyncset.done $0x0  }
0x8c: {  	s0 =	rddreg [dreg:$0x9];
	[sflag:s12] =	ssyncadd.s32 $0xFFFFC000  }
0x8d: {  	[hbm4b:s0+s4] =	stream.linear.scatter [tilespmem:s13], [sflag:$0x2], $0x4000, $0x38;
	[tilespmem:$0x1C800] =	vst v63  }
0x8e: {  	_ =	swait.ge [sflag:s31], $0x4000  }
0x8f: {  	[sflag:s31] =	ssyncset.done $0x0  }
0x90: {  	s0 =	rddreg [dreg:$0x18];
	[sflag:s31] =	ssyncadd.s32 $0xFFFFC000  }
0x91: {  	[tilespmem:s10], [sflag:$0x1] =	stream.indirect.gather [hbm4b:s3+s9], $0x80, s0, s9, $0xb8;
	[tilespmem:$0x1C800] =	vst v63  }
0x92: {  	_ =	swait.ge [sflag:s12], $0x8000  }
0x93: {  	[sflag:s12] =	ssyncset.done $0x0  }
0x94: {  	s0 =	rddreg [dreg:$0xa];
	[sflag:s12] =	ssyncadd.s32 $0xFFFF8000  }
0x95: {  	[hbm4b:s0+s4] =	stream.linear.scatter [tilespmem:s2], [sflag:$0x2], $0x8000, $0x38;
	[tilespmem:$0x1C800] =	vst v63  }
0x96: {  	_ =	swait.ge [sflag:s31], $0x4000  }
0x97: {  	[sflag:s31] =	ssyncset.done $0x0  }
0x98: {  	s0 =	rddreg [dreg:$0x19];
	[sflag:s31] =	ssyncadd.s32 $0xFFFFC000  }
0x99: {  	[tilespmem:s11], [sflag:$0x1] =	stream.indirect.gather [hbm4b:s5+s9], $0x80, s0, s9, $0xb8;
	[tilespmem:$0x1C800] =	vst v63  }
0x9a: {  	_ =	swait.ge [sflag:s12], $0x4000  }
0x9b: {  	[sflag:s12] =	ssyncset.done $0x0  }
0x9c: {  	s0 =	rddreg [dreg:$0xb];
	[sflag:s12] =	ssyncadd.s32 $0xFFFFC000  }
0x9d: {  	[hbm4b:s0+s4] =	stream.linear.scatter [tilespmem:s10], [sflag:$0x2], $0x4000, $0x38;
	[tilespmem:$0x1C800] =	vst v63  }
0x9e: {  	_ =	swait.ge [sflag:s31], $0x4000  }
0x9f: {  	[sflag:s31] =	ssyncset.done $0x0  }
0xa0: {  	s0 =	rddreg [dreg:$0x1a];
	[sflag:s31] =	ssyncadd.s32 $0xFFFFC000  }
0xa1: {  	[tilespmem:s13], [sflag:$0x1] =	stream.indirect.gather [hbm4b:s14+s9], $0x80, s0, s9, $0xb8;
	[tilespmem:$0x1C800] =	vst v63  }
0xa2: {  	_ =	swait.ge [sflag:s12], $0x4000  }
0xa3: {  	[sflag:s12] =	ssyncset.done $0x0  }
0xa4: {  	s0 =	rddreg [dreg:$0xc];
	[sflag:s12] =	ssyncadd.s32 $0xFFFFC000  }
0xa5: {  	[hbm4b:s0+s4] =	stream.linear.scatter [tilespmem:s11], [sflag:$0x2], $0x4000, $0x38;
	[tilespmem:$0x1C800] =	vst v63  }
0xa6: {  	v3 =	vld [tilespmem:$0x380];
	_ =	sdelay $0x4  }
0xa7: {  	v40 =	vshll.u32 v3, $0x1  }
0xa8: {  	v3 =	vand.u32 $0x7, v3;
	v4 =	vand.u32 $0xFFFFFFF0, v40  }
0xa9: {  	v3 =	vor.u32 v3, v4  }
0xaa: {  	v4 =	vperm.xlane v3, v0;
	_ =	sdelay $0x1  }
0xab: {  	v3 =	vperm.xlane v3, v2;
	v4 =	vadd.s32 v1, v4;
	_ =	sdelay $0x1  }
0xac: {  	v3 =	vadd.s32 v1, v3;
	_ =	sdelay $0x2  }
0xad: {  	[tilespmem:s1], [sflag:$0x1] =	stream.indirect_vreg.gather [hbm4b:s6+s4], $0x80, v4, vm0, $0xb8;
	[tilespmem:$0x1C800] =	vst v63  }
0xae: {  	_ = 	snop  }
0xaf: {  	[tilespmem:s8], [sflag:$0x1] =	stream.indirect_vreg.gather [hbm4b:s6+s4], $0x80, v3, vm0, $0xb8;
	[tilespmem:$0x1C800] =	vst v63  }
0xb0: {  	v3 =	vld [tilespmem:$0x390];
	_ =	sdelay $0x4  }
0xb1: {  	v41 =	vshll.u32 v3, $0x1  }
0xb2: {  	v3 =	vand.u32 $0x7, v3;
	v4 =	vand.u32 $0xFFFFFFF0, v41  }
0xb3: {  	v3 =	vor.u32 v3, v4  }
0xb4: {  	v4 =	vperm.xlane v3, v0;
	_ =	sdelay $0x1  }
0xb5: {  	v3 =	vperm.xlane v3, v2;
	v4 =	vadd.s32 v1, v4;
	_ =	sdelay $0x1  }
0xb6: {  	v3 =	vadd.s32 v1, v3;
	_ =	sdelay $0x1  }
0xb7: {  	s0 =	simm.s32 $0x15800  }
0xb8: {  	[tilespmem:s0], [sflag:$0x1] =	stream.indirect_vreg.gather [hbm4b:s6+s4], $0x80, v4, vm0, $0xb8;
	[tilespmem:$0x1C800] =	vst v63  }
0xb9: {  	s0 =	simm.s32 $0x16000  }
0xba: {  	[tilespmem:s0], [sflag:$0x1] =	stream.indirect_vreg.gather [hbm4b:s6+s4], $0x80, v3, vm0, $0xb8;
	[tilespmem:$0x1C800] =	vst v63  }
0xbb: {  	v3 =	vld [tilespmem:$0x3A0];
	_ =	sdelay $0x4  }
0xbc: {  	v42 =	vshll.u32 v3, $0x1  }
0xbd: {  	v3 =	vand.u32 $0x7, v3;
	v4 =	vand.u32 $0xFFFFFFF0, v42  }
0xbe: {  	v3 =	vor.u32 v3, v4  }
0xbf: {  	v4 =	vperm.xlane v3, v0;
	_ =	sdelay $0x1  }
0xc0: {  	v3 =	vperm.xlane v3, v2;
	v4 =	vadd.s32 v1, v4;
	_ =	sdelay $0x1  }
0xc1: {  	v3 =	vadd.s32 v1, v3;
	_ =	sdelay $0x1  }
0xc2: {  	s0 =	simm.s32 $0x16800  }
0xc3: {  	[tilespmem:s0], [sflag:$0x1] =	stream.indirect_vreg.gather [hbm4b:s6+s4], $0x80, v4, vm0, $0xb8;
	[tilespmem:$0x1C800] =	vst v63  }
0xc4: {  	s0 =	simm.s32 $0x17000  }
0xc5: {  	[tilespmem:s0], [sflag:$0x1] =	stream.indirect_vreg.gather [hbm4b:s6+s4], $0x80, v3, vm0, $0xb8;
	[tilespmem:$0x1C800] =	vst v63  }
0xc6: {  	v3 =	vld [tilespmem:$0x3B0];
	_ =	sdelay $0x4  }
0xc7: {  	v43 =	vshll.u32 v3, $0x1  }
0xc8: {  	v3 =	vand.u32 $0x7, v3;
	v4 =	vand.u32 $0xFFFFFFF0, v43  }
0xc9: {  	v3 =	vor.u32 v3, v4  }
0xca: {  	v4 =	vperm.xlane v3, v0;
	_ =	sdelay $0x1  }
0xcb: {  	v3 =	vperm.xlane v3, v2;
	v4 =	vadd.s32 v1, v4;
	_ =	sdelay $0x1  }
0xcc: {  	v3 =	vadd.s32 v1, v3;
	_ =	sdelay $0x1  }
0xcd: {  	s0 =	simm.s32 $0x17800  }
0xce: {  	[tilespmem:s0], [sflag:$0x1] =	stream.indirect_vreg.gather [hbm4b:s6+s4], $0x80, v4, vm0, $0xb8;
	[tilespmem:$0x1C800] =	vst v63  }
0xcf: {  	s0 =	simm.s32 $0x18000  }
0xd0: {  	[tilespmem:s0], [sflag:$0x1] =	stream.indirect_vreg.gather [hbm4b:s6+s4], $0x80, v3, vm0, $0xb8;
	[tilespmem:$0x1C800] =	vst v63  }
0xd1: {  	v3 =	vld [tilespmem:$0x3C0];
	_ =	sdelay $0x4  }
0xd2: {  	v44 =	vshll.u32 v3, $0x1  }
0xd3: {  	v3 =	vand.u32 $0x7, v3;
	v4 =	vand.u32 $0xFFFFFFF0, v44  }
0xd4: {  	v3 =	vor.u32 v3, v4  }
0xd5: {  	v4 =	vperm.xlane v3, v0;
	_ =	sdelay $0x1  }
0xd6: {  	v3 =	vperm.xlane v3, v2;
	v4 =	vadd.s32 v1, v4;
	_ =	sdelay $0x1  }
0xd7: {  	v3 =	vadd.s32 v1, v3;
	_ =	sdelay $0x1  }
0xd8: {  	s0 =	simm.s32 $0x18800  }
0xd9: {  	[tilespmem:s0], [sflag:$0x1] =	stream.indirect_vreg.gather [hbm4b:s6+s4], $0x80, v4, vm0, $0xb8;
	[tilespmem:$0x1C800] =	vst v63  }
0xda: {  	s0 =	simm.s32 $0x19000  }
0xdb: {  	[tilespmem:s0], [sflag:$0x1] =	stream.indirect_vreg.gather [hbm4b:s6+s4], $0x80, v3, vm0, $0xb8;
	[tilespmem:$0x1C800] =	vst v63  }
0xdc: {  	v3 =	vld [tilespmem:$0x3D0];
	_ =	sdelay $0x4  }
0xdd: {  	v45 =	vshll.u32 v3, $0x1  }
0xde: {  	v3 =	vand.u32 $0x7, v3;
	v4 =	vand.u32 $0xFFFFFFF0, v45  }
0xdf: {  	v3 =	vor.u32 v3, v4  }
0xe0: {  	v4 =	vperm.xlane v3, v0;
	_ =	sdelay $0x1  }
0xe1: {  	v3 =	vperm.xlane v3, v2;
	v4 =	vadd.s32 v1, v4;
	_ =	sdelay $0x1  }
0xe2: {  	v3 =	vadd.s32 v1, v3;
	_ =	sdelay $0x1  }
0xe3: {  	s0 =	simm.s32 $0x19800  }
0xe4: {  	[tilespmem:s0], [sflag:$0x1] =	stream.indirect_vreg.gather [hbm4b:s6+s4], $0x80, v4, vm0, $0xb8;
	[tilespmem:$0x1C800] =	vst v63  }
0xe5: {  	s0 =	simm.s32 $0x1A000  }
0xe6: {  	[tilespmem:s0], [sflag:$0x1] =	stream.indirect_vreg.gather [hbm4b:s6+s4], $0x80, v3, vm0, $0xb8;
	[tilespmem:$0x1C800] =	vst v63  }
0xe7: {  	v3 =	vld [tilespmem:$0x3E0];
	_ =	sdelay $0x4  }
0xe8: {  	v46 =	vshll.u32 v3, $0x1  }
0xe9: {  	v3 =	vand.u32 $0x7, v3;
	v4 =	vand.u32 $0xFFFFFFF0, v46  }
0xea: {  	v3 =	vor.u32 v3, v4  }
0xeb: {  	v4 =	vperm.xlane v3, v0;
	_ =	sdelay $0x1  }
0xec: {  	v3 =	vperm.xlane v3, v2;
	v4 =	vadd.s32 v1, v4;
	_ =	sdelay $0x1  }
0xed: {  	v3 =	vadd.s32 v1, v3;
	_ =	sdelay $0x1  }
0xee: {  	s0 =	simm.s32 $0x1A800  }
0xef: {  	[tilespmem:s0], [sflag:$0x1] =	stream.indirect_vreg.gather [hbm4b:s6+s4], $0x80, v4, vm0, $0xb8;
	[tilespmem:$0x1C800] =	vst v63  }
0xf0: {  	s0 =	simm.s32 $0x1B000  }
0xf1: {  	[tilespmem:s0], [sflag:$0x1] =	stream.indirect_vreg.gather [hbm4b:s6+s4], $0x80, v3, vm0, $0xb8;
	[tilespmem:$0x1C800] =	vst v63  }
0xf2: {  	v3 =	vld [tilespmem:$0x3F0];
	_ =	sdelay $0x4  }
0xf3: {  	v47 =	vshll.u32 v3, $0x1  }
0xf4: {  	v3 =	vand.u32 $0x7, v3;
	v4 =	vand.u32 $0xFFFFFFF0, v47  }
0xf5: {  	v3 =	vor.u32 v3, v4  }
0xf6: {  	v4 =	vperm.xlane v3, v0;
	_ =	sdelay $0x1  }
0xf7: {  	v3 =	vperm.xlane v3, v2;
	v4 =	vadd.s32 v1, v4;
	_ =	sdelay $0x1  }
0xf8: {  	v3 =	vadd.s32 v1, v3;
	_ =	sdelay $0x1  }
0xf9: {  	s0 =	simm.s32 $0x1B800  }
0xfa: {  	[tilespmem:s0], [sflag:$0x1] =	stream.indirect_vreg.gather [hbm4b:s6+s4], $0x80, v4, vm0, $0xb8;
	[tilespmem:$0x1C800] =	vst v63  }
0xfb: {  	s0 =	simm.s32 $0x1C000  }
0xfc: {  	[tilespmem:s0], [sflag:$0x1] =	stream.indirect_vreg.gather [hbm4b:s6+s4], $0x80, v3, vm0, $0xb8;
	[tilespmem:$0x1C800] =	vst v63  }
0xfd: {  	_ =	swait.ge [sflag:s12], $0x4000  }
0xfe: {  	[sflag:s12] =	ssyncset.done $0x0  }
0xff: {  	s0 =	rddreg [dreg:$0xd];
	[sflag:s12] =	ssyncadd.s32 $0xFFFFC000  }
0x100: {  	[hbm4b:s0+s4] =	stream.linear.scatter [tilespmem:s13], [sflag:$0x2], $0x4000, $0x38;
	[tilespmem:$0x1C800] =	vst v63  }
0x101: {  	_ =	swait.ge [sflag:s31], $0x8000  }
0x102: {  	[sflag:s31] =	ssyncset.done $0x0  }
0x103: {  	[sflag:s31] =	ssyncadd.s32 $0xFFFF8000  }
0x104: {  	_ =	swait.ge [sflag:s31], $0x4000  }
0x105: {  	[sflag:s31] =	ssyncset.done $0x0  }
0x106: {  	s0 =	rddreg [dreg:$0x1b];
	[sflag:s31] =	ssyncadd.s32 $0xFFFFC000  }
0x107: {  	[tilespmem:s10], [sflag:$0x1] =	stream.indirect.gather [hbm4b:s3+s9], $0x80, s0, s9, $0xb8;
	[tilespmem:$0x1C800] =	vst v63  }
0x108: {  	_ =	swait.ge [sflag:s12], $0x8000  }
0x109: {  	[sflag:s12] =	ssyncset.done $0x0  }
0x10a: {  	s0 =	rddreg [dreg:$0xe];
	[sflag:s12] =	ssyncadd.s32 $0xFFFF8000  }
0x10b: {  	[hbm4b:s0+s4] =	stream.linear.scatter [tilespmem:s1], [sflag:$0x2], $0x8000, $0x38;
	[tilespmem:$0x1C800] =	vst v63  }
0x10c: {  	_ =	swait.ge [sflag:s31], $0x4000  }
0x10d: {  	[sflag:s31] =	ssyncset.done $0x0  }
0x10e: {  	s0 =	rddreg [dreg:$0x1c];
	[sflag:s31] =	ssyncadd.s32 $0xFFFFC000  }
0x10f: {  	[tilespmem:s11], [sflag:$0x1] =	stream.indirect.gather [hbm4b:s5+s9], $0x80, s0, s9, $0xb8;
	[tilespmem:$0x1C800] =	vst v63  }
0x110: {  	_ =	swait.ge [sflag:s12], $0x4000  }
0x111: {  	[sflag:s12] =	ssyncset.done $0x0  }
0x112: {  	s0 =	rddreg [dreg:$0xf];
	[sflag:s12] =	ssyncadd.s32 $0xFFFFC000  }
0x113: {  	[hbm4b:s0+s4] =	stream.linear.scatter [tilespmem:s10], [sflag:$0x2], $0x4000, $0x38;
	[tilespmem:$0x1C800] =	vst v63  }
0x114: {  	_ =	swait.ge [sflag:s31], $0x4000  }
0x115: {  	[sflag:s31] =	ssyncset.done $0x0  }
0x116: {  	s0 =	rddreg [dreg:$0x1d];
	[sflag:s31] =	ssyncadd.s32 $0xFFFFC000  }
0x117: {  	[tilespmem:s13], [sflag:$0x1] =	stream.indirect.gather [hbm4b:s14+s9], $0x80, s0, s9, $0xb8;
	[tilespmem:$0x1C800] =	vst v63  }
0x118: {  	_ =	swait.ge [sflag:s12], $0x4000  }
0x119: {  	[sflag:s12] =	ssyncset.done $0x0  }
0x11a: {  	s0 =	rddreg [dreg:$0x10];
	[sflag:s12] =	ssyncadd.s32 $0xFFFFC000  }
0x11b: {  	[hbm4b:s0+s4] =	stream.linear.scatter [tilespmem:s11], [sflag:$0x2], $0x4000, $0x38;
	[tilespmem:$0x1C800] =	vst v63  }
0x11c: {  	v3 =	vld [tilespmem:$0x580];
	_ =	sdelay $0x4  }
0x11d: {  	v48 =	vshll.u32 v3, $0x1  }
0x11e: {  	v3 =	vand.u32 $0x7, v3;
	v4 =	vand.u32 $0xFFFFFFF0, v48  }
0x11f: {  	v3 =	vor.u32 v3, v4  }
0x120: {  	v4 =	vperm.xlane v3, v0;
	_ =	sdelay $0x1  }
0x121: {  	v3 =	vperm.xlane v3, v2;
	v4 =	vadd.s32 v1, v4;
	_ =	sdelay $0x1  }
0x122: {  	v3 =	vadd.s32 v1, v3;
	_ =	sdelay $0x2  }
0x123: {  	[tilespmem:s2], [sflag:$0x1] =	stream.indirect_vreg.gather [hbm4b:s6+s4], $0x80, v4, vm0, $0xb8;
	[tilespmem:$0x1C800] =	vst v63  }
0x124: {  	_ = 	snop  }
0x125: {  	[tilespmem:s30], [sflag:$0x1] =	stream.indirect_vreg.gather [hbm4b:s6+s4], $0x80, v3, vm0, $0xb8;
	[tilespmem:$0x1C800] =	vst v63  }
0x126: {  	v3 =	vld [tilespmem:$0x590];
	_ =	sdelay $0x4  }
0x127: {  	v49 =	vshll.u32 v3, $0x1  }
0x128: {  	v3 =	vand.u32 $0x7, v3;
	v4 =	vand.u32 $0xFFFFFFF0, v49  }
0x129: {  	v3 =	vor.u32 v3, v4  }
0x12a: {  	v4 =	vperm.xlane v3, v0;
	_ =	sdelay $0x1  }
0x12b: {  	v3 =	vperm.xlane v3, v2;
	v4 =	vadd.s32 v1, v4;
	_ =	sdelay $0x1  }
0x12c: {  	v3 =	vadd.s32 v1, v3;
	_ =	sdelay $0x2  }
0x12d: {  	[tilespmem:s15], [sflag:$0x1] =	stream.indirect_vreg.gather [hbm4b:s6+s4], $0x80, v4, vm0, $0xb8;
	[tilespmem:$0x1C800] =	vst v63  }
0x12e: {  	_ = 	snop  }
0x12f: {  	[tilespmem:s16], [sflag:$0x1] =	stream.indirect_vreg.gather [hbm4b:s6+s4], $0x80, v3, vm0, $0xb8;
	[tilespmem:$0x1C800] =	vst v63  }
0x130: {  	v3 =	vld [tilespmem:$0x5A0];
	_ =	sdelay $0x4  }
0x131: {  	v50 =	vshll.u32 v3, $0x1  }
0x132: {  	v3 =	vand.u32 $0x7, v3;
	v4 =	vand.u32 $0xFFFFFFF0, v50  }
0x133: {  	v3 =	vor.u32 v3, v4  }
0x134: {  	v4 =	vperm.xlane v3, v0;
	_ =	sdelay $0x1  }
0x135: {  	v3 =	vperm.xlane v3, v2;
	v4 =	vadd.s32 v1, v4;
	_ =	sdelay $0x1  }
0x136: {  	v3 =	vadd.s32 v1, v3;
	_ =	sdelay $0x2  }
0x137: {  	[tilespmem:s17], [sflag:$0x1] =	stream.indirect_vreg.gather [hbm4b:s6+s4], $0x80, v4, vm0, $0xb8;
	[tilespmem:$0x1C800] =	vst v63  }
0x138: {  	_ = 	snop  }
0x139: {  	[tilespmem:s18], [sflag:$0x1] =	stream.indirect_vreg.gather [hbm4b:s6+s4], $0x80, v3, vm0, $0xb8;
	[tilespmem:$0x1C800] =	vst v63  }
0x13a: {  	v3 =	vld [tilespmem:$0x5B0];
	_ =	sdelay $0x4  }
0x13b: {  	v51 =	vshll.u32 v3, $0x1  }
0x13c: {  	v3 =	vand.u32 $0x7, v3;
	v4 =	vand.u32 $0xFFFFFFF0, v51  }
0x13d: {  	v3 =	vor.u32 v3, v4  }
0x13e: {  	v4 =	vperm.xlane v3, v0;
	_ =	sdelay $0x1  }
0x13f: {  	v3 =	vperm.xlane v3, v2;
	v4 =	vadd.s32 v1, v4;
	_ =	sdelay $0x1  }
0x140: {  	v3 =	vadd.s32 v1, v3;
	_ =	sdelay $0x2  }
0x141: {  	[tilespmem:s19], [sflag:$0x1] =	stream.indirect_vreg.gather [hbm4b:s6+s4], $0x80, v4, vm0, $0xb8;
	[tilespmem:$0x1C800] =	vst v63  }
0x142: {  	_ = 	snop  }
0x143: {  	[tilespmem:s20], [sflag:$0x1] =	stream.indirect_vreg.gather [hbm4b:s6+s4], $0x80, v3, vm0, $0xb8;
	[tilespmem:$0x1C800] =	vst v63  }
0x144: {  	v3 =	vld [tilespmem:$0x5C0];
	_ =	sdelay $0x4  }
0x145: {  	v52 =	vshll.u32 v3, $0x1  }
0x146: {  	v3 =	vand.u32 $0x7, v3;
	v4 =	vand.u32 $0xFFFFFFF0, v52  }
0x147: {  	v3 =	vor.u32 v3, v4  }
0x148: {  	v4 =	vperm.xlane v3, v0;
	_ =	sdelay $0x1  }
0x149: {  	v3 =	vperm.xlane v3, v2;
	v4 =	vadd.s32 v1, v4;
	_ =	sdelay $0x1  }
0x14a: {  	v3 =	vadd.s32 v1, v3;
	_ =	sdelay $0x2  }
0x14b: {  	[tilespmem:s21], [sflag:$0x1] =	stream.indirect_vreg.gather [hbm4b:s6+s4], $0x80, v4, vm0, $0xb8;
	[tilespmem:$0x1C800] =	vst v63  }
0x14c: {  	_ = 	snop  }
0x14d: {  	[tilespmem:s22], [sflag:$0x1] =	stream.indirect_vreg.gather [hbm4b:s6+s4], $0x80, v3, vm0, $0xb8;
	[tilespmem:$0x1C800] =	vst v63  }
0x14e: {  	v3 =	vld [tilespmem:$0x5D0];
	_ =	sdelay $0x4  }
0x14f: {  	v53 =	vshll.u32 v3, $0x1  }
0x150: {  	v3 =	vand.u32 $0x7, v3;
	v4 =	vand.u32 $0xFFFFFFF0, v53  }
0x151: {  	v3 =	vor.u32 v3, v4  }
0x152: {  	v4 =	vperm.xlane v3, v0;
	_ =	sdelay $0x1  }
0x153: {  	v3 =	vperm.xlane v3, v2;
	v4 =	vadd.s32 v1, v4;
	_ =	sdelay $0x1  }
0x154: {  	v3 =	vadd.s32 v1, v3;
	_ =	sdelay $0x2  }
0x155: {  	[tilespmem:s23], [sflag:$0x1] =	stream.indirect_vreg.gather [hbm4b:s6+s4], $0x80, v4, vm0, $0xb8;
	[tilespmem:$0x1C800] =	vst v63  }
0x156: {  	_ = 	snop  }
0x157: {  	[tilespmem:s24], [sflag:$0x1] =	stream.indirect_vreg.gather [hbm4b:s6+s4], $0x80, v3, vm0, $0xb8;
	[tilespmem:$0x1C800] =	vst v63  }
0x158: {  	v3 =	vld [tilespmem:$0x5E0];
	_ =	sdelay $0x4  }
0x159: {  	v54 =	vshll.u32 v3, $0x1  }
0x15a: {  	v3 =	vand.u32 $0x7, v3;
	v4 =	vand.u32 $0xFFFFFFF0, v54  }
0x15b: {  	v3 =	vor.u32 v3, v4  }
0x15c: {  	v4 =	vperm.xlane v3, v0;
	_ =	sdelay $0x1  }
0x15d: {  	v3 =	vperm.xlane v3, v2;
	v4 =	vadd.s32 v1, v4;
	_ =	sdelay $0x1  }
0x15e: {  	v3 =	vadd.s32 v1, v3;
	_ =	sdelay $0x2  }
0x15f: {  	[tilespmem:s25], [sflag:$0x1] =	stream.indirect_vreg.gather [hbm4b:s6+s4], $0x80, v4, vm0, $0xb8;
	[tilespmem:$0x1C800] =	vst v63  }
0x160: {  	_ = 	snop  }
0x161: {  	[tilespmem:s26], [sflag:$0x1] =	stream.indirect_vreg.gather [hbm4b:s6+s4], $0x80, v3, vm0, $0xb8;
	[tilespmem:$0x1C800] =	vst v63  }
0x162: {  	v3 =	vld [tilespmem:$0x5F0];
	_ =	sdelay $0x4  }
0x163: {  	v55 =	vshll.u32 v3, $0x1  }
0x164: {  	v3 =	vand.u32 $0x7, v3;
	v4 =	vand.u32 $0xFFFFFFF0, v55  }
0x165: {  	v3 =	vor.u32 v3, v4  }
0x166: {  	v4 =	vperm.xlane v3, v0;
	_ =	sdelay $0x1  }
0x167: {  	v3 =	vperm.xlane v3, v2;
	v4 =	vadd.s32 v1, v4;
	_ =	sdelay $0x1  }
0x168: {  	v3 =	vadd.s32 v1, v3;
	_ =	sdelay $0x2  }
0x169: {  	[tilespmem:s28], [sflag:$0x1] =	stream.indirect_vreg.gather [hbm4b:s6+s4], $0x80, v4, vm0, $0xb8;
	[tilespmem:$0x1C800] =	vst v63  }
0x16a: {  	_ = 	snop  }
0x16b: {  	[tilespmem:s29], [sflag:$0x1] =	stream.indirect_vreg.gather [hbm4b:s6+s4], $0x80, v3, vm0, $0xb8;
	[tilespmem:$0x1C800] =	vst v63  }
0x16c: {  	_ =	swait.ge [sflag:s12], $0x4000  }
0x16d: {  	[sflag:s12] =	ssyncset.done $0x0  }
0x16e: {  	s30 =	rddreg [dreg:$0x11];
	[sflag:s12] =	ssyncadd.s32 $0xFFFFC000  }
0x16f: {  	[hbm4b:s30+s4] =	stream.linear.scatter [tilespmem:s13], [sflag:$0x2], $0x4000, $0x38;
	[tilespmem:$0x1C800] =	vst v63  }
0x170: {  	_ =	swait.ge [sflag:s31], $0x8000  }
0x171: {  	[sflag:s31] =	ssyncset.done $0x0  }
0x172: {  	[sflag:s31] =	ssyncadd.s32 $0xFFFF8000  }
0x173: {  	_ =	swait.ge [sflag:s31], $0x4000  }
0x174: {  	[sflag:s31] =	ssyncset.done $0x0  }
0x175: {  	s30 =	rddreg [dreg:$0x1e];
	[sflag:s31] =	ssyncadd.s32 $0xFFFFC000  }
0x176: {  	[tilespmem:s10], [sflag:$0x1] =	stream.indirect.gather [hbm4b:s3+s9], $0x80, s30, s9, $0xb8;
	[tilespmem:$0x1C800] =	vst v63  }
0x177: {  	_ =	swait.ge [sflag:s12], $0x8000  }
0x178: {  	[sflag:s12] =	ssyncset.done $0x0  }
0x179: {  	s30 =	rddreg [dreg:$0x12];
	[sflag:s12] =	ssyncadd.s32 $0xFFFF8000  }
0x17a: {  	[hbm4b:s30+s4] =	stream.linear.scatter [tilespmem:s2], [sflag:$0x2], $0x8000, $0x38;
	[tilespmem:$0x1C800] =	vst v63  }
0x17b: {  	_ =	swait.ge [sflag:s31], $0x4000  }
0x17c: {  	[sflag:s31] =	ssyncset.done $0x0  }
0x17d: {  	s3 =	rddreg [dreg:$0x1f];
	[sflag:s31] =	ssyncadd.s32 $0xFFFFC000  }
0x17e: {  	[tilespmem:s11], [sflag:$0x1] =	stream.indirect.gather [hbm4b:s5+s9], $0x80, s3, s9, $0xb8;
	[tilespmem:$0x1C800] =	vst v63  }
0x17f: {  	_ =	swait.ge [sflag:s12], $0x4000  }
0x180: {  	[sflag:s12] =	ssyncset.done $0x0  }
0x181: {  	s30 =	rddreg [dreg:$0x13];
	[sflag:s12] =	ssyncadd.s32 $0xFFFFC000  }
0x182: {  	[hbm4b:s30+s4] =	stream.linear.scatter [tilespmem:s10], [sflag:$0x2], $0x4000, $0x38;
	[tilespmem:$0x1C800] =	vst v63  }
0x183: {  	_ =	swait.ge [sflag:s31], $0x4000  }
0x184: {  	s3 =	sld [smem:$0x7FD]  }
0x185: {  	[sflag:s31] =	ssyncset.done $0x0  }
0x186: {  	[sflag:s31] =	ssyncadd.s32 $0xFFFFC000  }
0x187: {  	[tilespmem:s13], [sflag:$0x1] =	stream.indirect.gather [hbm4b:s14+s9], $0x80, s3, s9, $0xb8;
	[tilespmem:$0x1C800] =	vst v63  }
0x188: {  	_ =	swait.ge [sflag:s12], $0x4000  }
0x189: {  	[sflag:s12] =	ssyncset.done $0x0  }
0x18a: {  	s14 =	rddreg [dreg:$0x14];
	[sflag:s12] =	ssyncadd.s32 $0xFFFFC000  }
0x18b: {  	[hbm4b:s14+s4] =	stream.linear.scatter [tilespmem:s11], [sflag:$0x2], $0x4000, $0x38;
	[tilespmem:$0x1C800] =	vst v63  }
0x18c: {  	v3 =	vld [tilespmem:$0x780];
	_ =	sdelay $0x4  }
0x18d: {  	v56 =	vshll.u32 v3, $0x1  }
0x18e: {  	v3 =	vand.u32 $0x7, v3;
	v4 =	vand.u32 $0xFFFFFFF0, v56  }
0x18f: {  	v3 =	vor.u32 v3, v4  }
0x190: {  	v4 =	vperm.xlane v3, v0;
	_ =	sdelay $0x1  }
0x191: {  	v3 =	vperm.xlane v3, v2;
	v4 =	vadd.s32 v1, v4;
	_ =	sdelay $0x1  }
0x192: {  	v3 =	vadd.s32 v1, v3;
	_ =	sdelay $0x2  }
0x193: {  	[tilespmem:s1], [sflag:$0x1] =	stream.indirect_vreg.gather [hbm4b:s6+s4], $0x80, v4, vm0, $0xb8;
	[tilespmem:$0x1C800] =	vst v63  }
0x194: {  	_ = 	snop  }
0x195: {  	[tilespmem:s8], [sflag:$0x1] =	stream.indirect_vreg.gather [hbm4b:s6+s4], $0x80, v3, vm0, $0xb8;
	[tilespmem:$0x1C800] =	vst v63  }
0x196: {  	v3 =	vld [tilespmem:$0x790];
	_ =	sdelay $0x4  }
0x197: {  	v57 =	vshll.u32 v3, $0x1  }
0x198: {  	v3 =	vand.u32 $0x7, v3;
	v4 =	vand.u32 $0xFFFFFFF0, v57  }
0x199: {  	v3 =	vor.u32 v3, v4  }
0x19a: {  	v4 =	vperm.xlane v3, v0;
	_ =	sdelay $0x1  }
0x19b: {  	v3 =	vperm.xlane v3, v2;
	v4 =	vadd.s32 v1, v4;
	_ =	sdelay $0x1  }
0x19c: {  	v3 =	vadd.s32 v1, v3;
	_ =	sdelay $0x1  }
0x19d: {  	s30 =	simm.s32 $0x15800  }
0x19e: {  	[tilespmem:s30], [sflag:$0x1] =	stream.indirect_vreg.gather [hbm4b:s6+s4], $0x80, v4, vm0, $0xb8;
	[tilespmem:$0x1C800] =	vst v63  }
0x19f: {  	s3 =	simm.s32 $0x16000  }
0x1a0: {  	[tilespmem:s3], [sflag:$0x1] =	stream.indirect_vreg.gather [hbm4b:s6+s4], $0x80, v3, vm0, $0xb8;
	[tilespmem:$0x1C800] =	vst v63  }
0x1a1: {  	v3 =	vld [tilespmem:$0x7A0];
	_ =	sdelay $0x4  }
0x1a2: {  	v58 =	vshll.u32 v3, $0x1  }
0x1a3: {  	v3 =	vand.u32 $0x7, v3;
	v4 =	vand.u32 $0xFFFFFFF0, v58  }
0x1a4: {  	v3 =	vor.u32 v3, v4  }
0x1a5: {  	v4 =	vperm.xlane v3, v0;
	_ =	sdelay $0x1  }
0x1a6: {  	v3 =	vperm.xlane v3, v2;
	v4 =	vadd.s32 v1, v4;
	_ =	sdelay $0x1  }
0x1a7: {  	v3 =	vadd.s32 v1, v3;
	_ =	sdelay $0x1  }
0x1a8: {  	s14 =	simm.s32 $0x16800  }
0x1a9: {  	[tilespmem:s14], [sflag:$0x1] =	stream.indirect_vreg.gather [hbm4b:s6+s4], $0x80, v4, vm0, $0xb8;
	[tilespmem:$0x1C800] =	vst v63  }
0x1aa: {  	s30 =	simm.s32 $0x17000  }
0x1ab: {  	[tilespmem:s30], [sflag:$0x1] =	stream.indirect_vreg.gather [hbm4b:s6+s4], $0x80, v3, vm0, $0xb8;
	[tilespmem:$0x1C800] =	vst v63  }
0x1ac: {  	v3 =	vld [tilespmem:$0x7B0];
	_ =	sdelay $0x4  }
0x1ad: {  	v59 =	vshll.u32 v3, $0x1  }
0x1ae: {  	v3 =	vand.u32 $0x7, v3;
	v4 =	vand.u32 $0xFFFFFFF0, v59  }
0x1af: {  	v3 =	vor.u32 v3, v4  }
0x1b0: {  	v4 =	vperm.xlane v3, v0;
	_ =	sdelay $0x1  }
0x1b1: {  	v3 =	vperm.xlane v3, v2;
	v4 =	vadd.s32 v1, v4;
	_ =	sdelay $0x1  }
0x1b2: {  	v3 =	vadd.s32 v1, v3;
	_ =	sdelay $0x1  }
0x1b3: {  	s3 =	simm.s32 $0x17800  }
0x1b4: {  	[tilespmem:s3], [sflag:$0x1] =	stream.indirect_vreg.gather [hbm4b:s6+s4], $0x80, v4, vm0, $0xb8;
	[tilespmem:$0x1C800] =	vst v63  }
0x1b5: {  	s14 =	simm.s32 $0x18000  }
0x1b6: {  	[tilespmem:s14], [sflag:$0x1] =	stream.indirect_vreg.gather [hbm4b:s6+s4], $0x80, v3, vm0, $0xb8;
	[tilespmem:$0x1C800] =	vst v63  }
0x1b7: {  	v3 =	vld [tilespmem:$0x7C0];
	_ =	sdelay $0x4  }
0x1b8: {  	v60 =	vshll.u32 v3, $0x1  }
0x1b9: {  	v3 =	vand.u32 $0x7, v3;
	v4 =	vand.u32 $0xFFFFFFF0, v60  }
0x1ba: {  	v3 =	vor.u32 v3, v4  }
0x1bb: {  	v4 =	vperm.xlane v3, v0;
	_ =	sdelay $0x1  }
0x1bc: {  	v3 =	vperm.xlane v3, v2;
	v4 =	vadd.s32 v1, v4;
	_ =	sdelay $0x1  }
0x1bd: {  	v3 =	vadd.s32 v1, v3;
	_ =	sdelay $0x1  }
0x1be: {  	s30 =	simm.s32 $0x18800  }
0x1bf: {  	[tilespmem:s30], [sflag:$0x1] =	stream.indirect_vreg.gather [hbm4b:s6+s4], $0x80, v4, vm0, $0xb8;
	[tilespmem:$0x1C800] =	vst v63  }
0x1c0: {  	s3 =	simm.s32 $0x19000  }
0x1c1: {  	[tilespmem:s3], [sflag:$0x1] =	stream.indirect_vreg.gather [hbm4b:s6+s4], $0x80, v3, vm0, $0xb8;
	[tilespmem:$0x1C800] =	vst v63  }
0x1c2: {  	v3 =	vld [tilespmem:$0x7D0];
	_ =	sdelay $0x4  }
0x1c3: {  	v61 =	vshll.u32 v3, $0x1  }
0x1c4: {  	v3 =	vand.u32 $0x7, v3;
	v4 =	vand.u32 $0xFFFFFFF0, v61  }
0x1c5: {  	v3 =	vor.u32 v3, v4  }
0x1c6: {  	v4 =	vperm.xlane v3, v0;
	_ =	sdelay $0x1  }
0x1c7: {  	v3 =	vperm.xlane v3, v2;
	v4 =	vadd.s32 v1, v4;
	_ =	sdelay $0x1  }
0x1c8: {  	v3 =	vadd.s32 v1, v3;
	_ =	sdelay $0x1  }
0x1c9: {  	s14 =	simm.s32 $0x19800  }
0x1ca: {  	[tilespmem:s14], [sflag:$0x1] =	stream.indirect_vreg.gather [hbm4b:s6+s4], $0x80, v4, vm0, $0xb8;
	[tilespmem:$0x1C800] =	vst v63  }
0x1cb: {  	s30 =	simm.s32 $0x1A000  }
0x1cc: {  	[tilespmem:s30], [sflag:$0x1] =	stream.indirect_vreg.gather [hbm4b:s6+s4], $0x80, v3, vm0, $0xb8;
	[tilespmem:$0x1C800] =	vst v63  }
0x1cd: {  	v3 =	vld [tilespmem:$0x7E0];
	_ =	sdelay $0x4  }
0x1ce: {  	v62 =	vshll.u32 v3, $0x1  }
0x1cf: {  	v3 =	vand.u32 $0x7, v3;
	v4 =	vand.u32 $0xFFFFFFF0, v62  }
0x1d0: {  	v3 =	vor.u32 v3, v4  }
0x1d1: {  	v4 =	vperm.xlane v3, v0;
	_ =	sdelay $0x1  }
0x1d2: {  	v3 =	vperm.xlane v3, v2;
	v4 =	vadd.s32 v1, v4;
	_ =	sdelay $0x1  }
0x1d3: {  	v3 =	vadd.s32 v1, v3;
	_ =	sdelay $0x1  }
0x1d4: {  	s3 =	simm.s32 $0x1A800  }
0x1d5: {  	[tilespmem:s3], [sflag:$0x1] =	stream.indirect_vreg.gather [hbm4b:s6+s4], $0x80, v4, vm0, $0xb8;
	[tilespmem:$0x1C800] =	vst v63  }
0x1d6: {  	s14 =	simm.s32 $0x1B000  }
0x1d7: {  	[tilespmem:s14], [sflag:$0x1] =	stream.indirect_vreg.gather [hbm4b:s6+s4], $0x80, v3, vm0, $0xb8;
	[tilespmem:$0x1C800] =	vst v63  }
0x1d8: {  	v3 =	vld [tilespmem:$0x7F0];
	_ =	sdelay $0x4  }
0x1d9: {  	v63 =	vshll.u32 v3, $0x1  }
0x1da: {  	v3 =	vand.u32 $0x7, v3;
	v4 =	vand.u32 $0xFFFFFFF0, v63  }
0x1db: {  	v3 =	vor.u32 v3, v4  }
0x1dc: {  	v4 =	vperm.xlane v3, v0;
	_ =	sdelay $0x1  }
0x1dd: {  	v3 =	vperm.xlane v3, v2;
	v4 =	vadd.s32 v1, v4;
	_ =	sdelay $0x1  }
0x1de: {  	v3 =	vadd.s32 v1, v3;
	_ =	sdelay $0x1  }
0x1df: {  	s30 =	simm.s32 $0x1B800  }
0x1e0: {  	[tilespmem:s30], [sflag:$0x1] =	stream.indirect_vreg.gather [hbm4b:s6+s4], $0x80, v4, vm0, $0xb8;
	[tilespmem:$0x1C800] =	vst v63  }
0x1e1: {  	s3 =	simm.s32 $0x1C000  }
0x1e2: {  	[tilespmem:s3], [sflag:$0x1] =	stream.indirect_vreg.gather [hbm4b:s6+s4], $0x80, v3, vm0, $0xb8;
	[tilespmem:$0x1C800] =	vst v63  }
0x1e3: {  	_ =	swait.ge [sflag:s12], $0x4000  }
0x1e4: {  	[sflag:s12] =	ssyncset.done $0x0  }
0x1e5: {  	s14 =	rddreg [dreg:$0x15];
	[sflag:s12] =	ssyncadd.s32 $0xFFFFC000  }
0x1e6: {  	[hbm4b:s14+s4] =	stream.linear.scatter [tilespmem:s13], [sflag:$0x2], $0x4000, $0x38;
	[tilespmem:$0x1C800] =	vst v63  }
0x1e7: {  	_ =	swait.ge [sflag:s12], $0x8000  }
0x1e8: {  	[sflag:s12] =	ssyncset.done $0x0  }
0x1e9: {  	s30 =	rddreg [dreg:$0x16];
	[sflag:s12] =	ssyncadd.s32 $0xFFFF8000  }
0x1ea: {  	[hbm4b:s30+s4] =	stream.linear.scatter [tilespmem:s1], [sflag:$0x2], $0x8000, $0x38;
	[tilespmem:$0x1C800] =	vst v63  }
0x1eb: {  	_ =	swait.ge [sflag:s31], $0x8000  }
0x1ec: {  	[sflag:s31] =	ssyncset.done $0x0  }
0x1ed: {  	[sflag:s31] =	ssyncadd.s32 $0xFFFF8000  }
0x1ee: {  	_ =	swait.ge [sflag:s31], $0x4000  }
0x1ef: {  	[sflag:s31] =	ssyncset.done $0x0  }
0x1f0: {  	[sflag:s31] =	ssyncadd.s32 $0xFFFFC000  }
0x1f1: {  	_ =	swait.ge [sflag:s31], $0x4000  }
0x1f2: {  	[sflag:s31] =	ssyncset.done $0x0  }
0x1f3: {  	[sflag:s31] =	ssyncadd.s32 $0xFFFFC000  }
0x1f4: {  	p0 =	sne.s32 s7, $0x1;
	_ =	swait.ge [sflag:s31], $0x4000  }
.Ltmp0:
0x1f5: {  	[sflag:s31] =	ssyncset.done $0x0;
	(pc) =	sbr.rel @p0 .LBB2_1-.Ltmp0, $4  }
0x1f6: {  	[sflag:s31] =	ssyncadd.s32 $0xFFFFC000  }
0x1f7: {  	_ =	swait.ge [sflag:s31], $0x8000  }
0x1f8: {  	[sflag:s31] =	ssyncset.done $0x0  }
0x1f9: {  	s7 =	sadd.s32 $0xFFFFFFFF, s7;
	[sflag:s31] =	ssyncadd.s32 $0xFFFF8000  }
0x1fa: {  	_ =	sfence.sel $0x180000  }
0x1fb: {  	[bflag:$0x0] =	sbarrier.arrive $0xFFFF  }
0x1fc: {  	_ =	strace $0x90000047  }
0x1fd: {  	s0 =	stileid.u32;
	[bflag:$0x2] =	sbarrier.arrive $0xFFFF  }
0x1fe: {  	p0 =	sne.s32 s0, $0x0;
	s0 =	rddreg [dreg:$0x5]  }
0x1ff: {  	s0 =	sadd.s32 @!p0 $0x100000, s0  }
0x200: {  	[sflag:s0] =	ssyncadd.tile.s32 @!p0 $0x1;
	_ =	shalt  }
.Lfunc_end2:
_tile_overlayer_lowered:
.L_overlay_start_2:
0x201: {  	(tag) =	ssettag $0x2  }
0x202: {  	s0 =	rddreg [dreg:$0x0];
	s2 =	stileid.u32  }
0x203: {  	s1 =	rddreg [dreg:$0x1];
	p0 =	sne.s32 s2, $0x0  }
0x204: {  	s3 =	rddreg [dreg:$0x2];
	[bflag:$0x3] =	sbarrier.arrive $0xFFFF;
	s2 =	simm.s32 @!p0 $0x1C03  }
0x205: {  	[timem:s3], [sflag:s2] =	dma.local @!p0 [hbm:s0], s1  }
0x206: {  	s0 =	simm.s32 @!p0 $0x3  }
0x207: {  	_ =	swait.ge @!p0 [sflag:s0], s1  }
0x208: {  	s1 =	ssub.s32 @!p0 $0x0, s1;
	[sflag:s0] =	ssyncset.done @!p0 $0x0  }
0x209: {  	[sflag:s0] =	ssyncadd.s32 @!p0 s1  }
0x20a: {  	[bflag:$0x3] =	sbarrier.arrive $0xFFFF  }
0x20b: {  	_ =	shalt  }

</sc_bundles>
